<compile_context>
chip_gen: v7x
topology: tpu7x:2x2x1
jax: 0.10.2.dev20260603
libtpu: 0.0.44.dev20260713+nightly
codegen_flags: <defaults>
</compile_context>

<pallas_src>
import functools

import jax
import jax.numpy as jnp
from jax import lax
from jax.experimental import pallas as pl
from jax.experimental.pallas import tpu as pltpu
from jax.experimental.pallas import tpu_sc as plsc

N = 10000
D = 128
H = 64
E = 320000

NC = 2
NS = 16
CH = 128
KB = 1
EPT = 20480
NCH = EPT // CH
NAC = 10048
TPT = NAC // NS
SR = max(TPT, KB * CH)
NCC = NAC + 16

_f32 = jnp.float32



def _sc_agg_body(pa, pb, sa_h, da_h, sb_h, db_h,
                 out_a, out_b,
                 srcv, dstv, acc, rows):
    cid = lax.axis_index("c")
    sid = lax.axis_index("s")

    def _zrow(i, _):
        for j in range(H // 16):
            rows[i, pl.ds(j * 16, 16)] = jnp.zeros((16,), _f32)
        return 0

    lax.fori_loop(0, TPT, _zrow, 0)
    pltpu.sync_copy(rows.at[pl.ds(0, TPT)], acc.at[pl.ds(sid * TPT, TPT)])
    plsc.subcore_barrier()

    def _do_type(p_hbm, s_hbm, d_hbm):
        pltpu.sync_copy(s_hbm.at[sid], srcv)
        pltpu.sync_copy(d_hbm.at[sid], dstv)

        def _step(j, _):
            pltpu.sync_copy(p_hbm.at[srcv.at[j]], rows.at[pl.ds(0, KB * CH)])
            for b in range(KB):
                pltpu.sync_copy(rows.at[pl.ds(b * CH, CH)],
                                acc.at[dstv.at[j * KB + b]], add=True)
            return 0

        lax.fori_loop(0, NCH // KB, _step, 0)

    @pl.when(cid == 0)
    def _():
        _do_type(pa, sa_h, da_h)

    @pl.when(cid == 1)
    def _():
        _do_type(pb, sb_h, db_h)

    plsc.subcore_barrier()

    pltpu.sync_copy(acc.at[pl.ds(sid * TPT, TPT)], rows.at[pl.ds(0, TPT)])

    @pl.when(cid == 0)
    def _():
        pltpu.sync_copy(rows.at[pl.ds(0, TPT)], out_a.at[pl.ds(sid * TPT, TPT)])

    @pl.when(cid == 1)
    def _():
        pltpu.sync_copy(rows.at[pl.ds(0, TPT)], out_b.at[pl.ds(sid * TPT, TPT)])


_SC_MESH = plsc.VectorSubcoreMesh(
    core_axis_name="c", subcore_axis_name="s", num_cores=NC, num_subcores=NS)

_sc_agg = pl.kernel(
    _sc_agg_body,
    out_type=[
        jax.ShapeDtypeStruct((NAC, H), _f32),
        jax.ShapeDtypeStruct((NAC, H), _f32),
    ],
    mesh=_SC_MESH,
    scratch_types=[
        pltpu.VMEM((NCH // KB, KB * CH), jnp.int32),
        pltpu.VMEM((NCH, CH), jnp.int32),
        pltpu.VMEM_SHARED((NAC, H), _f32),
        pltpu.VMEM((SR, H), _f32),
    ],
    compiler_params=pltpu.CompilerParams(use_tc_tiling_on_sc=False),
    name="sc_edge_agg",
)



def _lrelu(x):
    return jnp.where(x >= 0, x, 0.01 * x)


def _bn(x, g, b):
    mu = jnp.mean(x, axis=0, keepdims=True)
    var = jnp.mean((x - mu) * (x - mu), axis=0, keepdims=True)
    return (x - mu) * lax.rsqrt(var + 1e-5) * g + b


def _tc_pre_body(xu, xi, wlu, wli, wru, wri, blu, bli, pu, pi, ru, ri):
    pu[:] = jnp.dot(xu[:], wlu[:], preferred_element_type=_f32)
    pi[:] = jnp.dot(xi[:], wli[:], preferred_element_type=_f32)
    ri[:] = jnp.dot(xi[:], wru[:], preferred_element_type=_f32) + blu[:]
    ru[:] = jnp.dot(xu[:], wri[:], preferred_element_type=_f32) + bli[:]


_tc_pre = pl.pallas_call(
    _tc_pre_body,
    out_shape=[jax.ShapeDtypeStruct((N, H), _f32)] * 4,
)


BLK = 1000


def _tc_stats_body(hu, hi, sa, sb, ca, cb, ru1, ri1, alpha,
                   cWr_u2i, cWr_i2u, cbl_u2i, cbl_i2u,
                   tu_out, ti_out, su_u, sq_u, su_i, sq_i):
    i = pl.program_id(0)
    a = alpha[0, 0]

    def one(h, s, c, r1, Wr, bl, t_out, sum_out, sq_out):
        r = a * r1[:] + (1.0 - a) * (
            jnp.dot(h[:], Wr[:], preferred_element_type=_f32) + bl[:])
        t = s[:] / jnp.maximum(c[:], 1.0) + r
        t_out[:] = t
        ps = jnp.sum(t, axis=0, keepdims=True)
        pq = jnp.sum(t * t, axis=0, keepdims=True)

        @pl.when(i == 0)
        def _():
            sum_out[:] = ps
            sq_out[:] = pq

        @pl.when(i > 0)
        def _():
            sum_out[:] = sum_out[:] + ps
            sq_out[:] = sq_out[:] + pq

    one(hi, sa, ca, ri1, cWr_u2i, cbl_u2i, ti_out, su_i, sq_i)
    one(hu, sb, cb, ru1, cWr_i2u, cbl_i2u, tu_out, su_u, sq_u)


_ROW = pl.BlockSpec((BLK, H), lambda i: (i, 0))
_ROW1 = pl.BlockSpec((BLK, 1), lambda i: (i, 0))
_ONE = pl.BlockSpec((1, 1), lambda i: (0, 0))
_W = pl.BlockSpec((H, H), lambda i: (0, 0))
_B = pl.BlockSpec((1, H), lambda i: (0, 0))

_tc_stats = pl.pallas_call(
    _tc_stats_body,
    grid=(N // BLK,),
    in_specs=[_ROW, _ROW, _ROW, _ROW, _ROW1, _ROW1, _ROW, _ROW,
              _ONE, _W, _W, _B, _B],
    out_specs=[_ROW, _ROW, _B, _B, _B, _B],
    out_shape=[
        jax.ShapeDtypeStruct((N, H), _f32),
        jax.ShapeDtypeStruct((N, H), _f32),
        jax.ShapeDtypeStruct((1, H), _f32),
        jax.ShapeDtypeStruct((1, H), _f32),
        jax.ShapeDtypeStruct((1, H), _f32),
        jax.ShapeDtypeStruct((1, H), _f32),
    ],
)


def _tc_norm_body(tu, ti, su_u, sq_u, su_i, sq_i, hu, hi, res,
                  g_u, b_u, g_i, b_i, nWl_u2i, nWl_i2u,
                  hu_out, hi_out, pu_out, pi_out):
    rn = 1.0 / N

    def one(t, su, sq, g, b, h):
        mu = su[:] * rn
        var = sq[:] * rn - mu * mu
        o = (t[:] - mu) * lax.rsqrt(var + 1e-5) * g[:] + b[:]
        return _lrelu(o) + res[0, 0] * h[:]

    o_u = one(tu, su_u, sq_u, g_u, b_u, hu)
    o_i = one(ti, su_i, sq_i, g_i, b_i, hi)
    hu_out[:] = o_u
    hi_out[:] = o_i
    pu_out[:] = jnp.dot(o_u, nWl_u2i[:], preferred_element_type=_f32)
    pi_out[:] = jnp.dot(o_i, nWl_i2u[:], preferred_element_type=_f32)


_tc_norm = pl.pallas_call(
    _tc_norm_body,
    grid=(N // BLK,),
    in_specs=[_ROW, _ROW, _B, _B, _B, _B, _ROW, _ROW,
              _ONE, _B, _B, _B, _B, _W, _W],
    out_specs=[_ROW, _ROW, _ROW, _ROW],
    out_shape=[jax.ShapeDtypeStruct((N, H), _f32)] * 4,
)


def _tc_post_body(hu, hi,
                  uW1, ub1, ug, ub, uW2, ub2,
                  iW1, ib1, ig, ib, iW2, ib2,
                  out_u, out_i):
    def _post(x, W1, b1, g, b, W2, b2):
        x = jnp.dot(x[:], W1[:], preferred_element_type=_f32) + b1[:]
        x = _lrelu(_bn(x, g[:], b[:]))
        return jnp.dot(x, W2[:], preferred_element_type=_f32) + b2[:]

    out_u[:] = _post(hu, uW1, ub1, ug, ub, uW2, ub2)
    out_i[:] = _post(hi, iW1, ib1, ig, ib, iW2, ib2)


_tc_post = pl.pallas_call(
    _tc_post_body,
    out_shape=[
        jax.ShapeDtypeStruct((N, H), _f32),
        jax.ShapeDtypeStruct((N, H), _f32),
    ],
)



def _prep_edges(ei):
    pad = NS * EPT - E
    src = jnp.concatenate([ei[0], jnp.zeros((pad,), jnp.int32)])
    dst = jnp.concatenate([ei[1], jnp.full((pad,), N, jnp.int32)])
    return src.reshape(NS, NCH // KB, KB * CH), dst.reshape(NS, NCH, CH)


def kernel(x_user, x_item, edge_index_user_to_item, edge_index_item_to_user, l1_u2i_Wl, l1_u2i_bl, l1_u2i_Wr, l1_i2u_Wl, l1_i2u_bl, l1_i2u_Wr, l1_bn_user_g, l1_bn_user_b, l1_bn_item_g, l1_bn_item_b, l2_u2i_Wl, l2_u2i_bl, l2_u2i_Wr, l2_i2u_Wl, l2_i2u_bl, l2_i2u_Wr, l2_bn_user_g, l2_bn_user_b, l2_bn_item_g, l2_bn_item_b, l3_u2i_Wl, l3_u2i_bl, l3_u2i_Wr, l3_i2u_Wl, l3_i2u_bl, l3_i2u_Wr, l3_bn_user_g, l3_bn_user_b, l3_bn_item_g, l3_bn_item_b, post_user_W1, post_user_b1, post_user_bn_g, post_user_bn_b, post_user_W2, post_user_b2, post_item_W1, post_item_b1, post_item_bn_g, post_item_bn_b, post_item_W2, post_item_b2):
    r2 = lambda v: v.reshape(1, H)
    sa_h, da_h = _prep_edges(edge_index_user_to_item)
    sb_h, db_h = _prep_edges(edge_index_item_to_user)

    pu1, pi1, ru1, ri1 = _tc_pre(x_user, x_item, l1_u2i_Wl, l1_i2u_Wl,
                                 l1_u2i_Wr, l1_i2u_Wr,
                                 r2(l1_u2i_bl), r2(l1_i2u_bl))
    ones_p = jnp.ones((N, H), _f32)

    one11 = jnp.ones((1, 1), _f32)
    zero11 = jnp.zeros((1, 1), _f32)
    zero_h = jnp.zeros((N, H), _f32)

    zsrc = jnp.zeros((NS, NCH // KB, KB * CH), jnp.int32)
    ca64, cb64 = _sc_agg(ones_p, ones_p, zsrc, da_h, zsrc, db_h)
    ca = ca64[:N, 0:1]
    cb = cb64[:N, 0:1]

    sa, sb = _sc_agg(pu1, pi1, sa_h, da_h, sb_h, db_h)
    tu, ti, su_u, sq_u, su_i, sq_i = _tc_stats(
        zero_h, zero_h, sa[:N], sb[:N], ca, cb, ru1, ri1, one11,
        l2_u2i_Wr, l2_i2u_Wr, r2(l2_u2i_bl), r2(l2_i2u_bl))
    hu, hi, pu, pi = _tc_norm(
        tu, ti, su_u, sq_u, su_i, sq_i, zero_h, zero_h, zero11,
        r2(l1_bn_user_g), r2(l1_bn_user_b), r2(l1_bn_item_g), r2(l1_bn_item_b),
        l2_u2i_Wl, l2_i2u_Wl)

    xs = (
        jnp.stack([l2_u2i_Wr, l3_u2i_Wr]),
        jnp.stack([l2_i2u_Wr, l3_i2u_Wr]),
        jnp.stack([r2(l2_u2i_bl), r2(l3_u2i_bl)]),
        jnp.stack([r2(l2_i2u_bl), r2(l3_i2u_bl)]),
        jnp.stack([r2(l2_bn_user_g), r2(l3_bn_user_g)]),
        jnp.stack([r2(l2_bn_user_b), r2(l3_bn_user_b)]),
        jnp.stack([r2(l2_bn_item_g), r2(l3_bn_item_g)]),
        jnp.stack([r2(l2_bn_item_b), r2(l3_bn_item_b)]),
        jnp.stack([l3_u2i_Wl, l3_u2i_Wl]),
        jnp.stack([l3_i2u_Wl, l3_i2u_Wl]),
    )

    def _layer(carry, x):
        hu, hi, pu, pi = carry
        (cWru, cWri, cblu, cbli, gu, bu, gi, bi, nWlu, nWli) = x
        sa, sb = _sc_agg(pu, pi, sa_h, da_h, sb_h, db_h)
        tu, ti, su_u, sq_u, su_i, sq_i = _tc_stats(
            hu, hi, sa[:N], sb[:N], ca, cb, ru1, ri1, zero11,
            cWru, cWri, cblu, cbli)
        hu, hi, pu, pi = _tc_norm(
            tu, ti, su_u, sq_u, su_i, sq_i, hu, hi, one11,
            gu, bu, gi, bi, nWlu, nWli)
        return (hu, hi, pu, pi), None

    (hu, hi, _, _), _ = lax.scan(_layer, (hu, hi, pu, pi), xs)

    out_u, out_i = _tc_post(
        hu, hi,
        post_user_W1, r2(post_user_b1), r2(post_user_bn_g), r2(post_user_bn_b),
        post_user_W2, r2(post_user_b2),
        post_item_W1, r2(post_item_b1), r2(post_item_bn_g), r2(post_item_bn_b),
        post_item_W2, r2(post_item_b2))
    return out_u, out_i

# --- scband reference (transcript-rebuilt; emitter-appended) ---
"""Pipeline reference for scband-encoder-58136677318977 (READ-ONLY COPY).

The authoritative reference and input builder live on the scoring server;
editing this copy changes nothing except your own understanding.
"""

import jax, jax.numpy as jnp
import numpy as np

N = 10000
D = 128
H = 64
E = 320000


def setup_inputs(seed: int = 0) -> dict:
    key = jax.random.key(seed)
    c = [0]

    def nk():
        c[0] += 1
        return jax.random.fold_in(key, c[0])

    d = {}
    d["x_user"] = jax.random.normal(nk(), (N, D), dtype=jnp.float32)
    d["x_item"] = jax.random.normal(nk(), (N, D), dtype=jnp.float32)
    d["edge_index_user_to_item"] = jax.random.randint(nk(), (2, E), 0, N, dtype=jnp.int32)
    d["edge_index_item_to_user"] = jax.random.randint(nk(), (2, E), 0, N, dtype=jnp.int32)
    for k in (1, 2, 3):
        din = D if k == 1 else H
        s = 1.0 / np.sqrt(din)
        for et in ("u2i", "i2u"):
            d[f"l{k}_{et}_Wl"] = jax.random.normal(nk(), (din, H), dtype=jnp.float32) * s
            d[f"l{k}_{et}_bl"] = jnp.zeros((H,), dtype=jnp.float32)
            d[f"l{k}_{et}_Wr"] = jax.random.normal(nk(), (din, H), dtype=jnp.float32) * s
        for nt in ("user", "item"):
            d[f"l{k}_bn_{nt}_g"] = jnp.ones((H,), dtype=jnp.float32)
            d[f"l{k}_bn_{nt}_b"] = jnp.zeros((H,), dtype=jnp.float32)
    s = 1.0 / np.sqrt(H)
    for nt in ("user", "item"):
        d[f"post_{nt}_W1"] = jax.random.normal(nk(), (H, H), dtype=jnp.float32) * s
        d[f"post_{nt}_b1"] = jnp.zeros((H,), dtype=jnp.float32)
        d[f"post_{nt}_bn_g"] = jnp.ones((H,), dtype=jnp.float32)
        d[f"post_{nt}_bn_b"] = jnp.zeros((H,), dtype=jnp.float32)
        d[f"post_{nt}_W2"] = jax.random.normal(nk(), (H, H), dtype=jnp.float32) * s
        d[f"post_{nt}_b2"] = jnp.zeros((H,), dtype=jnp.float32)
    return d


def _bn(x, g, b):
    mu = jnp.mean(x, axis=0)
    var = jnp.var(x, axis=0)
    return (x - mu) / jnp.sqrt(var + 1e-5) * g + b


def _lrelu(x):
    return jnp.where(x >= 0, x, 0.01 * x)


def _sage(x_src, x_dst, ei, Wl, bl, Wr):
    # PyG SAGEConv(aggr='mean'): out = lin_l(mean_j x_j) + lin_r(x_i)
    n = x_dst.shape[0]
    msgs = x_src[ei[0]]
    ssum = jax.ops.segment_sum(msgs, ei[1], num_segments=n)
    cnt = jax.ops.segment_sum(jnp.ones((ei.shape[1],), jnp.float32), ei[1], num_segments=n)
    agg = ssum / jnp.clip(cnt, 1.0)[:, None]
    return agg @ Wl + bl + x_dst @ Wr


def _forward(p, ei_u2i, ei_i2u):
    h_u = p["x_user"]
    h_i = p["x_item"]
    # 3 hetero GraphBlocks (to_hetero: one SAGEConv per edge type, one BN per node type)
    for k, res in ((1, False), (2, True), (3, True)):
        o_i = _sage(h_u, h_i, ei_u2i, p[f"l{k}_u2i_Wl"], p[f"l{k}_u2i_bl"], p[f"l{k}_u2i_Wr"])
        o_u = _sage(h_i, h_u, ei_i2u, p[f"l{k}_i2u_Wl"], p[f"l{k}_i2u_bl"], p[f"l{k}_i2u_Wr"])
        o_u = _lrelu(_bn(o_u, p[f"l{k}_bn_user_g"], p[f"l{k}_bn_user_b"]))
        o_i = _lrelu(_bn(o_i, p[f"l{k}_bn_item_g"], p[f"l{k}_bn_item_b"]))
        if res:
            o_u = o_u + h_u
            o_i = o_i + h_i
        h_u, h_i = o_u, o_i

    def post(x, nt):
        x = x @ p[f"post_{nt}_W1"] + p[f"post_{nt}_b1"]
        x = _lrelu(_bn(x, p[f"post_{nt}_bn_g"], p[f"post_{nt}_bn_b"]))
        return x @ p[f"post_{nt}_W2"] + p[f"post_{nt}_b2"]

    return post(h_u, "user"), post(h_i, "item")


def reference(
    x_user,
    x_item,
    edge_index_user_to_item,
    edge_index_item_to_user,
    l1_u2i_Wl,
    l1_u2i_bl,
    l1_u2i_Wr,
    l1_i2u_Wl,
    l1_i2u_bl,
    l1_i2u_Wr,
    l1_bn_user_g,
    l1_bn_user_b,
    l1_bn_item_g,
    l1_bn_item_b,
    l2_u2i_Wl,
    l2_u2i_bl,
    l2_u2i_Wr,
    l2_i2u_Wl,
    l2_i2u_bl,
    l2_i2u_Wr,
    l2_bn_user_g,
    l2_bn_user_b,
    l2_bn_item_g,
    l2_bn_item_b,
    l3_u2i_Wl,
    l3_u2i_bl,
    l3_u2i_Wr,
    l3_i2u_Wl,
    l3_i2u_bl,
    l3_i2u_Wr,
    l3_bn_user_g,
    l3_bn_user_b,
    l3_bn_item_g,
    l3_bn_item_b,
    post_user_W1,
    post_user_b1,
    post_user_bn_g,
    post_user_bn_b,
    post_user_W2,
    post_user_b2,
    post_item_W1,
    post_item_b1,
    post_item_bn_g,
    post_item_bn_b,
    post_item_W2,
    post_item_b2,
):
    kw = dict(locals())
    ei1 = kw.pop("edge_index_user_to_item")
    ei2 = kw.pop("edge_index_item_to_user")
    return _forward(kw, ei1, ei2)

if __name__ == "__main__":
    import jax
    _d = setup_inputs()
    print(jax.jit(kernel)(*tuple(_d.values())))

</pallas_src>

<mosaic_0001>
#map = affine_map<(d0, d1) -> (0, 0)>
#map1 = affine_map<(d0, d1) -> (0, 0, 0)>
module attributes {stable_mosaic.version = 14 : i64} {
  func.func @sc_edge_agg(%arg0: i32, %arg1: i32, %arg2: memref<10000x64xf32, #tpu.memory_space<hbm>>, %arg3: memref<10000x64xf32, #tpu.memory_space<hbm>>, %arg4: memref<16x160x128xi32, #tpu.memory_space<hbm>>, %arg5: memref<16x160x128xi32, #tpu.memory_space<hbm>>, %arg6: memref<16x160x128xi32, #tpu.memory_space<hbm>>, %arg7: memref<16x160x128xi32, #tpu.memory_space<hbm>>, %arg8: memref<10048x64xf32, #tpu.memory_space<hbm>>, %arg9: memref<10048x64xf32, #tpu.memory_space<hbm>>, %arg10: memref<160x128xi32, #tpu.memory_space<vmem>>, %arg11: memref<160x128xi32, #tpu.memory_space<vmem>>, %arg12: memref<10048x64xf32, #tpu.memory_space<vmem_shared>>, %arg13: memref<628x64xf32, #tpu.memory_space<vmem>>) attributes {dimension_semantics = [#tpu.dimension_semantics<core_parallel>, #tpu.dimension_semantics<subcore_parallel>], iteration_bounds = array<i64: 2, 16>, scalar_prefetch = 0 : i64, scratch_operands = 4 : i64, tpu.core_type = #tpu.core_type<sc_vector_subcore>, window_params = [{transform_indices = #map}, {transform_indices = #map}, {transform_indices = #map1}, {transform_indices = #map1}, {transform_indices = #map1}, {transform_indices = #map1}, {transform_indices = #map}, {transform_indices = #map}]} {
    %scan3A = arith.constant 0 : i32
    %scan3A_0 = arith.constant 0 : i32
    %scan3A_1 = arith.constant 628 : i32
    %scan3A_2 = arith.addi %scan3A_0, %scan3A_1 : i32
    %scan3A_3 = arith.constant 1 : i32
    %scan3A_4 = scf.for %scan3A_27 = %scan3A_0 to %scan3A_2 step %scan3A_3 iter_args(%scan3A_28 = %scan3A) -> (i32)  : i32 {
      %broadcast_in_dim3A = arith.constant 0.000000e+00 : f32
      %broadcast_in_dim3A_29 = vector.broadcast %broadcast_in_dim3A : f32 to vector<16xf32>
      %swap3A = arith.index_cast %scan3A_27 : i32 to index
      %swap3A_30 = arith.constant 0 : index
      %swap3A_31 = tpu.vector_load %arg13[%swap3A, %swap3A_30] {strides = array<i32>} : memref<628x64xf32, #tpu.memory_space<vmem>>, vector<1x16xf32>,
      %swap3A_32 = vector.shape_cast %swap3A_31 : vector<1x16xf32> to vector<16xf32>
      %swap3A_33 = vector.shape_cast %broadcast_in_dim3A_29 : vector<16xf32> to vector<1x16xf32>
      tpu.vector_store %arg13[%swap3A, %swap3A_30], %swap3A_33 {strides = array<i32>} : memref<628x64xf32, #tpu.memory_space<vmem>>, vector<1x16xf32>,
      %broadcast_in_dim3A_34 = arith.constant 0.000000e+00 : f32
      %broadcast_in_dim3A_35 = vector.broadcast %broadcast_in_dim3A_34 : f32 to vector<16xf32>
      %swap3A_36 = arith.index_cast %scan3A_27 : i32 to index
      %swap3A_37 = arith.constant 16 : index
      %swap3A_38 = tpu.vector_load %arg13[%swap3A_36, %swap3A_37] {strides = array<i32>} : memref<628x64xf32, #tpu.memory_space<vmem>>, vector<1x16xf32>,
      %swap3A_39 = vector.shape_cast %swap3A_38 : vector<1x16xf32> to vector<16xf32>
      %swap3A_40 = vector.shape_cast %broadcast_in_dim3A_35 : vector<16xf32> to vector<1x16xf32>
      tpu.vector_store %arg13[%swap3A_36, %swap3A_37], %swap3A_40 {strides = array<i32>} : memref<628x64xf32, #tpu.memory_space<vmem>>, vector<1x16xf32>,
      %broadcast_in_dim3A_41 = arith.constant 0.000000e+00 : f32
      %broadcast_in_dim3A_42 = vector.broadcast %broadcast_in_dim3A_41 : f32 to vector<16xf32>
      %swap3A_43 = arith.index_cast %scan3A_27 : i32 to index
      %swap3A_44 = arith.constant 32 : index
      %swap3A_45 = tpu.vector_load %arg13[%swap3A_43, %swap3A_44] {strides = array<i32>} : memref<628x64xf32, #tpu.memory_space<vmem>>, vector<1x16xf32>,
      %swap3A_46 = vector.shape_cast %swap3A_45 : vector<1x16xf32> to vector<16xf32>
      %swap3A_47 = vector.shape_cast %broadcast_in_dim3A_42 : vector<16xf32> to vector<1x16xf32>
      tpu.vector_store %arg13[%swap3A_43, %swap3A_44], %swap3A_47 {strides = array<i32>} : memref<628x64xf32, #tpu.memory_space<vmem>>, vector<1x16xf32>,
      %broadcast_in_dim3A_48 = arith.constant 0.000000e+00 : f32
      %broadcast_in_dim3A_49 = vector.broadcast %broadcast_in_dim3A_48 : f32 to vector<16xf32>
      %swap3A_50 = arith.index_cast %scan3A_27 : i32 to index
      %swap3A_51 = arith.constant 48 : index
      %swap3A_52 = tpu.vector_load %arg13[%swap3A_50, %swap3A_51] {strides = array<i32>} : memref<628x64xf32, #tpu.memory_space<vmem>>, vector<1x16xf32>,
      %swap3A_53 = vector.shape_cast %swap3A_52 : vector<1x16xf32> to vector<16xf32>
      %swap3A_54 = vector.shape_cast %broadcast_in_dim3A_49 : vector<16xf32> to vector<1x16xf32>
      tpu.vector_store %arg13[%swap3A_50, %swap3A_51], %swap3A_54 {strides = array<i32>} : memref<628x64xf32, #tpu.memory_space<vmem>>, vector<1x16xf32>,
      %scan3A_55 = arith.constant 0 : i32
      scf.yield %scan3A_55 : i32
    }
    %scan3A_5 = arith.constant 628 : i32
    %mul3A = arith.constant 628 : i32
    %mul3A_6 = arith.muli %arg1, %mul3A : i32
    "tpu.region"() ({
      %run_scoped3A = tpu.sem_alloc : memref<!tpu.dma_semaphore, #tpu.memory_space<semaphore_mem>>
      %dma_start3A = arith.constant 0 : i32
      %dma_start3A_27 = arith.constant 0 : i32
      %dma_start3A_28 = tpu.memref_slice %arg13[%dma_start3A, %dma_start3A_27] : memref<628x64xf32, #tpu.memory_space<vmem>> -> memref<628x64xf32, #tpu.memory_space<vmem>>
      %dma_start3A_29 = arith.constant 0 : i32
      %dma_start3A_30 = tpu.memref_slice %arg12[%mul3A_6, %dma_start3A_29] : memref<10048x64xf32, #tpu.memory_space<vmem_shared>> -> memref<628x64xf32, #tpu.memory_space<vmem_shared>>
      %dma_start3A_31 = arith.constant 0 : i32
      %dma_start3A_32 = tpu.memref_slice %arg12[%mul3A_6, %dma_start3A_31] : memref<10048x64xf32, #tpu.memory_space<vmem_shared>> -> memref<628x64xf32, #tpu.memory_space<vmem_shared>>
      %dma_start3A_33 = arith.constant 0 : i32
      %dma_start3A_34 = arith.constant 0 : i32
      %dma_start3A_35 = tpu.memref_slice %arg13[%dma_start3A_33, %dma_start3A_34] : memref<628x64xf32, #tpu.memory_space<vmem>> -> memref<628x64xf32, #tpu.memory_space<vmem>>
      tpu.enqueue_dma source(%dma_start3A_35 : memref<628x64xf32, #tpu.memory_space<vmem>>) target(%dma_start3A_32 : memref<628x64xf32, #tpu.memory_space<vmem_shared>>) target_semaphore(%run_scoped3A : memref<!tpu.dma_semaphore, #tpu.memory_space<semaphore_mem>>)
      %dma_wait3A = arith.constant 0 : i32
      %dma_wait3A_36 = arith.constant 0 : i32
      %dma_wait3A_37 = tpu.memref_slice %arg13[%dma_wait3A, %dma_wait3A_36] : memref<628x64xf32, #tpu.memory_space<vmem>> -> memref<628x64xf32, #tpu.memory_space<vmem>>
      %dma_wait3A_38 = arith.constant 0 : i32
      %dma_wait3A_39 = tpu.memref_slice %arg12[%mul3A_6, %dma_wait3A_38] : memref<10048x64xf32, #tpu.memory_space<vmem_shared>> -> memref<628x64xf32, #tpu.memory_space<vmem_shared>>
      %dma_wait3A_40 = arith.constant 0 : i32
      %dma_wait3A_41 = tpu.memref_slice %arg12[%mul3A_6, %dma_wait3A_40] : memref<10048x64xf32, #tpu.memory_space<vmem_shared>> -> memref<628x64xf32, #tpu.memory_space<vmem_shared>>
      %dma_wait3A_42 = arith.constant 0 : i32
      %dma_wait3A_43 = arith.constant 0 : i32
      %dma_wait3A_44 = tpu.memref_slice %arg13[%dma_wait3A_42, %dma_wait3A_43] : memref<628x64xf32, #tpu.memory_space<vmem>> -> memref<628x64xf32, #tpu.memory_space<vmem>>
      tpu.wait_dma2 semaphore(%run_scoped3A : memref<!tpu.dma_semaphore, #tpu.memory_space<semaphore_mem>>) src(%dma_wait3A_44 : memref<628x64xf32, #tpu.memory_space<vmem>>) dst(%dma_wait3A_41 : memref<628x64xf32, #tpu.memory_space<vmem_shared>>)
      tpu.yield
    }) : () -> ()
    %barrier3A = arith.constant 0 : index
    tpu.barrier barrier_id(%barrier3A)
    %eq3A = arith.constant 0 : i32
    %eq3A_7 = arith.cmpi eq, %arg0, %eq3A : i32
    %convert_element_type3A = arith.extui %eq3A_7 : i1 to i32
    %cond3A = arith.constant 0 : i32
    %cond3A_8 = arith.cmpi ne, %convert_element_type3A, %cond3A : i32
    scf.if %cond3A_8 {
      "tpu.region"() ({
        %run_scoped3A = tpu.sem_alloc : memref<!tpu.dma_semaphore, #tpu.memory_space<semaphore_mem>>
        %dma_start3A = arith.constant 0 : i32
        %dma_start3A_34 = arith.constant 0 : i32
        %dma_start3A_35 = tpu.memref_slice %arg4[%arg1, %dma_start3A, %dma_start3A_34] : memref<16x160x128xi32, #tpu.memory_space<hbm>> -> memref<1x160x128xi32, #tpu.memory_space<hbm>>
        %dma_start3A_36 = tpu.memref_squeeze %dma_start3A_35 : memref<1x160x128xi32, #tpu.memory_space<hbm>> -> memref<160x128xi32, #tpu.memory_space<hbm>>
        %dma_start3A_37 = arith.constant 0 : i32
        %dma_start3A_38 = arith.constant 0 : i32
        %dma_start3A_39 = tpu.memref_slice %arg4[%arg1, %dma_start3A_37, %dma_start3A_38] : memref<16x160x128xi32, #tpu.memory_space<hbm>> -> memref<1x160x128xi32, #tpu.memory_space<hbm>>
        %dma_start3A_40 = tpu.memref_squeeze %dma_start3A_39 : memref<1x160x128xi32, #tpu.memory_space<hbm>> -> memref<160x128xi32, #tpu.memory_space<hbm>>
        tpu.enqueue_dma source(%dma_start3A_40 : memref<160x128xi32, #tpu.memory_space<hbm>>) target(%arg10 : memref<160x128xi32, #tpu.memory_space<vmem>>) target_semaphore(%run_scoped3A : memref<!tpu.dma_semaphore, #tpu.memory_space<semaphore_mem>>)
        %dma_wait3A = arith.constant 0 : i32
        %dma_wait3A_41 = arith.constant 0 : i32
        %dma_wait3A_42 = tpu.memref_slice %arg4[%arg1, %dma_wait3A, %dma_wait3A_41] : memref<16x160x128xi32, #tpu.memory_space<hbm>> -> memref<1x160x128xi32, #tpu.memory_space<hbm>>
        %dma_wait3A_43 = tpu.memref_squeeze %dma_wait3A_42 : memref<1x160x128xi32, #tpu.memory_space<hbm>> -> memref<160x128xi32, #tpu.memory_space<hbm>>
        %dma_wait3A_44 = arith.constant 0 : i32
        %dma_wait3A_45 = arith.constant 0 : i32
        %dma_wait3A_46 = tpu.memref_slice %arg4[%arg1, %dma_wait3A_44, %dma_wait3A_45] : memref<16x160x128xi32, #tpu.memory_space<hbm>> -> memref<1x160x128xi32, #tpu.memory_space<hbm>>
        %dma_wait3A_47 = tpu.memref_squeeze %dma_wait3A_46 : memref<1x160x128xi32, #tpu.memory_space<hbm>> -> memref<160x128xi32, #tpu.memory_space<hbm>>
        tpu.wait_dma2 semaphore(%run_scoped3A : memref<!tpu.dma_semaphore, #tpu.memory_space<semaphore_mem>>) src(%dma_wait3A_47 : memref<160x128xi32, #tpu.memory_space<hbm>>) dst(%arg10 : memref<160x128xi32, #tpu.memory_space<vmem>>)
        tpu.yield
      }) : () -> ()
      "tpu.region"() ({
        %run_scoped3A = tpu.sem_alloc : memref<!tpu.dma_semaphore, #tpu.memory_space<semaphore_mem>>
        %dma_start3A = arith.constant 0 : i32
        %dma_start3A_34 = arith.constant 0 : i32
        %dma_start3A_35 = tpu.memref_slice %arg5[%arg1, %dma_start3A, %dma_start3A_34] : memref<16x160x128xi32, #tpu.memory_space<hbm>> -> memref<1x160x128xi32, #tpu.memory_space<hbm>>
        %dma_start3A_36 = tpu.memref_squeeze %dma_start3A_35 : memref<1x160x128xi32, #tpu.memory_space<hbm>> -> memref<160x128xi32, #tpu.memory_space<hbm>>
        %dma_start3A_37 = arith.constant 0 : i32
        %dma_start3A_38 = arith.constant 0 : i32
        %dma_start3A_39 = tpu.memref_slice %arg5[%arg1, %dma_start3A_37, %dma_start3A_38] : memref<16x160x128xi32, #tpu.memory_space<hbm>> -> memref<1x160x128xi32, #tpu.memory_space<hbm>>
        %dma_start3A_40 = tpu.memref_squeeze %dma_start3A_39 : memref<1x160x128xi32, #tpu.memory_space<hbm>> -> memref<160x128xi32, #tpu.memory_space<hbm>>
        tpu.enqueue_dma source(%dma_start3A_40 : memref<160x128xi32, #tpu.memory_space<hbm>>) target(%arg11 : memref<160x128xi32, #tpu.memory_space<vmem>>) target_semaphore(%run_scoped3A : memref<!tpu.dma_semaphore, #tpu.memory_space<semaphore_mem>>)
        %dma_wait3A = arith.constant 0 : i32
        %dma_wait3A_41 = arith.constant 0 : i32
        %dma_wait3A_42 = tpu.memref_slice %arg5[%arg1, %dma_wait3A, %dma_wait3A_41] : memref<16x160x128xi32, #tpu.memory_space<hbm>> -> memref<1x160x128xi32, #tpu.memory_space<hbm>>
        %dma_wait3A_43 = tpu.memref_squeeze %dma_wait3A_42 : memref<1x160x128xi32, #tpu.memory_space<hbm>> -> memref<160x128xi32, #tpu.memory_space<hbm>>
        %dma_wait3A_44 = arith.constant 0 : i32
        %dma_wait3A_45 = arith.constant 0 : i32
        %dma_wait3A_46 = tpu.memref_slice %arg5[%arg1, %dma_wait3A_44, %dma_wait3A_45] : memref<16x160x128xi32, #tpu.memory_space<hbm>> -> memref<1x160x128xi32, #tpu.memory_space<hbm>>
        %dma_wait3A_47 = tpu.memref_squeeze %dma_wait3A_46 : memref<1x160x128xi32, #tpu.memory_space<hbm>> -> memref<160x128xi32, #tpu.memory_space<hbm>>
        tpu.wait_dma2 semaphore(%run_scoped3A : memref<!tpu.dma_semaphore, #tpu.memory_space<semaphore_mem>>) src(%dma_wait3A_47 : memref<160x128xi32, #tpu.memory_space<hbm>>) dst(%arg11 : memref<160x128xi32, #tpu.memory_space<vmem>>)
        tpu.yield
      }) : () -> ()
      %scan3A_27 = arith.constant 0 : i32
      %scan3A_28 = arith.constant 0 : i32
      %scan3A_29 = arith.constant 160 : i32
      %scan3A_30 = arith.addi %scan3A_28, %scan3A_29 : i32
      %scan3A_31 = arith.constant 1 : i32
      %scan3A_32 = scf.for %scan3A_34 = %scan3A_28 to %scan3A_30 step %scan3A_31 iter_args(%scan3A_35 = %scan3A_27) -> (i32)  : i32 {
        "tpu.region"() ({
          %run_scoped3A = tpu.sem_alloc : memref<!tpu.dma_semaphore, #tpu.memory_space<semaphore_mem>>
          %dma_start3A = arith.constant 0 : i32
          %dma_start3A_40 = arith.constant 0 : i32
          %dma_start3A_41 = tpu.memref_slice %arg13[%dma_start3A, %dma_start3A_40] : memref<628x64xf32, #tpu.memory_space<vmem>> -> memref<128x64xf32, #tpu.memory_space<vmem>>
          %dma_start3A_42 = arith.constant 0 : i32
          %dma_start3A_43 = tpu.memref_slice %arg10[%scan3A_34, %dma_start3A_42] : memref<160x128xi32, #tpu.memory_space<vmem>> -> memref<1x128xi32, #tpu.memory_space<vmem>>
          %dma_start3A_44 = tpu.memref_squeeze %dma_start3A_43 : memref<1x128xi32, #tpu.memory_space<vmem>> -> memref<128xi32, #tpu.memory_space<vmem>>
          %dma_start3A_45 = arith.constant 0 : i32
          %dma_start3A_46 = arith.constant 0 : i32
          %dma_start3A_47 = tpu.memref_slice %arg2[%dma_start3A_45, %dma_start3A_46] : memref<10000x64xf32, #tpu.memory_space<hbm>> -> memref<10000x64xf32, #tpu.memory_space<hbm>>
          tpu.enqueue_indirect_dma source(%dma_start3A_47 : memref<10000x64xf32, #tpu.memory_space<hbm>>) target(%dma_start3A_41 : memref<128x64xf32, #tpu.memory_space<vmem>>) offsets(%dma_start3A_44 : memref<128xi32, #tpu.memory_space<vmem>>) semaphore(%run_scoped3A : memref<!tpu.dma_semaphore, #tpu.memory_space<semaphore_mem>>)
          %dma_wait3A = arith.constant 0 : i32
          %dma_wait3A_48 = arith.constant 0 : i32
          %dma_wait3A_49 = tpu.memref_slice %arg13[%dma_wait3A, %dma_wait3A_48] : memref<628x64xf32, #tpu.memory_space<vmem>> -> memref<128x64xf32, #tpu.memory_space<vmem>>
          %dma_wait3A_50 = arith.constant 0 : i32
          %dma_wait3A_51 = tpu.memref_slice %arg10[%scan3A_34, %dma_wait3A_50] : memref<160x128xi32, #tpu.memory_space<vmem>> -> memref<1x128xi32, #tpu.memory_space<vmem>>
          %dma_wait3A_52 = tpu.memref_squeeze %dma_wait3A_51 : memref<1x128xi32, #tpu.memory_space<vmem>> -> memref<128xi32, #tpu.memory_space<vmem>>
          %dma_wait3A_53 = arith.constant 0 : i32
          %dma_wait3A_54 = arith.constant 0 : i32
          %dma_wait3A_55 = tpu.memref_slice %arg2[%dma_wait3A_53, %dma_wait3A_54] : memref<10000x64xf32, #tpu.memory_space<hbm>> -> memref<10000x64xf32, #tpu.memory_space<hbm>>
          tpu.wait_indirect_dma semaphore(%run_scoped3A : memref<!tpu.dma_semaphore, #tpu.memory_space<semaphore_mem>>) src(%dma_wait3A_55 : memref<10000x64xf32, #tpu.memory_space<hbm>>) dst(%dma_wait3A_49 : memref<128x64xf32, #tpu.memory_space<vmem>>)
          tpu.yield
        }) : () -> ()
        %mul3A_36 = arith.constant 1 : i32
        %mul3A_37 = arith.muli %scan3A_34, %mul3A_36 : i32
        %add3A = arith.constant 0 : i32
        %add3A_38 = arith.addi %mul3A_37, %add3A : i32
        "tpu.region"() ({
          %run_scoped3A = tpu.sem_alloc : memref<!tpu.dma_semaphore, #tpu.memory_space<semaphore_mem>>
          %dma_start3A = arith.constant 0 : i32
          %dma_start3A_40 = arith.constant 0 : i32
          %dma_start3A_41 = tpu.memref_slice %arg13[%dma_start3A, %dma_start3A_40] : memref<628x64xf32, #tpu.memory_space<vmem>> -> memref<128x64xf32, #tpu.memory_space<vmem>>
          %dma_start3A_42 = arith.constant 0 : i32
          %dma_start3A_43 = tpu.memref_slice %arg11[%add3A_38, %dma_start3A_42] : memref<160x128xi32, #tpu.memory_space<vmem>> -> memref<1x128xi32, #tpu.memory_space<vmem>>
          %dma_start3A_44 = tpu.memref_squeeze %dma_start3A_43 : memref<1x128xi32, #tpu.memory_space<vmem>> -> memref<128xi32, #tpu.memory_space<vmem>>
          %dma_start3A_45 = arith.constant 0 : i32
          %dma_start3A_46 = arith.constant 0 : i32
          %dma_start3A_47 = tpu.memref_slice %arg12[%dma_start3A_45, %dma_start3A_46] : memref<10048x64xf32, #tpu.memory_space<vmem_shared>> -> memref<10048x64xf32, #tpu.memory_space<vmem_shared>>
          tpu.enqueue_indirect_dma source(%dma_start3A_41 : memref<128x64xf32, #tpu.memory_space<vmem>>) target(%dma_start3A_47 : memref<10048x64xf32, #tpu.memory_space<vmem_shared>>) offsets(%dma_start3A_44 : memref<128xi32, #tpu.memory_space<vmem>>) semaphore(%run_scoped3A : memref<!tpu.dma_semaphore, #tpu.memory_space<semaphore_mem>>) {add = true}
          %dma_wait3A = arith.constant 0 : i32
          %dma_wait3A_48 = arith.constant 0 : i32
          %dma_wait3A_49 = tpu.memref_slice %arg13[%dma_wait3A, %dma_wait3A_48] : memref<628x64xf32, #tpu.memory_space<vmem>> -> memref<128x64xf32, #tpu.memory_space<vmem>>
          %dma_wait3A_50 = arith.constant 0 : i32
          %dma_wait3A_51 = tpu.memref_slice %arg11[%add3A_38, %dma_wait3A_50] : memref<160x128xi32, #tpu.memory_space<vmem>> -> memref<1x128xi32, #tpu.memory_space<vmem>>
          %dma_wait3A_52 = tpu.memref_squeeze %dma_wait3A_51 : memref<1x128xi32, #tpu.memory_space<vmem>> -> memref<128xi32, #tpu.memory_space<vmem>>
          %dma_wait3A_53 = arith.constant 0 : i32
          %dma_wait3A_54 = arith.constant 0 : i32
          %dma_wait3A_55 = tpu.memref_slice %arg12[%dma_wait3A_53, %dma_wait3A_54] : memref<10048x64xf32, #tpu.memory_space<vmem_shared>> -> memref<10048x64xf32, #tpu.memory_space<vmem_shared>>
          tpu.wait_indirect_dma semaphore(%run_scoped3A : memref<!tpu.dma_semaphore, #tpu.memory_space<semaphore_mem>>) src(%dma_wait3A_49 : memref<128x64xf32, #tpu.memory_space<vmem>>) dst(%dma_wait3A_55 : memref<10048x64xf32, #tpu.memory_space<vmem_shared>>)
          tpu.yield
        }) : () -> ()
        %scan3A_39 = arith.constant 0 : i32
        scf.yield %scan3A_39 : i32
      }
      %scan3A_33 = arith.constant 160 : i32
    } else {
    }
    %eq3A_9 = arith.constant 1 : i32
    %eq3A_10 = arith.cmpi eq, %arg0, %eq3A_9 : i32
    %convert_element_type3A_11 = arith.extui %eq3A_10 : i1 to i32
    %cond3A_12 = arith.constant 0 : i32
    %cond3A_13 = arith.cmpi ne, %convert_element_type3A_11, %cond3A_12 : i32
    scf.if %cond3A_13 {
      "tpu.region"() ({
        %run_scoped3A = tpu.sem_alloc : memref<!tpu.dma_semaphore, #tpu.memory_space<semaphore_mem>>
        %dma_start3A = arith.constant 0 : i32
        %dma_start3A_34 = arith.constant 0 : i32
        %dma_start3A_35 = tpu.memref_slice %arg6[%arg1, %dma_start3A, %dma_start3A_34] : memref<16x160x128xi32, #tpu.memory_space<hbm>> -> memref<1x160x128xi32, #tpu.memory_space<hbm>>
        %dma_start3A_36 = tpu.memref_squeeze %dma_start3A_35 : memref<1x160x128xi32, #tpu.memory_space<hbm>> -> memref<160x128xi32, #tpu.memory_space<hbm>>
        %dma_start3A_37 = arith.constant 0 : i32
        %dma_start3A_38 = arith.constant 0 : i32
        %dma_start3A_39 = tpu.memref_slice %arg6[%arg1, %dma_start3A_37, %dma_start3A_38] : memref<16x160x128xi32, #tpu.memory_space<hbm>> -> memref<1x160x128xi32, #tpu.memory_space<hbm>>
        %dma_start3A_40 = tpu.memref_squeeze %dma_start3A_39 : memref<1x160x128xi32, #tpu.memory_space<hbm>> -> memref<160x128xi32, #tpu.memory_space<hbm>>
        tpu.enqueue_dma source(%dma_start3A_40 : memref<160x128xi32, #tpu.memory_space<hbm>>) target(%arg10 : memref<160x128xi32, #tpu.memory_space<vmem>>) target_semaphore(%run_scoped3A : memref<!tpu.dma_semaphore, #tpu.memory_space<semaphore_mem>>)
        %dma_wait3A = arith.constant 0 : i32
        %dma_wait3A_41 = arith.constant 0 : i32
        %dma_wait3A_42 = tpu.memref_slice %arg6[%arg1, %dma_wait3A, %dma_wait3A_41] : memref<16x160x128xi32, #tpu.memory_space<hbm>> -> memref<1x160x128xi32, #tpu.memory_space<hbm>>
        %dma_wait3A_43 = tpu.memref_squeeze %dma_wait3A_42 : memref<1x160x128xi32, #tpu.memory_space<hbm>> -> memref<160x128xi32, #tpu.memory_space<hbm>>
        %dma_wait3A_44 = arith.constant 0 : i32
        %dma_wait3A_45 = arith.constant 0 : i32
        %dma_wait3A_46 = tpu.memref_slice %arg6[%arg1, %dma_wait3A_44, %dma_wait3A_45] : memref<16x160x128xi32, #tpu.memory_space<hbm>> -> memref<1x160x128xi32, #tpu.memory_space<hbm>>
        %dma_wait3A_47 = tpu.memref_squeeze %dma_wait3A_46 : memref<1x160x128xi32, #tpu.memory_space<hbm>> -> memref<160x128xi32, #tpu.memory_space<hbm>>
        tpu.wait_dma2 semaphore(%run_scoped3A : memref<!tpu.dma_semaphore, #tpu.memory_space<semaphore_mem>>) src(%dma_wait3A_47 : memref<160x128xi32, #tpu.memory_space<hbm>>) dst(%arg10 : memref<160x128xi32, #tpu.memory_space<vmem>>)
        tpu.yield
      }) : () -> ()
      "tpu.region"() ({
        %run_scoped3A = tpu.sem_alloc : memref<!tpu.dma_semaphore, #tpu.memory_space<semaphore_mem>>
        %dma_start3A = arith.constant 0 : i32
        %dma_start3A_34 = arith.constant 0 : i32
        %dma_start3A_35 = tpu.memref_slice %arg7[%arg1, %dma_start3A, %dma_start3A_34] : memref<16x160x128xi32, #tpu.memory_space<hbm>> -> memref<1x160x128xi32, #tpu.memory_space<hbm>>
        %dma_start3A_36 = tpu.memref_squeeze %dma_start3A_35 : memref<1x160x128xi32, #tpu.memory_space<hbm>> -> memref<160x128xi32, #tpu.memory_space<hbm>>
        %dma_start3A_37 = arith.constant 0 : i32
        %dma_start3A_38 = arith.constant 0 : i32
        %dma_start3A_39 = tpu.memref_slice %arg7[%arg1, %dma_start3A_37, %dma_start3A_38] : memref<16x160x128xi32, #tpu.memory_space<hbm>> -> memref<1x160x128xi32, #tpu.memory_space<hbm>>
        %dma_start3A_40 = tpu.memref_squeeze %dma_start3A_39 : memref<1x160x128xi32, #tpu.memory_space<hbm>> -> memref<160x128xi32, #tpu.memory_space<hbm>>
        tpu.enqueue_dma source(%dma_start3A_40 : memref<160x128xi32, #tpu.memory_space<hbm>>) target(%arg11 : memref<160x128xi32, #tpu.memory_space<vmem>>) target_semaphore(%run_scoped3A : memref<!tpu.dma_semaphore, #tpu.memory_space<semaphore_mem>>)
        %dma_wait3A = arith.constant 0 : i32
        %dma_wait3A_41 = arith.constant 0 : i32
        %dma_wait3A_42 = tpu.memref_slice %arg7[%arg1, %dma_wait3A, %dma_wait3A_41] : memref<16x160x128xi32, #tpu.memory_space<hbm>> -> memref<1x160x128xi32, #tpu.memory_space<hbm>>
        %dma_wait3A_43 = tpu.memref_squeeze %dma_wait3A_42 : memref<1x160x128xi32, #tpu.memory_space<hbm>> -> memref<160x128xi32, #tpu.memory_space<hbm>>
        %dma_wait3A_44 = arith.constant 0 : i32
        %dma_wait3A_45 = arith.constant 0 : i32
        %dma_wait3A_46 = tpu.memref_slice %arg7[%arg1, %dma_wait3A_44, %dma_wait3A_45] : memref<16x160x128xi32, #tpu.memory_space<hbm>> -> memref<1x160x128xi32, #tpu.memory_space<hbm>>
        %dma_wait3A_47 = tpu.memref_squeeze %dma_wait3A_46 : memref<1x160x128xi32, #tpu.memory_space<hbm>> -> memref<160x128xi32, #tpu.memory_space<hbm>>
        tpu.wait_dma2 semaphore(%run_scoped3A : memref<!tpu.dma_semaphore, #tpu.memory_space<semaphore_mem>>) src(%dma_wait3A_47 : memref<160x128xi32, #tpu.memory_space<hbm>>) dst(%arg11 : memref<160x128xi32, #tpu.memory_space<vmem>>)
        tpu.yield
      }) : () -> ()
      %scan3A_27 = arith.constant 0 : i32
      %scan3A_28 = arith.constant 0 : i32
      %scan3A_29 = arith.constant 160 : i32
      %scan3A_30 = arith.addi %scan3A_28, %scan3A_29 : i32
      %scan3A_31 = arith.constant 1 : i32
      %scan3A_32 = scf.for %scan3A_34 = %scan3A_28 to %scan3A_30 step %scan3A_31 iter_args(%scan3A_35 = %scan3A_27) -> (i32)  : i32 {
        "tpu.region"() ({
          %run_scoped3A = tpu.sem_alloc : memref<!tpu.dma_semaphore, #tpu.memory_space<semaphore_mem>>
          %dma_start3A = arith.constant 0 : i32
          %dma_start3A_40 = arith.constant 0 : i32
          %dma_start3A_41 = tpu.memref_slice %arg13[%dma_start3A, %dma_start3A_40] : memref<628x64xf32, #tpu.memory_space<vmem>> -> memref<128x64xf32, #tpu.memory_space<vmem>>
          %dma_start3A_42 = arith.constant 0 : i32
          %dma_start3A_43 = tpu.memref_slice %arg10[%scan3A_34, %dma_start3A_42] : memref<160x128xi32, #tpu.memory_space<vmem>> -> memref<1x128xi32, #tpu.memory_space<vmem>>
          %dma_start3A_44 = tpu.memref_squeeze %dma_start3A_43 : memref<1x128xi32, #tpu.memory_space<vmem>> -> memref<128xi32, #tpu.memory_space<vmem>>
          %dma_start3A_45 = arith.constant 0 : i32
          %dma_start3A_46 = arith.constant 0 : i32
          %dma_start3A_47 = tpu.memref_slice %arg3[%dma_start3A_45, %dma_start3A_46] : memref<10000x64xf32, #tpu.memory_space<hbm>> -> memref<10000x64xf32, #tpu.memory_space<hbm>>
          tpu.enqueue_indirect_dma source(%dma_start3A_47 : memref<10000x64xf32, #tpu.memory_space<hbm>>) target(%dma_start3A_41 : memref<128x64xf32, #tpu.memory_space<vmem>>) offsets(%dma_start3A_44 : memref<128xi32, #tpu.memory_space<vmem>>) semaphore(%run_scoped3A : memref<!tpu.dma_semaphore, #tpu.memory_space<semaphore_mem>>)
          %dma_wait3A = arith.constant 0 : i32
          %dma_wait3A_48 = arith.constant 0 : i32
          %dma_wait3A_49 = tpu.memref_slice %arg13[%dma_wait3A, %dma_wait3A_48] : memref<628x64xf32, #tpu.memory_space<vmem>> -> memref<128x64xf32, #tpu.memory_space<vmem>>
          %dma_wait3A_50 = arith.constant 0 : i32
          %dma_wait3A_51 = tpu.memref_slice %arg10[%scan3A_34, %dma_wait3A_50] : memref<160x128xi32, #tpu.memory_space<vmem>> -> memref<1x128xi32, #tpu.memory_space<vmem>>
          %dma_wait3A_52 = tpu.memref_squeeze %dma_wait3A_51 : memref<1x128xi32, #tpu.memory_space<vmem>> -> memref<128xi32, #tpu.memory_space<vmem>>
          %dma_wait3A_53 = arith.constant 0 : i32
          %dma_wait3A_54 = arith.constant 0 : i32
          %dma_wait3A_55 = tpu.memref_slice %arg3[%dma_wait3A_53, %dma_wait3A_54] : memref<10000x64xf32, #tpu.memory_space<hbm>> -> memref<10000x64xf32, #tpu.memory_space<hbm>>
          tpu.wait_indirect_dma semaphore(%run_scoped3A : memref<!tpu.dma_semaphore, #tpu.memory_space<semaphore_mem>>) src(%dma_wait3A_55 : memref<10000x64xf32, #tpu.memory_space<hbm>>) dst(%dma_wait3A_49 : memref<128x64xf32, #tpu.memory_space<vmem>>)
          tpu.yield
        }) : () -> ()
        %mul3A_36 = arith.constant 1 : i32
        %mul3A_37 = arith.muli %scan3A_34, %mul3A_36 : i32
        %add3A = arith.constant 0 : i32
        %add3A_38 = arith.addi %mul3A_37, %add3A : i32
        "tpu.region"() ({
          %run_scoped3A = tpu.sem_alloc : memref<!tpu.dma_semaphore, #tpu.memory_space<semaphore_mem>>
          %dma_start3A = arith.constant 0 : i32
          %dma_start3A_40 = arith.constant 0 : i32
          %dma_start3A_41 = tpu.memref_slice %arg13[%dma_start3A, %dma_start3A_40] : memref<628x64xf32, #tpu.memory_space<vmem>> -> memref<128x64xf32, #tpu.memory_space<vmem>>
          %dma_start3A_42 = arith.constant 0 : i32
          %dma_start3A_43 = tpu.memref_slice %arg11[%add3A_38, %dma_start3A_42] : memref<160x128xi32, #tpu.memory_space<vmem>> -> memref<1x128xi32, #tpu.memory_space<vmem>>
          %dma_start3A_44 = tpu.memref_squeeze %dma_start3A_43 : memref<1x128xi32, #tpu.memory_space<vmem>> -> memref<128xi32, #tpu.memory_space<vmem>>
          %dma_start3A_45 = arith.constant 0 : i32
          %dma_start3A_46 = arith.constant 0 : i32
          %dma_start3A_47 = tpu.memref_slice %arg12[%dma_start3A_45, %dma_start3A_46] : memref<10048x64xf32, #tpu.memory_space<vmem_shared>> -> memref<10048x64xf32, #tpu.memory_space<vmem_shared>>
          tpu.enqueue_indirect_dma source(%dma_start3A_41 : memref<128x64xf32, #tpu.memory_space<vmem>>) target(%dma_start3A_47 : memref<10048x64xf32, #tpu.memory_space<vmem_shared>>) offsets(%dma_start3A_44 : memref<128xi32, #tpu.memory_space<vmem>>) semaphore(%run_scoped3A : memref<!tpu.dma_semaphore, #tpu.memory_space<semaphore_mem>>) {add = true}
          %dma_wait3A = arith.constant 0 : i32
          %dma_wait3A_48 = arith.constant 0 : i32
          %dma_wait3A_49 = tpu.memref_slice %arg13[%dma_wait3A, %dma_wait3A_48] : memref<628x64xf32, #tpu.memory_space<vmem>> -> memref<128x64xf32, #tpu.memory_space<vmem>>
          %dma_wait3A_50 = arith.constant 0 : i32
          %dma_wait3A_51 = tpu.memref_slice %arg11[%add3A_38, %dma_wait3A_50] : memref<160x128xi32, #tpu.memory_space<vmem>> -> memref<1x128xi32, #tpu.memory_space<vmem>>
          %dma_wait3A_52 = tpu.memref_squeeze %dma_wait3A_51 : memref<1x128xi32, #tpu.memory_space<vmem>> -> memref<128xi32, #tpu.memory_space<vmem>>
          %dma_wait3A_53 = arith.constant 0 : i32
          %dma_wait3A_54 = arith.constant 0 : i32
          %dma_wait3A_55 = tpu.memref_slice %arg12[%dma_wait3A_53, %dma_wait3A_54] : memref<10048x64xf32, #tpu.memory_space<vmem_shared>> -> memref<10048x64xf32, #tpu.memory_space<vmem_shared>>
          tpu.wait_indirect_dma semaphore(%run_scoped3A : memref<!tpu.dma_semaphore, #tpu.memory_space<semaphore_mem>>) src(%dma_wait3A_49 : memref<128x64xf32, #tpu.memory_space<vmem>>) dst(%dma_wait3A_55 : memref<10048x64xf32, #tpu.memory_space<vmem_shared>>)
          tpu.yield
        }) : () -> ()
        %scan3A_39 = arith.constant 0 : i32
        scf.yield %scan3A_39 : i32
      }
      %scan3A_33 = arith.constant 160 : i32
    } else {
    }
    %barrier3A_14 = arith.constant 0 : index
    tpu.barrier barrier_id(%barrier3A_14)
    %mul3A_15 = arith.constant 628 : i32
    %mul3A_16 = arith.muli %arg1, %mul3A_15 : i32
    "tpu.region"() ({
      %run_scoped3A = tpu.sem_alloc : memref<!tpu.dma_semaphore, #tpu.memory_space<semaphore_mem>>
      %dma_start3A = arith.constant 0 : i32
      %dma_start3A_27 = arith.constant 0 : i32
      %dma_start3A_28 = tpu.memref_slice %arg13[%dma_start3A, %dma_start3A_27] : memref<628x64xf32, #tpu.memory_space<vmem>> -> memref<628x64xf32, #tpu.memory_space<vmem>>
      %dma_start3A_29 = arith.constant 0 : i32
      %dma_start3A_30 = tpu.memref_slice %arg12[%mul3A_16, %dma_start3A_29] : memref<10048x64xf32, #tpu.memory_space<vmem_shared>> -> memref<628x64xf32, #tpu.memory_space<vmem_shared>>
      %dma_start3A_31 = arith.constant 0 : i32
      %dma_start3A_32 = arith.constant 0 : i32
      %dma_start3A_33 = tpu.memref_slice %arg13[%dma_start3A_31, %dma_start3A_32] : memref<628x64xf32, #tpu.memory_space<vmem>> -> memref<628x64xf32, #tpu.memory_space<vmem>>
      %dma_start3A_34 = arith.constant 0 : i32
      %dma_start3A_35 = tpu.memref_slice %arg12[%mul3A_16, %dma_start3A_34] : memref<10048x64xf32, #tpu.memory_space<vmem_shared>> -> memref<628x64xf32, #tpu.memory_space<vmem_shared>>
      tpu.enqueue_dma source(%dma_start3A_35 : memref<628x64xf32, #tpu.memory_space<vmem_shared>>) target(%dma_start3A_33 : memref<628x64xf32, #tpu.memory_space<vmem>>) target_semaphore(%run_scoped3A : memref<!tpu.dma_semaphore, #tpu.memory_space<semaphore_mem>>)
      %dma_wait3A = arith.constant 0 : i32
      %dma_wait3A_36 = arith.constant 0 : i32
      %dma_wait3A_37 = tpu.memref_slice %arg13[%dma_wait3A, %dma_wait3A_36] : memref<628x64xf32, #tpu.memory_space<vmem>> -> memref<628x64xf32, #tpu.memory_space<vmem>>
      %dma_wait3A_38 = arith.constant 0 : i32
      %dma_wait3A_39 = tpu.memref_slice %arg12[%mul3A_16, %dma_wait3A_38] : memref<10048x64xf32, #tpu.memory_space<vmem_shared>> -> memref<628x64xf32, #tpu.memory_space<vmem_shared>>
      %dma_wait3A_40 = arith.constant 0 : i32
      %dma_wait3A_41 = arith.constant 0 : i32
      %dma_wait3A_42 = tpu.memref_slice %arg13[%dma_wait3A_40, %dma_wait3A_41] : memref<628x64xf32, #tpu.memory_space<vmem>> -> memref<628x64xf32, #tpu.memory_space<vmem>>
      %dma_wait3A_43 = arith.constant 0 : i32
      %dma_wait3A_44 = tpu.memref_slice %arg12[%mul3A_16, %dma_wait3A_43] : memref<10048x64xf32, #tpu.memory_space<vmem_shared>> -> memref<628x64xf32, #tpu.memory_space<vmem_shared>>
      tpu.wait_dma2 semaphore(%run_scoped3A : memref<!tpu.dma_semaphore, #tpu.memory_space<semaphore_mem>>) src(%dma_wait3A_44 : memref<628x64xf32, #tpu.memory_space<vmem_shared>>) dst(%dma_wait3A_42 : memref<628x64xf32, #tpu.memory_space<vmem>>)
      tpu.yield
    }) : () -> ()
    %eq3A_17 = arith.constant 0 : i32
    %eq3A_18 = arith.cmpi eq, %arg0, %eq3A_17 : i32
    %convert_element_type3A_19 = arith.extui %eq3A_18 : i1 to i32
    %cond3A_20 = arith.constant 0 : i32
    %cond3A_21 = arith.cmpi ne, %convert_element_type3A_19, %cond3A_20 : i32
    scf.if %cond3A_21 {
      %mul3A_27 = arith.constant 628 : i32
      %mul3A_28 = arith.muli %arg1, %mul3A_27 : i32
      "tpu.region"() ({
        %run_scoped3A = tpu.sem_alloc : memref<!tpu.dma_semaphore, #tpu.memory_space<semaphore_mem>>
        %dma_start3A = arith.constant 0 : i32
        %dma_start3A_29 = arith.constant 0 : i32
        %dma_start3A_30 = tpu.memref_slice %arg13[%dma_start3A, %dma_start3A_29] : memref<628x64xf32, #tpu.memory_space<vmem>> -> memref<628x64xf32, #tpu.memory_space<vmem>>
        %dma_start3A_31 = arith.constant 0 : i32
        %dma_start3A_32 = tpu.memref_slice %arg8[%mul3A_28, %dma_start3A_31] : memref<10048x64xf32, #tpu.memory_space<hbm>> -> memref<628x64xf32, #tpu.memory_space<hbm>>
        %dma_start3A_33 = arith.constant 0 : i32
        %dma_start3A_34 = tpu.memref_slice %arg8[%mul3A_28, %dma_start3A_33] : memref<10048x64xf32, #tpu.memory_space<hbm>> -> memref<628x64xf32, #tpu.memory_space<hbm>>
        %dma_start3A_35 = arith.constant 0 : i32
        %dma_start3A_36 = arith.constant 0 : i32
        %dma_start3A_37 = tpu.memref_slice %arg13[%dma_start3A_35, %dma_start3A_36] : memref<628x64xf32, #tpu.memory_space<vmem>> -> memref<628x64xf32, #tpu.memory_space<vmem>>
        tpu.enqueue_dma source(%dma_start3A_37 : memref<628x64xf32, #tpu.memory_space<vmem>>) target(%dma_start3A_34 : memref<628x64xf32, #tpu.memory_space<hbm>>) target_semaphore(%run_scoped3A : memref<!tpu.dma_semaphore, #tpu.memory_space<semaphore_mem>>)
        %dma_wait3A = arith.constant 0 : i32
        %dma_wait3A_38 = arith.constant 0 : i32
        %dma_wait3A_39 = tpu.memref_slice %arg13[%dma_wait3A, %dma_wait3A_38] : memref<628x64xf32, #tpu.memory_space<vmem>> -> memref<628x64xf32, #tpu.memory_space<vmem>>
        %dma_wait3A_40 = arith.constant 0 : i32
        %dma_wait3A_41 = tpu.memref_slice %arg8[%mul3A_28, %dma_wait3A_40] : memref<10048x64xf32, #tpu.memory_space<hbm>> -> memref<628x64xf32, #tpu.memory_space<hbm>>
        %dma_wait3A_42 = arith.constant 0 : i32
        %dma_wait3A_43 = tpu.memref_slice %arg8[%mul3A_28, %dma_wait3A_42] : memref<10048x64xf32, #tpu.memory_space<hbm>> -> memref<628x64xf32, #tpu.memory_space<hbm>>
        %dma_wait3A_44 = arith.constant 0 : i32
        %dma_wait3A_45 = arith.constant 0 : i32
        %dma_wait3A_46 = tpu.memref_slice %arg13[%dma_wait3A_44, %dma_wait3A_45] : memref<628x64xf32, #tpu.memory_space<vmem>> -> memref<628x64xf32, #tpu.memory_space<vmem>>
        tpu.wait_dma2 semaphore(%run_scoped3A : memref<!tpu.dma_semaphore, #tpu.memory_space<semaphore_mem>>) src(%dma_wait3A_46 : memref<628x64xf32, #tpu.memory_space<vmem>>) dst(%dma_wait3A_43 : memref<628x64xf32, #tpu.memory_space<hbm>>)
        tpu.yield
      }) : () -> ()
    } else {
    }
    %eq3A_22 = arith.constant 1 : i32
    %eq3A_23 = arith.cmpi eq, %arg0, %eq3A_22 : i32
    %convert_element_type3A_24 = arith.extui %eq3A_23 : i1 to i32
    %cond3A_25 = arith.constant 0 : i32
    %cond3A_26 = arith.cmpi ne, %convert_element_type3A_24, %cond3A_25 : i32
    scf.if %cond3A_26 {
      %mul3A_27 = arith.constant 628 : i32
      %mul3A_28 = arith.muli %arg1, %mul3A_27 : i32
      "tpu.region"() ({
        %run_scoped3A = tpu.sem_alloc : memref<!tpu.dma_semaphore, #tpu.memory_space<semaphore_mem>>
        %dma_start3A = arith.constant 0 : i32
        %dma_start3A_29 = arith.constant 0 : i32
        %dma_start3A_30 = tpu.memref_slice %arg13[%dma_start3A, %dma_start3A_29] : memref<628x64xf32, #tpu.memory_space<vmem>> -> memref<628x64xf32, #tpu.memory_space<vmem>>
        %dma_start3A_31 = arith.constant 0 : i32
        %dma_start3A_32 = tpu.memref_slice %arg9[%mul3A_28, %dma_start3A_31] : memref<10048x64xf32, #tpu.memory_space<hbm>> -> memref<628x64xf32, #tpu.memory_space<hbm>>
        %dma_start3A_33 = arith.constant 0 : i32
        %dma_start3A_34 = tpu.memref_slice %arg9[%mul3A_28, %dma_start3A_33] : memref<10048x64xf32, #tpu.memory_space<hbm>> -> memref<628x64xf32, #tpu.memory_space<hbm>>
        %dma_start3A_35 = arith.constant 0 : i32
        %dma_start3A_36 = arith.constant 0 : i32
        %dma_start3A_37 = tpu.memref_slice %arg13[%dma_start3A_35, %dma_start3A_36] : memref<628x64xf32, #tpu.memory_space<vmem>> -> memref<628x64xf32, #tpu.memory_space<vmem>>
        tpu.enqueue_dma source(%dma_start3A_37 : memref<628x64xf32, #tpu.memory_space<vmem>>) target(%dma_start3A_34 : memref<628x64xf32, #tpu.memory_space<hbm>>) target_semaphore(%run_scoped3A : memref<!tpu.dma_semaphore, #tpu.memory_space<semaphore_mem>>)
        %dma_wait3A = arith.constant 0 : i32
        %dma_wait3A_38 = arith.constant 0 : i32
        %dma_wait3A_39 = tpu.memref_slice %arg13[%dma_wait3A, %dma_wait3A_38] : memref<628x64xf32, #tpu.memory_space<vmem>> -> memref<628x64xf32, #tpu.memory_space<vmem>>
        %dma_wait3A_40 = arith.constant 0 : i32
        %dma_wait3A_41 = tpu.memref_slice %arg9[%mul3A_28, %dma_wait3A_40] : memref<10048x64xf32, #tpu.memory_space<hbm>> -> memref<628x64xf32, #tpu.memory_space<hbm>>
        %dma_wait3A_42 = arith.constant 0 : i32
        %dma_wait3A_43 = tpu.memref_slice %arg9[%mul3A_28, %dma_wait3A_42] : memref<10048x64xf32, #tpu.memory_space<hbm>> -> memref<628x64xf32, #tpu.memory_space<hbm>>
        %dma_wait3A_44 = arith.constant 0 : i32
        %dma_wait3A_45 = arith.constant 0 : i32
        %dma_wait3A_46 = tpu.memref_slice %arg13[%dma_wait3A_44, %dma_wait3A_45] : memref<628x64xf32, #tpu.memory_space<vmem>> -> memref<628x64xf32, #tpu.memory_space<vmem>>
        tpu.wait_dma2 semaphore(%run_scoped3A : memref<!tpu.dma_semaphore, #tpu.memory_space<semaphore_mem>>) src(%dma_wait3A_46 : memref<628x64xf32, #tpu.memory_space<vmem>>) dst(%dma_wait3A_43 : memref<628x64xf32, #tpu.memory_space<hbm>>)
        tpu.yield
      }) : () -> ()
    } else {
    }
    return
  }
}

#map = affine_map<(d0, d1) -> (0, 0)>
#map1 = affine_map<(d0, d1) -> (0, 0, 0)>
module attributes {stable_mosaic.version = 14 : i64} {
  func.func @sc_edge_agg(%arg0: i32, %arg1: i32, %arg2: memref<10000x64xf32, #tpu.memory_space<hbm>>, %arg3: memref<10000x64xf32, #tpu.memory_space<hbm>>, %arg4: memref<16x160x128xi32, #tpu.memory_space<hbm>>, %arg5: memref<16x160x128xi32, #tpu.memory_space<hbm>>, %arg6: memref<16x160x128xi32, #tpu.memory_space<hbm>>, %arg7: memref<16x160x128xi32, #tpu.memory_space<hbm>>, %arg8: memref<10048x64xf32, #tpu.memory_space<hbm>>, %arg9: memref<10048x64xf32, #tpu.memory_space<hbm>>, %arg10: memref<160x128xi32, #tpu.memory_space<vmem>>, %arg11: memref<160x128xi32, #tpu.memory_space<vmem>>, %arg12: memref<10048x64xf32, #tpu.memory_space<vmem_shared>>, %arg13: memref<628x64xf32, #tpu.memory_space<vmem>>) attributes {dimension_semantics = [#tpu.dimension_semantics<core_parallel>, #tpu.dimension_semantics<subcore_parallel>], iteration_bounds = array<i64: 2, 16>, scalar_prefetch = 0 : i64, scratch_operands = 4 : i64, tpu.core_type = #tpu.core_type<sc_vector_subcore>, window_params = [{transform_indices = #map}, {transform_indices = #map}, {transform_indices = #map1}, {transform_indices = #map1}, {transform_indices = #map1}, {transform_indices = #map1}, {transform_indices = #map}, {transform_indices = #map}]} {
    %scan3A = arith.constant 0 : i32
    %scan3A_0 = arith.constant 0 : i32
    %scan3A_1 = arith.constant 628 : i32
    %scan3A_2 = arith.addi %scan3A_0, %scan3A_1 : i32
    %scan3A_3 = arith.constant 1 : i32
    %scan3A_4 = scf.for %scan3A_27 = %scan3A_0 to %scan3A_2 step %scan3A_3 iter_args(%scan3A_28 = %scan3A) -> (i32)  : i32 {
      %broadcast_in_dim3A = arith.constant 0.000000e+00 : f32
      %broadcast_in_dim3A_29 = vector.broadcast %broadcast_in_dim3A : f32 to vector<16xf32>
      %swap3A = arith.index_cast %scan3A_27 : i32 to index
      %swap3A_30 = arith.constant 0 : index
      %swap3A_31 = tpu.vector_load %arg13[%swap3A, %swap3A_30] {strides = array<i32>} : memref<628x64xf32, #tpu.memory_space<vmem>>, vector<1x16xf32>,
      %swap3A_32 = vector.shape_cast %swap3A_31 : vector<1x16xf32> to vector<16xf32>
      %swap3A_33 = vector.shape_cast %broadcast_in_dim3A_29 : vector<16xf32> to vector<1x16xf32>
      tpu.vector_store %arg13[%swap3A, %swap3A_30], %swap3A_33 {strides = array<i32>} : memref<628x64xf32, #tpu.memory_space<vmem>>, vector<1x16xf32>,
      %broadcast_in_dim3A_34 = arith.constant 0.000000e+00 : f32
      %broadcast_in_dim3A_35 = vector.broadcast %broadcast_in_dim3A_34 : f32 to vector<16xf32>
      %swap3A_36 = arith.index_cast %scan3A_27 : i32 to index
      %swap3A_37 = arith.constant 16 : index
      %swap3A_38 = tpu.vector_load %arg13[%swap3A_36, %swap3A_37] {strides = array<i32>} : memref<628x64xf32, #tpu.memory_space<vmem>>, vector<1x16xf32>,
      %swap3A_39 = vector.shape_cast %swap3A_38 : vector<1x16xf32> to vector<16xf32>
      %swap3A_40 = vector.shape_cast %broadcast_in_dim3A_35 : vector<16xf32> to vector<1x16xf32>
      tpu.vector_store %arg13[%swap3A_36, %swap3A_37], %swap3A_40 {strides = array<i32>} : memref<628x64xf32, #tpu.memory_space<vmem>>, vector<1x16xf32>,
      %broadcast_in_dim3A_41 = arith.constant 0.000000e+00 : f32
      %broadcast_in_dim3A_42 = vector.broadcast %broadcast_in_dim3A_41 : f32 to vector<16xf32>
      %swap3A_43 = arith.index_cast %scan3A_27 : i32 to index
      %swap3A_44 = arith.constant 32 : index
      %swap3A_45 = tpu.vector_load %arg13[%swap3A_43, %swap3A_44] {strides = array<i32>} : memref<628x64xf32, #tpu.memory_space<vmem>>, vector<1x16xf32>,
      %swap3A_46 = vector.shape_cast %swap3A_45 : vector<1x16xf32> to vector<16xf32>
      %swap3A_47 = vector.shape_cast %broadcast_in_dim3A_42 : vector<16xf32> to vector<1x16xf32>
      tpu.vector_store %arg13[%swap3A_43, %swap3A_44], %swap3A_47 {strides = array<i32>} : memref<628x64xf32, #tpu.memory_space<vmem>>, vector<1x16xf32>,
      %broadcast_in_dim3A_48 = arith.constant 0.000000e+00 : f32
      %broadcast_in_dim3A_49 = vector.broadcast %broadcast_in_dim3A_48 : f32 to vector<16xf32>
      %swap3A_50 = arith.index_cast %scan3A_27 : i32 to index
      %swap3A_51 = arith.constant 48 : index
      %swap3A_52 = tpu.vector_load %arg13[%swap3A_50, %swap3A_51] {strides = array<i32>} : memref<628x64xf32, #tpu.memory_space<vmem>>, vector<1x16xf32>,
      %swap3A_53 = vector.shape_cast %swap3A_52 : vector<1x16xf32> to vector<16xf32>
      %swap3A_54 = vector.shape_cast %broadcast_in_dim3A_49 : vector<16xf32> to vector<1x16xf32>
      tpu.vector_store %arg13[%swap3A_50, %swap3A_51], %swap3A_54 {strides = array<i32>} : memref<628x64xf32, #tpu.memory_space<vmem>>, vector<1x16xf32>,
      %scan3A_55 = arith.constant 0 : i32
      scf.yield %scan3A_55 : i32
    }
    %scan3A_5 = arith.constant 628 : i32
    %mul3A = arith.constant 628 : i32
    %mul3A_6 = arith.muli %arg1, %mul3A : i32
    "tpu.region"() ({
      %run_scoped3A = tpu.sem_alloc : memref<!tpu.dma_semaphore, #tpu.memory_space<semaphore_mem>>
      %dma_start3A = arith.constant 0 : i32
      %dma_start3A_27 = arith.constant 0 : i32
      %dma_start3A_28 = tpu.memref_slice %arg13[%dma_start3A, %dma_start3A_27] : memref<628x64xf32, #tpu.memory_space<vmem>> -> memref<628x64xf32, #tpu.memory_space<vmem>>
      %dma_start3A_29 = arith.constant 0 : i32
      %dma_start3A_30 = tpu.memref_slice %arg12[%mul3A_6, %dma_start3A_29] : memref<10048x64xf32, #tpu.memory_space<vmem_shared>> -> memref<628x64xf32, #tpu.memory_space<vmem_shared>>
      %dma_start3A_31 = arith.constant 0 : i32
      %dma_start3A_32 = tpu.memref_slice %arg12[%mul3A_6, %dma_start3A_31] : memref<10048x64xf32, #tpu.memory_space<vmem_shared>> -> memref<628x64xf32, #tpu.memory_space<vmem_shared>>
      %dma_start3A_33 = arith.constant 0 : i32
      %dma_start3A_34 = arith.constant 0 : i32
      %dma_start3A_35 = tpu.memref_slice %arg13[%dma_start3A_33, %dma_start3A_34] : memref<628x64xf32, #tpu.memory_space<vmem>> -> memref<628x64xf32, #tpu.memory_space<vmem>>
      tpu.enqueue_dma source(%dma_start3A_35 : memref<628x64xf32, #tpu.memory_space<vmem>>) target(%dma_start3A_32 : memref<628x64xf32, #tpu.memory_space<vmem_shared>>) target_semaphore(%run_scoped3A : memref<!tpu.dma_semaphore, #tpu.memory_space<semaphore_mem>>)
      %dma_wait3A = arith.constant 0 : i32
      %dma_wait3A_36 = arith.constant 0 : i32
      %dma_wait3A_37 = tpu.memref_slice %arg13[%dma_wait3A, %dma_wait3A_36] : memref<628x64xf32, #tpu.memory_space<vmem>> -> memref<628x64xf32, #tpu.memory_space<vmem>>
      %dma_wait3A_38 = arith.constant 0 : i32
      %dma_wait3A_39 = tpu.memref_slice %arg12[%mul3A_6, %dma_wait3A_38] : memref<10048x64xf32, #tpu.memory_space<vmem_shared>> -> memref<628x64xf32, #tpu.memory_space<vmem_shared>>
      %dma_wait3A_40 = arith.constant 0 : i32
      %dma_wait3A_41 = tpu.memref_slice %arg12[%mul3A_6, %dma_wait3A_40] : memref<10048x64xf32, #tpu.memory_space<vmem_shared>> -> memref<628x64xf32, #tpu.memory_space<vmem_shared>>
      %dma_wait3A_42 = arith.constant 0 : i32
      %dma_wait3A_43 = arith.constant 0 : i32
      %dma_wait3A_44 = tpu.memref_slice %arg13[%dma_wait3A_42, %dma_wait3A_43] : memref<628x64xf32, #tpu.memory_space<vmem>> -> memref<628x64xf32, #tpu.memory_space<vmem>>
      tpu.wait_dma2 semaphore(%run_scoped3A : memref<!tpu.dma_semaphore, #tpu.memory_space<semaphore_mem>>) src(%dma_wait3A_44 : memref<628x64xf32, #tpu.memory_space<vmem>>) dst(%dma_wait3A_41 : memref<628x64xf32, #tpu.memory_space<vmem_shared>>)
      tpu.yield
    }) : () -> ()
    %barrier3A = arith.constant 0 : index
    tpu.barrier barrier_id(%barrier3A)
    %eq3A = arith.constant 0 : i32
    %eq3A_7 = arith.cmpi eq, %arg0, %eq3A : i32
    %convert_element_type3A = arith.extui %eq3A_7 : i1 to i32
    %cond3A = arith.constant 0 : i32
    %cond3A_8 = arith.cmpi ne, %convert_element_type3A, %cond3A : i32
    scf.if %cond3A_8 {
      "tpu.region"() ({
        %run_scoped3A = tpu.sem_alloc : memref<!tpu.dma_semaphore, #tpu.memory_space<semaphore_mem>>
        %dma_start3A = arith.constant 0 : i32
        %dma_start3A_34 = arith.constant 0 : i32
        %dma_start3A_35 = tpu.memref_slice %arg4[%arg1, %dma_start3A, %dma_start3A_34] : memref<16x160x128xi32, #tpu.memory_space<hbm>> -> memref<1x160x128xi32, #tpu.memory_space<hbm>>
        %dma_start3A_36 = tpu.memref_squeeze %dma_start3A_35 : memref<1x160x128xi32, #tpu.memory_space<hbm>> -> memref<160x128xi32, #tpu.memory_space<hbm>>
        %dma_start3A_37 = arith.constant 0 : i32
        %dma_start3A_38 = arith.constant 0 : i32
        %dma_start3A_39 = tpu.memref_slice %arg4[%arg1, %dma_start3A_37, %dma_start3A_38] : memref<16x160x128xi32, #tpu.memory_space<hbm>> -> memref<1x160x128xi32, #tpu.memory_space<hbm>>
        %dma_start3A_40 = tpu.memref_squeeze %dma_start3A_39 : memref<1x160x128xi32, #tpu.memory_space<hbm>> -> memref<160x128xi32, #tpu.memory_space<hbm>>
        tpu.enqueue_dma source(%dma_start3A_40 : memref<160x128xi32, #tpu.memory_space<hbm>>) target(%arg10 : memref<160x128xi32, #tpu.memory_space<vmem>>) target_semaphore(%run_scoped3A : memref<!tpu.dma_semaphore, #tpu.memory_space<semaphore_mem>>)
        %dma_wait3A = arith.constant 0 : i32
        %dma_wait3A_41 = arith.constant 0 : i32
        %dma_wait3A_42 = tpu.memref_slice %arg4[%arg1, %dma_wait3A, %dma_wait3A_41] : memref<16x160x128xi32, #tpu.memory_space<hbm>> -> memref<1x160x128xi32, #tpu.memory_space<hbm>>
        %dma_wait3A_43 = tpu.memref_squeeze %dma_wait3A_42 : memref<1x160x128xi32, #tpu.memory_space<hbm>> -> memref<160x128xi32, #tpu.memory_space<hbm>>
        %dma_wait3A_44 = arith.constant 0 : i32
        %dma_wait3A_45 = arith.constant 0 : i32
        %dma_wait3A_46 = tpu.memref_slice %arg4[%arg1, %dma_wait3A_44, %dma_wait3A_45] : memref<16x160x128xi32, #tpu.memory_space<hbm>> -> memref<1x160x128xi32, #tpu.memory_space<hbm>>
        %dma_wait3A_47 = tpu.memref_squeeze %dma_wait3A_46 : memref<1x160x128xi32, #tpu.memory_space<hbm>> -> memref<160x128xi32, #tpu.memory_space<hbm>>
        tpu.wait_dma2 semaphore(%run_scoped3A : memref<!tpu.dma_semaphore, #tpu.memory_space<semaphore_mem>>) src(%dma_wait3A_47 : memref<160x128xi32, #tpu.memory_space<hbm>>) dst(%arg10 : memref<160x128xi32, #tpu.memory_space<vmem>>)
        tpu.yield
      }) : () -> ()
      "tpu.region"() ({
        %run_scoped3A = tpu.sem_alloc : memref<!tpu.dma_semaphore, #tpu.memory_space<semaphore_mem>>
        %dma_start3A = arith.constant 0 : i32
        %dma_start3A_34 = arith.constant 0 : i32
        %dma_start3A_35 = tpu.memref_slice %arg5[%arg1, %dma_start3A, %dma_start3A_34] : memref<16x160x128xi32, #tpu.memory_space<hbm>> -> memref<1x160x128xi32, #tpu.memory_space<hbm>>
        %dma_start3A_36 = tpu.memref_squeeze %dma_start3A_35 : memref<1x160x128xi32, #tpu.memory_space<hbm>> -> memref<160x128xi32, #tpu.memory_space<hbm>>
        %dma_start3A_37 = arith.constant 0 : i32
        %dma_start3A_38 = arith.constant 0 : i32
        %dma_start3A_39 = tpu.memref_slice %arg5[%arg1, %dma_start3A_37, %dma_start3A_38] : memref<16x160x128xi32, #tpu.memory_space<hbm>> -> memref<1x160x128xi32, #tpu.memory_space<hbm>>
        %dma_start3A_40 = tpu.memref_squeeze %dma_start3A_39 : memref<1x160x128xi32, #tpu.memory_space<hbm>> -> memref<160x128xi32, #tpu.memory_space<hbm>>
        tpu.enqueue_dma source(%dma_start3A_40 : memref<160x128xi32, #tpu.memory_space<hbm>>) target(%arg11 : memref<160x128xi32, #tpu.memory_space<vmem>>) target_semaphore(%run_scoped3A : memref<!tpu.dma_semaphore, #tpu.memory_space<semaphore_mem>>)
        %dma_wait3A = arith.constant 0 : i32
        %dma_wait3A_41 = arith.constant 0 : i32
        %dma_wait3A_42 = tpu.memref_slice %arg5[%arg1, %dma_wait3A, %dma_wait3A_41] : memref<16x160x128xi32, #tpu.memory_space<hbm>> -> memref<1x160x128xi32, #tpu.memory_space<hbm>>
        %dma_wait3A_43 = tpu.memref_squeeze %dma_wait3A_42 : memref<1x160x128xi32, #tpu.memory_space<hbm>> -> memref<160x128xi32, #tpu.memory_space<hbm>>
        %dma_wait3A_44 = arith.constant 0 : i32
        %dma_wait3A_45 = arith.constant 0 : i32
        %dma_wait3A_46 = tpu.memref_slice %arg5[%arg1, %dma_wait3A_44, %dma_wait3A_45] : memref<16x160x128xi32, #tpu.memory_space<hbm>> -> memref<1x160x128xi32, #tpu.memory_space<hbm>>
        %dma_wait3A_47 = tpu.memref_squeeze %dma_wait3A_46 : memref<1x160x128xi32, #tpu.memory_space<hbm>> -> memref<160x128xi32, #tpu.memory_space<hbm>>
        tpu.wait_dma2 semaphore(%run_scoped3A : memref<!tpu.dma_semaphore, #tpu.memory_space<semaphore_mem>>) src(%dma_wait3A_47 : memref<160x128xi32, #tpu.memory_space<hbm>>) dst(%arg11 : memref<160x128xi32, #tpu.memory_space<vmem>>)
        tpu.yield
      }) : () -> ()
      %scan3A_27 = arith.constant 0 : i32
      %scan3A_28 = arith.constant 0 : i32
      %scan3A_29 = arith.constant 160 : i32
      %scan3A_30 = arith.addi %scan3A_28, %scan3A_29 : i32
      %scan3A_31 = arith.constant 1 : i32
      %scan3A_32 = scf.for %scan3A_34 = %scan3A_28 to %scan3A_30 step %scan3A_31 iter_args(%scan3A_35 = %scan3A_27) -> (i32)  : i32 {
        "tpu.region"() ({
          %run_scoped3A = tpu.sem_alloc : memref<!tpu.dma_semaphore, #tpu.memory_space<semaphore_mem>>
          %dma_start3A = arith.constant 0 : i32
          %dma_start3A_40 = arith.constant 0 : i32
          %dma_start3A_41 = tpu.memref_slice %arg13[%dma_start3A, %dma_start3A_40] : memref<628x64xf32, #tpu.memory_space<vmem>> -> memref<128x64xf32, #tpu.memory_space<vmem>>
          %dma_start3A_42 = arith.constant 0 : i32
          %dma_start3A_43 = tpu.memref_slice %arg10[%scan3A_34, %dma_start3A_42] : memref<160x128xi32, #tpu.memory_space<vmem>> -> memref<1x128xi32, #tpu.memory_space<vmem>>
          %dma_start3A_44 = tpu.memref_squeeze %dma_start3A_43 : memref<1x128xi32, #tpu.memory_space<vmem>> -> memref<128xi32, #tpu.memory_space<vmem>>
          %dma_start3A_45 = arith.constant 0 : i32
          %dma_start3A_46 = arith.constant 0 : i32
          %dma_start3A_47 = tpu.memref_slice %arg2[%dma_start3A_45, %dma_start3A_46] : memref<10000x64xf32, #tpu.memory_space<hbm>> -> memref<10000x64xf32, #tpu.memory_space<hbm>>
          tpu.enqueue_indirect_dma source(%dma_start3A_47 : memref<10000x64xf32, #tpu.memory_space<hbm>>) target(%dma_start3A_41 : memref<128x64xf32, #tpu.memory_space<vmem>>) offsets(%dma_start3A_44 : memref<128xi32, #tpu.memory_space<vmem>>) semaphore(%run_scoped3A : memref<!tpu.dma_semaphore, #tpu.memory_space<semaphore_mem>>)
          %dma_wait3A = arith.constant 0 : i32
          %dma_wait3A_48 = arith.constant 0 : i32
          %dma_wait3A_49 = tpu.memref_slice %arg13[%dma_wait3A, %dma_wait3A_48] : memref<628x64xf32, #tpu.memory_space<vmem>> -> memref<128x64xf32, #tpu.memory_space<vmem>>
          %dma_wait3A_50 = arith.constant 0 : i32
          %dma_wait3A_51 = tpu.memref_slice %arg10[%scan3A_34, %dma_wait3A_50] : memref<160x128xi32, #tpu.memory_space<vmem>> -> memref<1x128xi32, #tpu.memory_space<vmem>>
          %dma_wait3A_52 = tpu.memref_squeeze %dma_wait3A_51 : memref<1x128xi32, #tpu.memory_space<vmem>> -> memref<128xi32, #tpu.memory_space<vmem>>
          %dma_wait3A_53 = arith.constant 0 : i32
          %dma_wait3A_54 = arith.constant 0 : i32
          %dma_wait3A_55 = tpu.memref_slice %arg2[%dma_wait3A_53, %dma_wait3A_54] : memref<10000x64xf32, #tpu.memory_space<hbm>> -> memref<10000x64xf32, #tpu.memory_space<hbm>>
          tpu.wait_indirect_dma semaphore(%run_scoped3A : memref<!tpu.dma_semaphore, #tpu.memory_space<semaphore_mem>>) src(%dma_wait3A_55 : memref<10000x64xf32, #tpu.memory_space<hbm>>) dst(%dma_wait3A_49 : memref<128x64xf32, #tpu.memory_space<vmem>>)
          tpu.yield
        }) : () -> ()
        %mul3A_36 = arith.constant 1 : i32
        %mul3A_37 = arith.muli %scan3A_34, %mul3A_36 : i32
        %add3A = arith.constant 0 : i32
        %add3A_38 = arith.addi %mul3A_37, %add3A : i32
        "tpu.region"() ({
          %run_scoped3A = tpu.sem_alloc : memref<!tpu.dma_semaphore, #tpu.memory_space<semaphore_mem>>
          %dma_start3A = arith.constant 0 : i32
          %dma_start3A_40 = arith.constant 0 : i32
          %dma_start3A_41 = tpu.memref_slice %arg13[%dma_start3A, %dma_start3A_40] : memref<628x64xf32, #tpu.memory_space<vmem>> -> memref<128x64xf32, #tpu.memory_space<vmem>>
          %dma_start3A_42 = arith.constant 0 : i32
          %dma_start3A_43 = tpu.memref_slice %arg11[%add3A_38, %dma_start3A_42] : memref<160x128xi32, #tpu.memory_space<vmem>> -> memref<1x128xi32, #tpu.memory_space<vmem>>
          %dma_start3A_44 = tpu.memref_squeeze %dma_start3A_43 : memref<1x128xi32, #tpu.memory_space<vmem>> -> memref<128xi32, #tpu.memory_space<vmem>>
          %dma_start3A_45 = arith.constant 0 : i32
          %dma_start3A_46 = arith.constant 0 : i32
          %dma_start3A_47 = tpu.memref_slice %arg12[%dma_start3A_45, %dma_start3A_46] : memref<10048x64xf32, #tpu.memory_space<vmem_shared>> -> memref<10048x64xf32, #tpu.memory_space<vmem_shared>>
          tpu.enqueue_indirect_dma source(%dma_start3A_41 : memref<128x64xf32, #tpu.memory_space<vmem>>) target(%dma_start3A_47 : memref<10048x64xf32, #tpu.memory_space<vmem_shared>>) offsets(%dma_start3A_44 : memref<128xi32, #tpu.memory_space<vmem>>) semaphore(%run_scoped3A : memref<!tpu.dma_semaphore, #tpu.memory_space<semaphore_mem>>) {add = true}
          %dma_wait3A = arith.constant 0 : i32
          %dma_wait3A_48 = arith.constant 0 : i32
          %dma_wait3A_49 = tpu.memref_slice %arg13[%dma_wait3A, %dma_wait3A_48] : memref<628x64xf32, #tpu.memory_space<vmem>> -> memref<128x64xf32, #tpu.memory_space<vmem>>
          %dma_wait3A_50 = arith.constant 0 : i32
          %dma_wait3A_51 = tpu.memref_slice %arg11[%add3A_38, %dma_wait3A_50] : memref<160x128xi32, #tpu.memory_space<vmem>> -> memref<1x128xi32, #tpu.memory_space<vmem>>
          %dma_wait3A_52 = tpu.memref_squeeze %dma_wait3A_51 : memref<1x128xi32, #tpu.memory_space<vmem>> -> memref<128xi32, #tpu.memory_space<vmem>>
          %dma_wait3A_53 = arith.constant 0 : i32
          %dma_wait3A_54 = arith.constant 0 : i32
          %dma_wait3A_55 = tpu.memref_slice %arg12[%dma_wait3A_53, %dma_wait3A_54] : memref<10048x64xf32, #tpu.memory_space<vmem_shared>> -> memref<10048x64xf32, #tpu.memory_space<vmem_shared>>
          tpu.wait_indirect_dma semaphore(%run_scoped3A : memref<!tpu.dma_semaphore, #tpu.memory_space<semaphore_mem>>) src(%dma_wait3A_49 : memref<128x64xf32, #tpu.memory_space<vmem>>) dst(%dma_wait3A_55 : memref<10048x64xf32, #tpu.memory_space<vmem_shared>>)
          tpu.yield
        }) : () -> ()
        %scan3A_39 = arith.constant 0 : i32
        scf.yield %scan3A_39 : i32
      }
      %scan3A_33 = arith.constant 160 : i32
    } else {
    }
    %eq3A_9 = arith.constant 1 : i32
    %eq3A_10 = arith.cmpi eq, %arg0, %eq3A_9 : i32
    %convert_element_type3A_11 = arith.extui %eq3A_10 : i1 to i32
    %cond3A_12 = arith.constant 0 : i32
    %cond3A_13 = arith.cmpi ne, %convert_element_type3A_11, %cond3A_12 : i32
    scf.if %cond3A_13 {
      "tpu.region"() ({
        %run_scoped3A = tpu.sem_alloc : memref<!tpu.dma_semaphore, #tpu.memory_space<semaphore_mem>>
        %dma_start3A = arith.constant 0 : i32
        %dma_start3A_34 = arith.constant 0 : i32
        %dma_start3A_35 = tpu.memref_slice %arg6[%arg1, %dma_start3A, %dma_start3A_34] : memref<16x160x128xi32, #tpu.memory_space<hbm>> -> memref<1x160x128xi32, #tpu.memory_space<hbm>>
        %dma_start3A_36 = tpu.memref_squeeze %dma_start3A_35 : memref<1x160x128xi32, #tpu.memory_space<hbm>> -> memref<160x128xi32, #tpu.memory_space<hbm>>
        %dma_start3A_37 = arith.constant 0 : i32
        %dma_start3A_38 = arith.constant 0 : i32
        %dma_start3A_39 = tpu.memref_slice %arg6[%arg1, %dma_start3A_37, %dma_start3A_38] : memref<16x160x128xi32, #tpu.memory_space<hbm>> -> memref<1x160x128xi32, #tpu.memory_space<hbm>>
        %dma_start3A_40 = tpu.memref_squeeze %dma_start3A_39 : memref<1x160x128xi32, #tpu.memory_space<hbm>> -> memref<160x128xi32, #tpu.memory_space<hbm>>
        tpu.enqueue_dma source(%dma_start3A_40 : memref<160x128xi32, #tpu.memory_space<hbm>>) target(%arg10 : memref<160x128xi32, #tpu.memory_space<vmem>>) target_semaphore(%run_scoped3A : memref<!tpu.dma_semaphore, #tpu.memory_space<semaphore_mem>>)
        %dma_wait3A = arith.constant 0 : i32
        %dma_wait3A_41 = arith.constant 0 : i32
        %dma_wait3A_42 = tpu.memref_slice %arg6[%arg1, %dma_wait3A, %dma_wait3A_41] : memref<16x160x128xi32, #tpu.memory_space<hbm>> -> memref<1x160x128xi32, #tpu.memory_space<hbm>>
        %dma_wait3A_43 = tpu.memref_squeeze %dma_wait3A_42 : memref<1x160x128xi32, #tpu.memory_space<hbm>> -> memref<160x128xi32, #tpu.memory_space<hbm>>
        %dma_wait3A_44 = arith.constant 0 : i32
        %dma_wait3A_45 = arith.constant 0 : i32
        %dma_wait3A_46 = tpu.memref_slice %arg6[%arg1, %dma_wait3A_44, %dma_wait3A_45] : memref<16x160x128xi32, #tpu.memory_space<hbm>> -> memref<1x160x128xi32, #tpu.memory_space<hbm>>
        %dma_wait3A_47 = tpu.memref_squeeze %dma_wait3A_46 : memref<1x160x128xi32, #tpu.memory_space<hbm>> -> memref<160x128xi32, #tpu.memory_space<hbm>>
        tpu.wait_dma2 semaphore(%run_scoped3A : memref<!tpu.dma_semaphore, #tpu.memory_space<semaphore_mem>>) src(%dma_wait3A_47 : memref<160x128xi32, #tpu.memory_space<hbm>>) dst(%arg10 : memref<160x128xi32, #tpu.memory_space<vmem>>)
        tpu.yield
      }) : () -> ()
      "tpu.region"() ({
        %run_scoped3A = tpu.sem_alloc : memref<!tpu.dma_semaphore, #tpu.memory_space<semaphore_mem>>
        %dma_start3A = arith.constant 0 : i32
        %dma_start3A_34 = arith.constant 0 : i32
        %dma_start3A_35 = tpu.memref_slice %arg7[%arg1, %dma_start3A, %dma_start3A_34] : memref<16x160x128xi32, #tpu.memory_space<hbm>> -> memref<1x160x128xi32, #tpu.memory_space<hbm>>
        %dma_start3A_36 = tpu.memref_squeeze %dma_start3A_35 : memref<1x160x128xi32, #tpu.memory_space<hbm>> -> memref<160x128xi32, #tpu.memory_space<hbm>>
        %dma_start3A_37 = arith.constant 0 : i32
        %dma_start3A_38 = arith.constant 0 : i32
        %dma_start3A_39 = tpu.memref_slice %arg7[%arg1, %dma_start3A_37, %dma_start3A_38] : memref<16x160x128xi32, #tpu.memory_space<hbm>> -> memref<1x160x128xi32, #tpu.memory_space<hbm>>
        %dma_start3A_40 = tpu.memref_squeeze %dma_start3A_39 : memref<1x160x128xi32, #tpu.memory_space<hbm>> -> memref<160x128xi32, #tpu.memory_space<hbm>>
        tpu.enqueue_dma source(%dma_start3A_40 : memref<160x128xi32, #tpu.memory_space<hbm>>) target(%arg11 : memref<160x128xi32, #tpu.memory_space<vmem>>) target_semaphore(%run_scoped3A : memref<!tpu.dma_semaphore, #tpu.memory_space<semaphore_mem>>)
        %dma_wait3A = arith.constant 0 : i32
        %dma_wait3A_41 = arith.constant 0 : i32
        %dma_wait3A_42 = tpu.memref_slice %arg7[%arg1, %dma_wait3A, %dma_wait3A_41] : memref<16x160x128xi32, #tpu.memory_space<hbm>> -> memref<1x160x128xi32, #tpu.memory_space<hbm>>
        %dma_wait3A_43 = tpu.memref_squeeze %dma_wait3A_42 : memref<1x160x128xi32, #tpu.memory_space<hbm>> -> memref<160x128xi32, #tpu.memory_space<hbm>>
        %dma_wait3A_44 = arith.constant 0 : i32
        %dma_wait3A_45 = arith.constant 0 : i32
        %dma_wait3A_46 = tpu.memref_slice %arg7[%arg1, %dma_wait3A_44, %dma_wait3A_45] : memref<16x160x128xi32, #tpu.memory_space<hbm>> -> memref<1x160x128xi32, #tpu.memory_space<hbm>>
        %dma_wait3A_47 = tpu.memref_squeeze %dma_wait3A_46 : memref<1x160x128xi32, #tpu.memory_space<hbm>> -> memref<160x128xi32, #tpu.memory_space<hbm>>
        tpu.wait_dma2 semaphore(%run_scoped3A : memref<!tpu.dma_semaphore, #tpu.memory_space<semaphore_mem>>) src(%dma_wait3A_47 : memref<160x128xi32, #tpu.memory_space<hbm>>) dst(%arg11 : memref<160x128xi32, #tpu.memory_space<vmem>>)
        tpu.yield
      }) : () -> ()
      %scan3A_27 = arith.constant 0 : i32
      %scan3A_28 = arith.constant 0 : i32
      %scan3A_29 = arith.constant 160 : i32
      %scan3A_30 = arith.addi %scan3A_28, %scan3A_29 : i32
      %scan3A_31 = arith.constant 1 : i32
      %scan3A_32 = scf.for %scan3A_34 = %scan3A_28 to %scan3A_30 step %scan3A_31 iter_args(%scan3A_35 = %scan3A_27) -> (i32)  : i32 {
        "tpu.region"() ({
          %run_scoped3A = tpu.sem_alloc : memref<!tpu.dma_semaphore, #tpu.memory_space<semaphore_mem>>
          %dma_start3A = arith.constant 0 : i32
          %dma_start3A_40 = arith.constant 0 : i32
          %dma_start3A_41 = tpu.memref_slice %arg13[%dma_start3A, %dma_start3A_40] : memref<628x64xf32, #tpu.memory_space<vmem>> -> memref<128x64xf32, #tpu.memory_space<vmem>>
          %dma_start3A_42 = arith.constant 0 : i32
          %dma_start3A_43 = tpu.memref_slice %arg10[%scan3A_34, %dma_start3A_42] : memref<160x128xi32, #tpu.memory_space<vmem>> -> memref<1x128xi32, #tpu.memory_space<vmem>>
          %dma_start3A_44 = tpu.memref_squeeze %dma_start3A_43 : memref<1x128xi32, #tpu.memory_space<vmem>> -> memref<128xi32, #tpu.memory_space<vmem>>
          %dma_start3A_45 = arith.constant 0 : i32
          %dma_start3A_46 = arith.constant 0 : i32
          %dma_start3A_47 = tpu.memref_slice %arg3[%dma_start3A_45, %dma_start3A_46] : memref<10000x64xf32, #tpu.memory_space<hbm>> -> memref<10000x64xf32, #tpu.memory_space<hbm>>
          tpu.enqueue_indirect_dma source(%dma_start3A_47 : memref<10000x64xf32, #tpu.memory_space<hbm>>) target(%dma_start3A_41 : memref<128x64xf32, #tpu.memory_space<vmem>>) offsets(%dma_start3A_44 : memref<128xi32, #tpu.memory_space<vmem>>) semaphore(%run_scoped3A : memref<!tpu.dma_semaphore, #tpu.memory_space<semaphore_mem>>)
          %dma_wait3A = arith.constant 0 : i32
          %dma_wait3A_48 = arith.constant 0 : i32
          %dma_wait3A_49 = tpu.memref_slice %arg13[%dma_wait3A, %dma_wait3A_48] : memref<628x64xf32, #tpu.memory_space<vmem>> -> memref<128x64xf32, #tpu.memory_space<vmem>>
          %dma_wait3A_50 = arith.constant 0 : i32
          %dma_wait3A_51 = tpu.memref_slice %arg10[%scan3A_34, %dma_wait3A_50] : memref<160x128xi32, #tpu.memory_space<vmem>> -> memref<1x128xi32, #tpu.memory_space<vmem>>
          %dma_wait3A_52 = tpu.memref_squeeze %dma_wait3A_51 : memref<1x128xi32, #tpu.memory_space<vmem>> -> memref<128xi32, #tpu.memory_space<vmem>>
          %dma_wait3A_53 = arith.constant 0 : i32
          %dma_wait3A_54 = arith.constant 0 : i32
          %dma_wait3A_55 = tpu.memref_slice %arg3[%dma_wait3A_53, %dma_wait3A_54] : memref<10000x64xf32, #tpu.memory_space<hbm>> -> memref<10000x64xf32, #tpu.memory_space<hbm>>
          tpu.wait_indirect_dma semaphore(%run_scoped3A : memref<!tpu.dma_semaphore, #tpu.memory_space<semaphore_mem>>) src(%dma_wait3A_55 : memref<10000x64xf32, #tpu.memory_space<hbm>>) dst(%dma_wait3A_49 : memref<128x64xf32, #tpu.memory_space<vmem>>)
          tpu.yield
        }) : () -> ()
        %mul3A_36 = arith.constant 1 : i32
        %mul3A_37 = arith.muli %scan3A_34, %mul3A_36 : i32
        %add3A = arith.constant 0 : i32
        %add3A_38 = arith.addi %mul3A_37, %add3A : i32
        "tpu.region"() ({
          %run_scoped3A = tpu.sem_alloc : memref<!tpu.dma_semaphore, #tpu.memory_space<semaphore_mem>>
          %dma_start3A = arith.constant 0 : i32
          %dma_start3A_40 = arith.constant 0 : i32
          %dma_start3A_41 = tpu.memref_slice %arg13[%dma_start3A, %dma_start3A_40] : memref<628x64xf32, #tpu.memory_space<vmem>> -> memref<128x64xf32, #tpu.memory_space<vmem>>
          %dma_start3A_42 = arith.constant 0 : i32
          %dma_start3A_43 = tpu.memref_slice %arg11[%add3A_38, %dma_start3A_42] : memref<160x128xi32, #tpu.memory_space<vmem>> -> memref<1x128xi32, #tpu.memory_space<vmem>>
          %dma_start3A_44 = tpu.memref_squeeze %dma_start3A_43 : memref<1x128xi32, #tpu.memory_space<vmem>> -> memref<128xi32, #tpu.memory_space<vmem>>
          %dma_start3A_45 = arith.constant 0 : i32
          %dma_start3A_46 = arith.constant 0 : i32
          %dma_start3A_47 = tpu.memref_slice %arg12[%dma_start3A_45, %dma_start3A_46] : memref<10048x64xf32, #tpu.memory_space<vmem_shared>> -> memref<10048x64xf32, #tpu.memory_space<vmem_shared>>
          tpu.enqueue_indirect_dma source(%dma_start3A_41 : memref<128x64xf32, #tpu.memory_space<vmem>>) target(%dma_start3A_47 : memref<10048x64xf32, #tpu.memory_space<vmem_shared>>) offsets(%dma_start3A_44 : memref<128xi32, #tpu.memory_space<vmem>>) semaphore(%run_scoped3A : memref<!tpu.dma_semaphore, #tpu.memory_space<semaphore_mem>>) {add = true}
          %dma_wait3A = arith.constant 0 : i32
          %dma_wait3A_48 = arith.constant 0 : i32
          %dma_wait3A_49 = tpu.memref_slice %arg13[%dma_wait3A, %dma_wait3A_48] : memref<628x64xf32, #tpu.memory_space<vmem>> -> memref<128x64xf32, #tpu.memory_space<vmem>>
          %dma_wait3A_50 = arith.constant 0 : i32
          %dma_wait3A_51 = tpu.memref_slice %arg11[%add3A_38, %dma_wait3A_50] : memref<160x128xi32, #tpu.memory_space<vmem>> -> memref<1x128xi32, #tpu.memory_space<vmem>>
          %dma_wait3A_52 = tpu.memref_squeeze %dma_wait3A_51 : memref<1x128xi32, #tpu.memory_space<vmem>> -> memref<128xi32, #tpu.memory_space<vmem>>
          %dma_wait3A_53 = arith.constant 0 : i32
          %dma_wait3A_54 = arith.constant 0 : i32
          %dma_wait3A_55 = tpu.memref_slice %arg12[%dma_wait3A_53, %dma_wait3A_54] : memref<10048x64xf32, #tpu.memory_space<vmem_shared>> -> memref<10048x64xf32, #tpu.memory_space<vmem_shared>>
          tpu.wait_indirect_dma semaphore(%run_scoped3A : memref<!tpu.dma_semaphore, #tpu.memory_space<semaphore_mem>>) src(%dma_wait3A_49 : memref<128x64xf32, #tpu.memory_space<vmem>>) dst(%dma_wait3A_55 : memref<10048x64xf32, #tpu.memory_space<vmem_shared>>)
          tpu.yield
        }) : () -> ()
        %scan3A_39 = arith.constant 0 : i32
        scf.yield %scan3A_39 : i32
      }
      %scan3A_33 = arith.constant 160 : i32
    } else {
    }
    %barrier3A_14 = arith.constant 0 : index
    tpu.barrier barrier_id(%barrier3A_14)
    %mul3A_15 = arith.constant 628 : i32
    %mul3A_16 = arith.muli %arg1, %mul3A_15 : i32
    "tpu.region"() ({
      %run_scoped3A = tpu.sem_alloc : memref<!tpu.dma_semaphore, #tpu.memory_space<semaphore_mem>>
      %dma_start3A = arith.constant 0 : i32
      %dma_start3A_27 = arith.constant 0 : i32
      %dma_start3A_28 = tpu.memref_slice %arg13[%dma_start3A, %dma_start3A_27] : memref<628x64xf32, #tpu.memory_space<vmem>> -> memref<628x64xf32, #tpu.memory_space<vmem>>
      %dma_start3A_29 = arith.constant 0 : i32
      %dma_start3A_30 = tpu.memref_slice %arg12[%mul3A_16, %dma_start3A_29] : memref<10048x64xf32, #tpu.memory_space<vmem_shared>> -> memref<628x64xf32, #tpu.memory_space<vmem_shared>>
      %dma_start3A_31 = arith.constant 0 : i32
      %dma_start3A_32 = arith.constant 0 : i32
      %dma_start3A_33 = tpu.memref_slice %arg13[%dma_start3A_31, %dma_start3A_32] : memref<628x64xf32, #tpu.memory_space<vmem>> -> memref<628x64xf32, #tpu.memory_space<vmem>>
      %dma_start3A_34 = arith.constant 0 : i32
      %dma_start3A_35 = tpu.memref_slice %arg12[%mul3A_16, %dma_start3A_34] : memref<10048x64xf32, #tpu.memory_space<vmem_shared>> -> memref<628x64xf32, #tpu.memory_space<vmem_shared>>
      tpu.enqueue_dma source(%dma_start3A_35 : memref<628x64xf32, #tpu.memory_space<vmem_shared>>) target(%dma_start3A_33 : memref<628x64xf32, #tpu.memory_space<vmem>>) target_semaphore(%run_scoped3A : memref<!tpu.dma_semaphore, #tpu.memory_space<semaphore_mem>>)
      %dma_wait3A = arith.constant 0 : i32
      %dma_wait3A_36 = arith.constant 0 : i32
      %dma_wait3A_37 = tpu.memref_slice %arg13[%dma_wait3A, %dma_wait3A_36] : memref<628x64xf32, #tpu.memory_space<vmem>> -> memref<628x64xf32, #tpu.memory_space<vmem>>
      %dma_wait3A_38 = arith.constant 0 : i32
      %dma_wait3A_39 = tpu.memref_slice %arg12[%mul3A_16, %dma_wait3A_38] : memref<10048x64xf32, #tpu.memory_space<vmem_shared>> -> memref<628x64xf32, #tpu.memory_space<vmem_shared>>
      %dma_wait3A_40 = arith.constant 0 : i32
      %dma_wait3A_41 = arith.constant 0 : i32
      %dma_wait3A_42 = tpu.memref_slice %arg13[%dma_wait3A_40, %dma_wait3A_41] : memref<628x64xf32, #tpu.memory_space<vmem>> -> memref<628x64xf32, #tpu.memory_space<vmem>>
      %dma_wait3A_43 = arith.constant 0 : i32
      %dma_wait3A_44 = tpu.memref_slice %arg12[%mul3A_16, %dma_wait3A_43] : memref<10048x64xf32, #tpu.memory_space<vmem_shared>> -> memref<628x64xf32, #tpu.memory_space<vmem_shared>>
      tpu.wait_dma2 semaphore(%run_scoped3A : memref<!tpu.dma_semaphore, #tpu.memory_space<semaphore_mem>>) src(%dma_wait3A_44 : memref<628x64xf32, #tpu.memory_space<vmem_shared>>) dst(%dma_wait3A_42 : memref<628x64xf32, #tpu.memory_space<vmem>>)
      tpu.yield
    }) : () -> ()
    %eq3A_17 = arith.constant 0 : i32
    %eq3A_18 = arith.cmpi eq, %arg0, %eq3A_17 : i32
    %convert_element_type3A_19 = arith.extui %eq3A_18 : i1 to i32
    %cond3A_20 = arith.constant 0 : i32
    %cond3A_21 = arith.cmpi ne, %convert_element_type3A_19, %cond3A_20 : i32
    scf.if %cond3A_21 {
      %mul3A_27 = arith.constant 628 : i32
      %mul3A_28 = arith.muli %arg1, %mul3A_27 : i32
      "tpu.region"() ({
        %run_scoped3A = tpu.sem_alloc : memref<!tpu.dma_semaphore, #tpu.memory_space<semaphore_mem>>
        %dma_start3A = arith.constant 0 : i32
        %dma_start3A_29 = arith.constant 0 : i32
        %dma_start3A_30 = tpu.memref_slice %arg13[%dma_start3A, %dma_start3A_29] : memref<628x64xf32, #tpu.memory_space<vmem>> -> memref<628x64xf32, #tpu.memory_space<vmem>>
        %dma_start3A_31 = arith.constant 0 : i32
        %dma_start3A_32 = tpu.memref_slice %arg8[%mul3A_28, %dma_start3A_31] : memref<10048x64xf32, #tpu.memory_space<hbm>> -> memref<628x64xf32, #tpu.memory_space<hbm>>
        %dma_start3A_33 = arith.constant 0 : i32
        %dma_start3A_34 = tpu.memref_slice %arg8[%mul3A_28, %dma_start3A_33] : memref<10048x64xf32, #tpu.memory_space<hbm>> -> memref<628x64xf32, #tpu.memory_space<hbm>>
        %dma_start3A_35 = arith.constant 0 : i32
        %dma_start3A_36 = arith.constant 0 : i32
        %dma_start3A_37 = tpu.memref_slice %arg13[%dma_start3A_35, %dma_start3A_36] : memref<628x64xf32, #tpu.memory_space<vmem>> -> memref<628x64xf32, #tpu.memory_space<vmem>>
        tpu.enqueue_dma source(%dma_start3A_37 : memref<628x64xf32, #tpu.memory_space<vmem>>) target(%dma_start3A_34 : memref<628x64xf32, #tpu.memory_space<hbm>>) target_semaphore(%run_scoped3A : memref<!tpu.dma_semaphore, #tpu.memory_space<semaphore_mem>>)
        %dma_wait3A = arith.constant 0 : i32
        %dma_wait3A_38 = arith.constant 0 : i32
        %dma_wait3A_39 = tpu.memref_slice %arg13[%dma_wait3A, %dma_wait3A_38] : memref<628x64xf32, #tpu.memory_space<vmem>> -> memref<628x64xf32, #tpu.memory_space<vmem>>
        %dma_wait3A_40 = arith.constant 0 : i32
        %dma_wait3A_41 = tpu.memref_slice %arg8[%mul3A_28, %dma_wait3A_40] : memref<10048x64xf32, #tpu.memory_space<hbm>> -> memref<628x64xf32, #tpu.memory_space<hbm>>
        %dma_wait3A_42 = arith.constant 0 : i32
        %dma_wait3A_43 = tpu.memref_slice %arg8[%mul3A_28, %dma_wait3A_42] : memref<10048x64xf32, #tpu.memory_space<hbm>> -> memref<628x64xf32, #tpu.memory_space<hbm>>
        %dma_wait3A_44 = arith.constant 0 : i32
        %dma_wait3A_45 = arith.constant 0 : i32
        %dma_wait3A_46 = tpu.memref_slice %arg13[%dma_wait3A_44, %dma_wait3A_45] : memref<628x64xf32, #tpu.memory_space<vmem>> -> memref<628x64xf32, #tpu.memory_space<vmem>>
        tpu.wait_dma2 semaphore(%run_scoped3A : memref<!tpu.dma_semaphore, #tpu.memory_space<semaphore_mem>>) src(%dma_wait3A_46 : memref<628x64xf32, #tpu.memory_space<vmem>>) dst(%dma_wait3A_43 : memref<628x64xf32, #tpu.memory_space<hbm>>)
        tpu.yield
      }) : () -> ()
    } else {
    }
    %eq3A_22 = arith.constant 1 : i32
    %eq3A_23 = arith.cmpi eq, %arg0, %eq3A_22 : i32
    %convert_element_type3A_24 = arith.extui %eq3A_23 : i1 to i32
    %cond3A_25 = arith.constant 0 : i32
    %cond3A_26 = arith.cmpi ne, %convert_element_type3A_24, %cond3A_25 : i32
    scf.if %cond3A_26 {
      %mul3A_27 = arith.constant 628 : i32
      %mul3A_28 = arith.muli %arg1, %mul3A_27 : i32
      "tpu.region"() ({
        %run_scoped3A = tpu.sem_alloc : memref<!tpu.dma_semaphore, #tpu.memory_space<semaphore_mem>>
        %dma_start3A = arith.constant 0 : i32
        %dma_start3A_29 = arith.constant 0 : i32
        %dma_start3A_30 = tpu.memref_slice %arg13[%dma_start3A, %dma_start3A_29] : memref<628x64xf32, #tpu.memory_space<vmem>> -> memref<628x64xf32, #tpu.memory_space<vmem>>
        %dma_start3A_31 = arith.constant 0 : i32
        %dma_start3A_32 = tpu.memref_slice %arg9[%mul3A_28, %dma_start3A_31] : memref<10048x64xf32, #tpu.memory_space<hbm>> -> memref<628x64xf32, #tpu.memory_space<hbm>>
        %dma_start3A_33 = arith.constant 0 : i32
        %dma_start3A_34 = tpu.memref_slice %arg9[%mul3A_28, %dma_start3A_33] : memref<10048x64xf32, #tpu.memory_space<hbm>> -> memref<628x64xf32, #tpu.memory_space<hbm>>
        %dma_start3A_35 = arith.constant 0 : i32
        %dma_start3A_36 = arith.constant 0 : i32
        %dma_start3A_37 = tpu.memref_slice %arg13[%dma_start3A_35, %dma_start3A_36] : memref<628x64xf32, #tpu.memory_space<vmem>> -> memref<628x64xf32, #tpu.memory_space<vmem>>
        tpu.enqueue_dma source(%dma_start3A_37 : memref<628x64xf32, #tpu.memory_space<vmem>>) target(%dma_start3A_34 : memref<628x64xf32, #tpu.memory_space<hbm>>) target_semaphore(%run_scoped3A : memref<!tpu.dma_semaphore, #tpu.memory_space<semaphore_mem>>)
        %dma_wait3A = arith.constant 0 : i32
        %dma_wait3A_38 = arith.constant 0 : i32
        %dma_wait3A_39 = tpu.memref_slice %arg13[%dma_wait3A, %dma_wait3A_38] : memref<628x64xf32, #tpu.memory_space<vmem>> -> memref<628x64xf32, #tpu.memory_space<vmem>>
        %dma_wait3A_40 = arith.constant 0 : i32
        %dma_wait3A_41 = tpu.memref_slice %arg9[%mul3A_28, %dma_wait3A_40] : memref<10048x64xf32, #tpu.memory_space<hbm>> -> memref<628x64xf32, #tpu.memory_space<hbm>>
        %dma_wait3A_42 = arith.constant 0 : i32
        %dma_wait3A_43 = tpu.memref_slice %arg9[%mul3A_28, %dma_wait3A_42] : memref<10048x64xf32, #tpu.memory_space<hbm>> -> memref<628x64xf32, #tpu.memory_space<hbm>>
        %dma_wait3A_44 = arith.constant 0 : i32
        %dma_wait3A_45 = arith.constant 0 : i32
        %dma_wait3A_46 = tpu.memref_slice %arg13[%dma_wait3A_44, %dma_wait3A_45] : memref<628x64xf32, #tpu.memory_space<vmem>> -> memref<628x64xf32, #tpu.memory_space<vmem>>
        tpu.wait_dma2 semaphore(%run_scoped3A : memref<!tpu.dma_semaphore, #tpu.memory_space<semaphore_mem>>) src(%dma_wait3A_46 : memref<628x64xf32, #tpu.memory_space<vmem>>) dst(%dma_wait3A_43 : memref<628x64xf32, #tpu.memory_space<hbm>>)
        tpu.yield
      }) : () -> ()
    } else {
    }
    return
  }
}

#map = affine_map<(d0, d1) -> (0, 0)>
#map1 = affine_map<(d0, d1) -> (0, 0, 0)>
module attributes {stable_mosaic.version = 14 : i64} {
  func.func @sc_edge_agg(%arg0: i32, %arg1: i32, %arg2: memref<10000x64xf32, #tpu.memory_space<hbm>>, %arg3: memref<10000x64xf32, #tpu.memory_space<hbm>>, %arg4: memref<16x160x128xi32, #tpu.memory_space<hbm>>, %arg5: memref<16x160x128xi32, #tpu.memory_space<hbm>>, %arg6: memref<16x160x128xi32, #tpu.memory_space<hbm>>, %arg7: memref<16x160x128xi32, #tpu.memory_space<hbm>>, %arg8: memref<10048x64xf32, #tpu.memory_space<hbm>>, %arg9: memref<10048x64xf32, #tpu.memory_space<hbm>>, %arg10: memref<160x128xi32, #tpu.memory_space<vmem>>, %arg11: memref<160x128xi32, #tpu.memory_space<vmem>>, %arg12: memref<10048x64xf32, #tpu.memory_space<vmem_shared>>, %arg13: memref<628x64xf32, #tpu.memory_space<vmem>>) attributes {dimension_semantics = [#tpu.dimension_semantics<core_parallel>, #tpu.dimension_semantics<subcore_parallel>], iteration_bounds = array<i64: 2, 16>, scalar_prefetch = 0 : i64, scratch_operands = 4 : i64, tpu.core_type = #tpu.core_type<sc_vector_subcore>, window_params = [{transform_indices = #map}, {transform_indices = #map}, {transform_indices = #map1}, {transform_indices = #map1}, {transform_indices = #map1}, {transform_indices = #map1}, {transform_indices = #map}, {transform_indices = #map}]} {
    %scan3A = arith.constant 0 : i32
    %scan3A_0 = arith.constant 0 : i32
    %scan3A_1 = arith.constant 628 : i32
    %scan3A_2 = arith.addi %scan3A_0, %scan3A_1 : i32
    %scan3A_3 = arith.constant 1 : i32
    %scan3A_4 = scf.for %scan3A_27 = %scan3A_0 to %scan3A_2 step %scan3A_3 iter_args(%scan3A_28 = %scan3A) -> (i32)  : i32 {
      %broadcast_in_dim3A = arith.constant 0.000000e+00 : f32
      %broadcast_in_dim3A_29 = vector.broadcast %broadcast_in_dim3A : f32 to vector<16xf32>
      %swap3A = arith.index_cast %scan3A_27 : i32 to index
      %swap3A_30 = arith.constant 0 : index
      %swap3A_31 = tpu.vector_load %arg13[%swap3A, %swap3A_30] {strides = array<i32>} : memref<628x64xf32, #tpu.memory_space<vmem>>, vector<1x16xf32>,
      %swap3A_32 = vector.shape_cast %swap3A_31 : vector<1x16xf32> to vector<16xf32>
      %swap3A_33 = vector.shape_cast %broadcast_in_dim3A_29 : vector<16xf32> to vector<1x16xf32>
      tpu.vector_store %arg13[%swap3A, %swap3A_30], %swap3A_33 {strides = array<i32>} : memref<628x64xf32, #tpu.memory_space<vmem>>, vector<1x16xf32>,
      %broadcast_in_dim3A_34 = arith.constant 0.000000e+00 : f32
      %broadcast_in_dim3A_35 = vector.broadcast %broadcast_in_dim3A_34 : f32 to vector<16xf32>
      %swap3A_36 = arith.index_cast %scan3A_27 : i32 to index
      %swap3A_37 = arith.constant 16 : index
      %swap3A_38 = tpu.vector_load %arg13[%swap3A_36, %swap3A_37] {strides = array<i32>} : memref<628x64xf32, #tpu.memory_space<vmem>>, vector<1x16xf32>,
      %swap3A_39 = vector.shape_cast %swap3A_38 : vector<1x16xf32> to vector<16xf32>
      %swap3A_40 = vector.shape_cast %broadcast_in_dim3A_35 : vector<16xf32> to vector<1x16xf32>
      tpu.vector_store %arg13[%swap3A_36, %swap3A_37], %swap3A_40 {strides = array<i32>} : memref<628x64xf32, #tpu.memory_space<vmem>>, vector<1x16xf32>,
      %broadcast_in_dim3A_41 = arith.constant 0.000000e+00 : f32
      %broadcast_in_dim3A_42 = vector.broadcast %broadcast_in_dim3A_41 : f32 to vector<16xf32>
      %swap3A_43 = arith.index_cast %scan3A_27 : i32 to index
      %swap3A_44 = arith.constant 32 : index
      %swap3A_45 = tpu.vector_load %arg13[%swap3A_43, %swap3A_44] {strides = array<i32>} : memref<628x64xf32, #tpu.memory_space<vmem>>, vector<1x16xf32>,
      %swap3A_46 = vector.shape_cast %swap3A_45 : vector<1x16xf32> to vector<16xf32>
      %swap3A_47 = vector.shape_cast %broadcast_in_dim3A_42 : vector<16xf32> to vector<1x16xf32>
      tpu.vector_store %arg13[%swap3A_43, %swap3A_44], %swap3A_47 {strides = array<i32>} : memref<628x64xf32, #tpu.memory_space<vmem>>, vector<1x16xf32>,
      %broadcast_in_dim3A_48 = arith.constant 0.000000e+00 : f32
      %broadcast_in_dim3A_49 = vector.broadcast %broadcast_in_dim3A_48 : f32 to vector<16xf32>
      %swap3A_50 = arith.index_cast %scan3A_27 : i32 to index
      %swap3A_51 = arith.constant 48 : index
      %swap3A_52 = tpu.vector_load %arg13[%swap3A_50, %swap3A_51] {strides = array<i32>} : memref<628x64xf32, #tpu.memory_space<vmem>>, vector<1x16xf32>,
      %swap3A_53 = vector.shape_cast %swap3A_52 : vector<1x16xf32> to vector<16xf32>
      %swap3A_54 = vector.shape_cast %broadcast_in_dim3A_49 : vector<16xf32> to vector<1x16xf32>
      tpu.vector_store %arg13[%swap3A_50, %swap3A_51], %swap3A_54 {strides = array<i32>} : memref<628x64xf32, #tpu.memory_space<vmem>>, vector<1x16xf32>,
      %scan3A_55 = arith.constant 0 : i32
      scf.yield %scan3A_55 : i32
    }
    %scan3A_5 = arith.constant 628 : i32
    %mul3A = arith.constant 628 : i32
    %mul3A_6 = arith.muli %arg1, %mul3A : i32
    "tpu.region"() ({
      %run_scoped3A = tpu.sem_alloc : memref<!tpu.dma_semaphore, #tpu.memory_space<semaphore_mem>>
      %dma_start3A = arith.constant 0 : i32
      %dma_start3A_27 = arith.constant 0 : i32
      %dma_start3A_28 = tpu.memref_slice %arg13[%dma_start3A, %dma_start3A_27] : memref<628x64xf32, #tpu.memory_space<vmem>> -> memref<628x64xf32, #tpu.memory_space<vmem>>
      %dma_start3A_29 = arith.constant 0 : i32
      %dma_start3A_30 = tpu.memref_slice %arg12[%mul3A_6, %dma_start3A_29] : memref<10048x64xf32, #tpu.memory_space<vmem_shared>> -> memref<628x64xf32, #tpu.memory_space<vmem_shared>>
      %dma_start3A_31 = arith.constant 0 : i32
      %dma_start3A_32 = tpu.memref_slice %arg12[%mul3A_6, %dma_start3A_31] : memref<10048x64xf32, #tpu.memory_space<vmem_shared>> -> memref<628x64xf32, #tpu.memory_space<vmem_shared>>
      %dma_start3A_33 = arith.constant 0 : i32
      %dma_start3A_34 = arith.constant 0 : i32
      %dma_start3A_35 = tpu.memref_slice %arg13[%dma_start3A_33, %dma_start3A_34] : memref<628x64xf32, #tpu.memory_space<vmem>> -> memref<628x64xf32, #tpu.memory_space<vmem>>
      tpu.enqueue_dma source(%dma_start3A_35 : memref<628x64xf32, #tpu.memory_space<vmem>>) target(%dma_start3A_32 : memref<628x64xf32, #tpu.memory_space<vmem_shared>>) target_semaphore(%run_scoped3A : memref<!tpu.dma_semaphore, #tpu.memory_space<semaphore_mem>>)
      %dma_wait3A = arith.constant 0 : i32
      %dma_wait3A_36 = arith.constant 0 : i32
      %dma_wait3A_37 = tpu.memref_slice %arg13[%dma_wait3A, %dma_wait3A_36] : memref<628x64xf32, #tpu.memory_space<vmem>> -> memref<628x64xf32, #tpu.memory_space<vmem>>
      %dma_wait3A_38 = arith.constant 0 : i32
      %dma_wait3A_39 = tpu.memref_slice %arg12[%mul3A_6, %dma_wait3A_38] : memref<10048x64xf32, #tpu.memory_space<vmem_shared>> -> memref<628x64xf32, #tpu.memory_space<vmem_shared>>
      %dma_wait3A_40 = arith.constant 0 : i32
      %dma_wait3A_41 = tpu.memref_slice %arg12[%mul3A_6, %dma_wait3A_40] : memref<10048x64xf32, #tpu.memory_space<vmem_shared>> -> memref<628x64xf32, #tpu.memory_space<vmem_shared>>
      %dma_wait3A_42 = arith.constant 0 : i32
      %dma_wait3A_43 = arith.constant 0 : i32
      %dma_wait3A_44 = tpu.memref_slice %arg13[%dma_wait3A_42, %dma_wait3A_43] : memref<628x64xf32, #tpu.memory_space<vmem>> -> memref<628x64xf32, #tpu.memory_space<vmem>>
      tpu.wait_dma2 semaphore(%run_scoped3A : memref<!tpu.dma_semaphore, #tpu.memory_space<semaphore_mem>>) src(%dma_wait3A_44 : memref<628x64xf32, #tpu.memory_space<vmem>>) dst(%dma_wait3A_41 : memref<628x64xf32, #tpu.memory_space<vmem_shared>>)
      tpu.yield
    }) : () -> ()
    %barrier3A = arith.constant 0 : index
    tpu.barrier barrier_id(%barrier3A)
    %eq3A = arith.constant 0 : i32
    %eq3A_7 = arith.cmpi eq, %arg0, %eq3A : i32
    %convert_element_type3A = arith.extui %eq3A_7 : i1 to i32
    %cond3A = arith.constant 0 : i32
    %cond3A_8 = arith.cmpi ne, %convert_element_type3A, %cond3A : i32
    scf.if %cond3A_8 {
      "tpu.region"() ({
        %run_scoped3A = tpu.sem_alloc : memref<!tpu.dma_semaphore, #tpu.memory_space<semaphore_mem>>
        %dma_start3A = arith.constant 0 : i32
        %dma_start3A_34 = arith.constant 0 : i32
        %dma_start3A_35 = tpu.memref_slice %arg4[%arg1, %dma_start3A, %dma_start3A_34] : memref<16x160x128xi32, #tpu.memory_space<hbm>> -> memref<1x160x128xi32, #tpu.memory_space<hbm>>
        %dma_start3A_36 = tpu.memref_squeeze %dma_start3A_35 : memref<1x160x128xi32, #tpu.memory_space<hbm>> -> memref<160x128xi32, #tpu.memory_space<hbm>>
        %dma_start3A_37 = arith.constant 0 : i32
        %dma_start3A_38 = arith.constant 0 : i32
        %dma_start3A_39 = tpu.memref_slice %arg4[%arg1, %dma_start3A_37, %dma_start3A_38] : memref<16x160x128xi32, #tpu.memory_space<hbm>> -> memref<1x160x128xi32, #tpu.memory_space<hbm>>
        %dma_start3A_40 = tpu.memref_squeeze %dma_start3A_39 : memref<1x160x128xi32, #tpu.memory_space<hbm>> -> memref<160x128xi32, #tpu.memory_space<hbm>>
        tpu.enqueue_dma source(%dma_start3A_40 : memref<160x128xi32, #tpu.memory_space<hbm>>) target(%arg10 : memref<160x128xi32, #tpu.memory_space<vmem>>) target_semaphore(%run_scoped3A : memref<!tpu.dma_semaphore, #tpu.memory_space<semaphore_mem>>)
        %dma_wait3A = arith.constant 0 : i32
        %dma_wait3A_41 = arith.constant 0 : i32
        %dma_wait3A_42 = tpu.memref_slice %arg4[%arg1, %dma_wait3A, %dma_wait3A_41] : memref<16x160x128xi32, #tpu.memory_space<hbm>> -> memref<1x160x128xi32, #tpu.memory_space<hbm>>
        %dma_wait3A_43 = tpu.memref_squeeze %dma_wait3A_42 : memref<1x160x128xi32, #tpu.memory_space<hbm>> -> memref<160x128xi32, #tpu.memory_space<hbm>>
        %dma_wait3A_44 = arith.constant 0 : i32
        %dma_wait3A_45 = arith.constant 0 : i32
        %dma_wait3A_46 = tpu.memref_slice %arg4[%arg1, %dma_wait3A_44, %dma_wait3A_45] : memref<16x160x128xi32, #tpu.memory_space<hbm>> -> memref<1x160x128xi32, #tpu.memory_space<hbm>>
        %dma_wait3A_47 = tpu.memref_squeeze %dma_wait3A_46 : memref<1x160x128xi32, #tpu.memory_space<hbm>> -> memref<160x128xi32, #tpu.memory_space<hbm>>
        tpu.wait_dma2 semaphore(%run_scoped3A : memref<!tpu.dma_semaphore, #tpu.memory_space<semaphore_mem>>) src(%dma_wait3A_47 : memref<160x128xi32, #tpu.memory_space<hbm>>) dst(%arg10 : memref<160x128xi32, #tpu.memory_space<vmem>>)
        tpu.yield
      }) : () -> ()
      "tpu.region"() ({
        %run_scoped3A = tpu.sem_alloc : memref<!tpu.dma_semaphore, #tpu.memory_space<semaphore_mem>>
        %dma_start3A = arith.constant 0 : i32
        %dma_start3A_34 = arith.constant 0 : i32
        %dma_start3A_35 = tpu.memref_slice %arg5[%arg1, %dma_start3A, %dma_start3A_34] : memref<16x160x128xi32, #tpu.memory_space<hbm>> -> memref<1x160x128xi32, #tpu.memory_space<hbm>>
        %dma_start3A_36 = tpu.memref_squeeze %dma_start3A_35 : memref<1x160x128xi32, #tpu.memory_space<hbm>> -> memref<160x128xi32, #tpu.memory_space<hbm>>
        %dma_start3A_37 = arith.constant 0 : i32
        %dma_start3A_38 = arith.constant 0 : i32
        %dma_start3A_39 = tpu.memref_slice %arg5[%arg1, %dma_start3A_37, %dma_start3A_38] : memref<16x160x128xi32, #tpu.memory_space<hbm>> -> memref<1x160x128xi32, #tpu.memory_space<hbm>>
        %dma_start3A_40 = tpu.memref_squeeze %dma_start3A_39 : memref<1x160x128xi32, #tpu.memory_space<hbm>> -> memref<160x128xi32, #tpu.memory_space<hbm>>
        tpu.enqueue_dma source(%dma_start3A_40 : memref<160x128xi32, #tpu.memory_space<hbm>>) target(%arg11 : memref<160x128xi32, #tpu.memory_space<vmem>>) target_semaphore(%run_scoped3A : memref<!tpu.dma_semaphore, #tpu.memory_space<semaphore_mem>>)
        %dma_wait3A = arith.constant 0 : i32
        %dma_wait3A_41 = arith.constant 0 : i32
        %dma_wait3A_42 = tpu.memref_slice %arg5[%arg1, %dma_wait3A, %dma_wait3A_41] : memref<16x160x128xi32, #tpu.memory_space<hbm>> -> memref<1x160x128xi32, #tpu.memory_space<hbm>>
        %dma_wait3A_43 = tpu.memref_squeeze %dma_wait3A_42 : memref<1x160x128xi32, #tpu.memory_space<hbm>> -> memref<160x128xi32, #tpu.memory_space<hbm>>
        %dma_wait3A_44 = arith.constant 0 : i32
        %dma_wait3A_45 = arith.constant 0 : i32
        %dma_wait3A_46 = tpu.memref_slice %arg5[%arg1, %dma_wait3A_44, %dma_wait3A_45] : memref<16x160x128xi32, #tpu.memory_space<hbm>> -> memref<1x160x128xi32, #tpu.memory_space<hbm>>
        %dma_wait3A_47 = tpu.memref_squeeze %dma_wait3A_46 : memref<1x160x128xi32, #tpu.memory_space<hbm>> -> memref<160x128xi32, #tpu.memory_space<hbm>>
        tpu.wait_dma2 semaphore(%run_scoped3A : memref<!tpu.dma_semaphore, #tpu.memory_space<semaphore_mem>>) src(%dma_wait3A_47 : memref<160x128xi32, #tpu.memory_space<hbm>>) dst(%arg11 : memref<160x128xi32, #tpu.memory_space<vmem>>)
        tpu.yield
      }) : () -> ()
      %scan3A_27 = arith.constant 0 : i32
      %scan3A_28 = arith.constant 0 : i32
      %scan3A_29 = arith.constant 160 : i32
      %scan3A_30 = arith.addi %scan3A_28, %scan3A_29 : i32
      %scan3A_31 = arith.constant 1 : i32
      %scan3A_32 = scf.for %scan3A_34 = %scan3A_28 to %scan3A_30 step %scan3A_31 iter_args(%scan3A_35 = %scan3A_27) -> (i32)  : i32 {
        "tpu.region"() ({
          %run_scoped3A = tpu.sem_alloc : memref<!tpu.dma_semaphore, #tpu.memory_space<semaphore_mem>>
          %dma_start3A = arith.constant 0 : i32
          %dma_start3A_40 = arith.constant 0 : i32
          %dma_start3A_41 = tpu.memref_slice %arg13[%dma_start3A, %dma_start3A_40] : memref<628x64xf32, #tpu.memory_space<vmem>> -> memref<128x64xf32, #tpu.memory_space<vmem>>
          %dma_start3A_42 = arith.constant 0 : i32
          %dma_start3A_43 = tpu.memref_slice %arg10[%scan3A_34, %dma_start3A_42] : memref<160x128xi32, #tpu.memory_space<vmem>> -> memref<1x128xi32, #tpu.memory_space<vmem>>
          %dma_start3A_44 = tpu.memref_squeeze %dma_start3A_43 : memref<1x128xi32, #tpu.memory_space<vmem>> -> memref<128xi32, #tpu.memory_space<vmem>>
          %dma_start3A_45 = arith.constant 0 : i32
          %dma_start3A_46 = arith.constant 0 : i32
          %dma_start3A_47 = tpu.memref_slice %arg2[%dma_start3A_45, %dma_start3A_46] : memref<10000x64xf32, #tpu.memory_space<hbm>> -> memref<10000x64xf32, #tpu.memory_space<hbm>>
          tpu.enqueue_indirect_dma source(%dma_start3A_47 : memref<10000x64xf32, #tpu.memory_space<hbm>>) target(%dma_start3A_41 : memref<128x64xf32, #tpu.memory_space<vmem>>) offsets(%dma_start3A_44 : memref<128xi32, #tpu.memory_space<vmem>>) semaphore(%run_scoped3A : memref<!tpu.dma_semaphore, #tpu.memory_space<semaphore_mem>>)
          %dma_wait3A = arith.constant 0 : i32
          %dma_wait3A_48 = arith.constant 0 : i32
          %dma_wait3A_49 = tpu.memref_slice %arg13[%dma_wait3A, %dma_wait3A_48] : memref<628x64xf32, #tpu.memory_space<vmem>> -> memref<128x64xf32, #tpu.memory_space<vmem>>
          %dma_wait3A_50 = arith.constant 0 : i32
          %dma_wait3A_51 = tpu.memref_slice %arg10[%scan3A_34, %dma_wait3A_50] : memref<160x128xi32, #tpu.memory_space<vmem>> -> memref<1x128xi32, #tpu.memory_space<vmem>>
          %dma_wait3A_52 = tpu.memref_squeeze %dma_wait3A_51 : memref<1x128xi32, #tpu.memory_space<vmem>> -> memref<128xi32, #tpu.memory_space<vmem>>
          %dma_wait3A_53 = arith.constant 0 : i32
          %dma_wait3A_54 = arith.constant 0 : i32
          %dma_wait3A_55 = tpu.memref_slice %arg2[%dma_wait3A_53, %dma_wait3A_54] : memref<10000x64xf32, #tpu.memory_space<hbm>> -> memref<10000x64xf32, #tpu.memory_space<hbm>>
          tpu.wait_indirect_dma semaphore(%run_scoped3A : memref<!tpu.dma_semaphore, #tpu.memory_space<semaphore_mem>>) src(%dma_wait3A_55 : memref<10000x64xf32, #tpu.memory_space<hbm>>) dst(%dma_wait3A_49 : memref<128x64xf32, #tpu.memory_space<vmem>>)
          tpu.yield
        }) : () -> ()
        %mul3A_36 = arith.constant 1 : i32
        %mul3A_37 = arith.muli %scan3A_34, %mul3A_36 : i32
        %add3A = arith.constant 0 : i32
        %add3A_38 = arith.addi %mul3A_37, %add3A : i32
        "tpu.region"() ({
          %run_scoped3A = tpu.sem_alloc : memref<!tpu.dma_semaphore, #tpu.memory_space<semaphore_mem>>
          %dma_start3A = arith.constant 0 : i32
          %dma_start3A_40 = arith.constant 0 : i32
          %dma_start3A_41 = tpu.memref_slice %arg13[%dma_start3A, %dma_start3A_40] : memref<628x64xf32, #tpu.memory_space<vmem>> -> memref<128x64xf32, #tpu.memory_space<vmem>>
          %dma_start3A_42 = arith.constant 0 : i32
          %dma_start3A_43 = tpu.memref_slice %arg11[%add3A_38, %dma_start3A_42] : memref<160x128xi32, #tpu.memory_space<vmem>> -> memref<1x128xi32, #tpu.memory_space<vmem>>
          %dma_start3A_44 = tpu.memref_squeeze %dma_start3A_43 : memref<1x128xi32, #tpu.memory_space<vmem>> -> memref<128xi32, #tpu.memory_space<vmem>>
          %dma_start3A_45 = arith.constant 0 : i32
          %dma_start3A_46 = arith.constant 0 : i32
          %dma_start3A_47 = tpu.memref_slice %arg12[%dma_start3A_45, %dma_start3A_46] : memref<10048x64xf32, #tpu.memory_space<vmem_shared>> -> memref<10048x64xf32, #tpu.memory_space<vmem_shared>>
          tpu.enqueue_indirect_dma source(%dma_start3A_41 : memref<128x64xf32, #tpu.memory_space<vmem>>) target(%dma_start3A_47 : memref<10048x64xf32, #tpu.memory_space<vmem_shared>>) offsets(%dma_start3A_44 : memref<128xi32, #tpu.memory_space<vmem>>) semaphore(%run_scoped3A : memref<!tpu.dma_semaphore, #tpu.memory_space<semaphore_mem>>) {add = true}
          %dma_wait3A = arith.constant 0 : i32
          %dma_wait3A_48 = arith.constant 0 : i32
          %dma_wait3A_49 = tpu.memref_slice %arg13[%dma_wait3A, %dma_wait3A_48] : memref<628x64xf32, #tpu.memory_space<vmem>> -> memref<128x64xf32, #tpu.memory_space<vmem>>
          %dma_wait3A_50 = arith.constant 0 : i32
          %dma_wait3A_51 = tpu.memref_slice %arg11[%add3A_38, %dma_wait3A_50] : memref<160x128xi32, #tpu.memory_space<vmem>> -> memref<1x128xi32, #tpu.memory_space<vmem>>
          %dma_wait3A_52 = tpu.memref_squeeze %dma_wait3A_51 : memref<1x128xi32, #tpu.memory_space<vmem>> -> memref<128xi32, #tpu.memory_space<vmem>>
          %dma_wait3A_53 = arith.constant 0 : i32
          %dma_wait3A_54 = arith.constant 0 : i32
          %dma_wait3A_55 = tpu.memref_slice %arg12[%dma_wait3A_53, %dma_wait3A_54] : memref<10048x64xf32, #tpu.memory_space<vmem_shared>> -> memref<10048x64xf32, #tpu.memory_space<vmem_shared>>
          tpu.wait_indirect_dma semaphore(%run_scoped3A : memref<!tpu.dma_semaphore, #tpu.memory_space<semaphore_mem>>) src(%dma_wait3A_49 : memref<128x64xf32, #tpu.memory_space<vmem>>) dst(%dma_wait3A_55 : memref<10048x64xf32, #tpu.memory_space<vmem_shared>>)
          tpu.yield
        }) : () -> ()
        %scan3A_39 = arith.constant 0 : i32
        scf.yield %scan3A_39 : i32
      }
      %scan3A_33 = arith.constant 160 : i32
    } else {
    }
    %eq3A_9 = arith.constant 1 : i32
    %eq3A_10 = arith.cmpi eq, %arg0, %eq3A_9 : i32
    %convert_element_type3A_11 = arith.extui %eq3A_10 : i1 to i32
    %cond3A_12 = arith.constant 0 : i32
    %cond3A_13 = arith.cmpi ne, %convert_element_type3A_11, %cond3A_12 : i32
    scf.if %cond3A_13 {
      "tpu.region"() ({
        %run_scoped3A = tpu.sem_alloc : memref<!tpu.dma_semaphore, #tpu.memory_space<semaphore_mem>>
        %dma_start3A = arith.constant 0 : i32
        %dma_start3A_34 = arith.constant 0 : i32
        %dma_start3A_35 = tpu.memref_slice %arg6[%arg1, %dma_start3A, %dma_start3A_34] : memref<16x160x128xi32, #tpu.memory_space<hbm>> -> memref<1x160x128xi32, #tpu.memory_space<hbm>>
        %dma_start3A_36 = tpu.memref_squeeze %dma_start3A_35 : memref<1x160x128xi32, #tpu.memory_space<hbm>> -> memref<160x128xi32, #tpu.memory_space<hbm>>
        %dma_start3A_37 = arith.constant 0 : i32
        %dma_start3A_38 = arith.constant 0 : i32
        %dma_start3A_39 = tpu.memref_slice %arg6[%arg1, %dma_start3A_37, %dma_start3A_38] : memref<16x160x128xi32, #tpu.memory_space<hbm>> -> memref<1x160x128xi32, #tpu.memory_space<hbm>>
        %dma_start3A_40 = tpu.memref_squeeze %dma_start3A_39 : memref<1x160x128xi32, #tpu.memory_space<hbm>> -> memref<160x128xi32, #tpu.memory_space<hbm>>
        tpu.enqueue_dma source(%dma_start3A_40 : memref<160x128xi32, #tpu.memory_space<hbm>>) target(%arg10 : memref<160x128xi32, #tpu.memory_space<vmem>>) target_semaphore(%run_scoped3A : memref<!tpu.dma_semaphore, #tpu.memory_space<semaphore_mem>>)
        %dma_wait3A = arith.constant 0 : i32
        %dma_wait3A_41 = arith.constant 0 : i32
        %dma_wait3A_42 = tpu.memref_slice %arg6[%arg1, %dma_wait3A, %dma_wait3A_41] : memref<16x160x128xi32, #tpu.memory_space<hbm>> -> memref<1x160x128xi32, #tpu.memory_space<hbm>>
        %dma_wait3A_43 = tpu.memref_squeeze %dma_wait3A_42 : memref<1x160x128xi32, #tpu.memory_space<hbm>> -> memref<160x128xi32, #tpu.memory_space<hbm>>
        %dma_wait3A_44 = arith.constant 0 : i32
        %dma_wait3A_45 = arith.constant 0 : i32
        %dma_wait3A_46 = tpu.memref_slice %arg6[%arg1, %dma_wait3A_44, %dma_wait3A_45] : memref<16x160x128xi32, #tpu.memory_space<hbm>> -> memref<1x160x128xi32, #tpu.memory_space<hbm>>
        %dma_wait3A_47 = tpu.memref_squeeze %dma_wait3A_46 : memref<1x160x128xi32, #tpu.memory_space<hbm>> -> memref<160x128xi32, #tpu.memory_space<hbm>>
        tpu.wait_dma2 semaphore(%run_scoped3A : memref<!tpu.dma_semaphore, #tpu.memory_space<semaphore_mem>>) src(%dma_wait3A_47 : memref<160x128xi32, #tpu.memory_space<hbm>>) dst(%arg10 : memref<160x128xi32, #tpu.memory_space<vmem>>)
        tpu.yield
      }) : () -> ()
      "tpu.region"() ({
        %run_scoped3A = tpu.sem_alloc : memref<!tpu.dma_semaphore, #tpu.memory_space<semaphore_mem>>
        %dma_start3A = arith.constant 0 : i32
        %dma_start3A_34 = arith.constant 0 : i32
        %dma_start3A_35 = tpu.memref_slice %arg7[%arg1, %dma_start3A, %dma_start3A_34] : memref<16x160x128xi32, #tpu.memory_space<hbm>> -> memref<1x160x128xi32, #tpu.memory_space<hbm>>
        %dma_start3A_36 = tpu.memref_squeeze %dma_start3A_35 : memref<1x160x128xi32, #tpu.memory_space<hbm>> -> memref<160x128xi32, #tpu.memory_space<hbm>>
        %dma_start3A_37 = arith.constant 0 : i32
        %dma_start3A_38 = arith.constant 0 : i32
        %dma_start3A_39 = tpu.memref_slice %arg7[%arg1, %dma_start3A_37, %dma_start3A_38] : memref<16x160x128xi32, #tpu.memory_space<hbm>> -> memref<1x160x128xi32, #tpu.memory_space<hbm>>
        %dma_start3A_40 = tpu.memref_squeeze %dma_start3A_39 : memref<1x160x128xi32, #tpu.memory_space<hbm>> -> memref<160x128xi32, #tpu.memory_space<hbm>>
        tpu.enqueue_dma source(%dma_start3A_40 : memref<160x128xi32, #tpu.memory_space<hbm>>) target(%arg11 : memref<160x128xi32, #tpu.memory_space<vmem>>) target_semaphore(%run_scoped3A : memref<!tpu.dma_semaphore, #tpu.memory_space<semaphore_mem>>)
        %dma_wait3A = arith.constant 0 : i32
        %dma_wait3A_41 = arith.constant 0 : i32
        %dma_wait3A_42 = tpu.memref_slice %arg7[%arg1, %dma_wait3A, %dma_wait3A_41] : memref<16x160x128xi32, #tpu.memory_space<hbm>> -> memref<1x160x128xi32, #tpu.memory_space<hbm>>
        %dma_wait3A_43 = tpu.memref_squeeze %dma_wait3A_42 : memref<1x160x128xi32, #tpu.memory_space<hbm>> -> memref<160x128xi32, #tpu.memory_space<hbm>>
        %dma_wait3A_44 = arith.constant 0 : i32
        %dma_wait3A_45 = arith.constant 0 : i32
        %dma_wait3A_46 = tpu.memref_slice %arg7[%arg1, %dma_wait3A_44, %dma_wait3A_45] : memref<16x160x128xi32, #tpu.memory_space<hbm>> -> memref<1x160x128xi32, #tpu.memory_space<hbm>>
        %dma_wait3A_47 = tpu.memref_squeeze %dma_wait3A_46 : memref<1x160x128xi32, #tpu.memory_space<hbm>> -> memref<160x128xi32, #tpu.memory_space<hbm>>
        tpu.wait_dma2 semaphore(%run_scoped3A : memref<!tpu.dma_semaphore, #tpu.memory_space<semaphore_mem>>) src(%dma_wait3A_47 : memref<160x128xi32, #tpu.memory_space<hbm>>) dst(%arg11 : memref<160x128xi32, #tpu.memory_space<vmem>>)
        tpu.yield
      }) : () -> ()
      %scan3A_27 = arith.constant 0 : i32
      %scan3A_28 = arith.constant 0 : i32
      %scan3A_29 = arith.constant 160 : i32
      %scan3A_30 = arith.addi %scan3A_28, %scan3A_29 : i32
      %scan3A_31 = arith.constant 1 : i32
      %scan3A_32 = scf.for %scan3A_34 = %scan3A_28 to %scan3A_30 step %scan3A_31 iter_args(%scan3A_35 = %scan3A_27) -> (i32)  : i32 {
        "tpu.region"() ({
          %run_scoped3A = tpu.sem_alloc : memref<!tpu.dma_semaphore, #tpu.memory_space<semaphore_mem>>
          %dma_start3A = arith.constant 0 : i32
          %dma_start3A_40 = arith.constant 0 : i32
          %dma_start3A_41 = tpu.memref_slice %arg13[%dma_start3A, %dma_start3A_40] : memref<628x64xf32, #tpu.memory_space<vmem>> -> memref<128x64xf32, #tpu.memory_space<vmem>>
          %dma_start3A_42 = arith.constant 0 : i32
          %dma_start3A_43 = tpu.memref_slice %arg10[%scan3A_34, %dma_start3A_42] : memref<160x128xi32, #tpu.memory_space<vmem>> -> memref<1x128xi32, #tpu.memory_space<vmem>>
          %dma_start3A_44 = tpu.memref_squeeze %dma_start3A_43 : memref<1x128xi32, #tpu.memory_space<vmem>> -> memref<128xi32, #tpu.memory_space<vmem>>
          %dma_start3A_45 = arith.constant 0 : i32
          %dma_start3A_46 = arith.constant 0 : i32
          %dma_start3A_47 = tpu.memref_slice %arg3[%dma_start3A_45, %dma_start3A_46] : memref<10000x64xf32, #tpu.memory_space<hbm>> -> memref<10000x64xf32, #tpu.memory_space<hbm>>
          tpu.enqueue_indirect_dma source(%dma_start3A_47 : memref<10000x64xf32, #tpu.memory_space<hbm>>) target(%dma_start3A_41 : memref<128x64xf32, #tpu.memory_space<vmem>>) offsets(%dma_start3A_44 : memref<128xi32, #tpu.memory_space<vmem>>) semaphore(%run_scoped3A : memref<!tpu.dma_semaphore, #tpu.memory_space<semaphore_mem>>)
          %dma_wait3A = arith.constant 0 : i32
          %dma_wait3A_48 = arith.constant 0 : i32
          %dma_wait3A_49 = tpu.memref_slice %arg13[%dma_wait3A, %dma_wait3A_48] : memref<628x64xf32, #tpu.memory_space<vmem>> -> memref<128x64xf32, #tpu.memory_space<vmem>>
          %dma_wait3A_50 = arith.constant 0 : i32
          %dma_wait3A_51 = tpu.memref_slice %arg10[%scan3A_34, %dma_wait3A_50] : memref<160x128xi32, #tpu.memory_space<vmem>> -> memref<1x128xi32, #tpu.memory_space<vmem>>
          %dma_wait3A_52 = tpu.memref_squeeze %dma_wait3A_51 : memref<1x128xi32, #tpu.memory_space<vmem>> -> memref<128xi32, #tpu.memory_space<vmem>>
          %dma_wait3A_53 = arith.constant 0 : i32
          %dma_wait3A_54 = arith.constant 0 : i32
          %dma_wait3A_55 = tpu.memref_slice %arg3[%dma_wait3A_53, %dma_wait3A_54] : memref<10000x64xf32, #tpu.memory_space<hbm>> -> memref<10000x64xf32, #tpu.memory_space<hbm>>
          tpu.wait_indirect_dma semaphore(%run_scoped3A : memref<!tpu.dma_semaphore, #tpu.memory_space<semaphore_mem>>) src(%dma_wait3A_55 : memref<10000x64xf32, #tpu.memory_space<hbm>>) dst(%dma_wait3A_49 : memref<128x64xf32, #tpu.memory_space<vmem>>)
          tpu.yield
        }) : () -> ()
        %mul3A_36 = arith.constant 1 : i32
        %mul3A_37 = arith.muli %scan3A_34, %mul3A_36 : i32
        %add3A = arith.constant 0 : i32
        %add3A_38 = arith.addi %mul3A_37, %add3A : i32
        "tpu.region"() ({
          %run_scoped3A = tpu.sem_alloc : memref<!tpu.dma_semaphore, #tpu.memory_space<semaphore_mem>>
          %dma_start3A = arith.constant 0 : i32
          %dma_start3A_40 = arith.constant 0 : i32
          %dma_start3A_41 = tpu.memref_slice %arg13[%dma_start3A, %dma_start3A_40] : memref<628x64xf32, #tpu.memory_space<vmem>> -> memref<128x64xf32, #tpu.memory_space<vmem>>
          %dma_start3A_42 = arith.constant 0 : i32
          %dma_start3A_43 = tpu.memref_slice %arg11[%add3A_38, %dma_start3A_42] : memref<160x128xi32, #tpu.memory_space<vmem>> -> memref<1x128xi32, #tpu.memory_space<vmem>>
          %dma_start3A_44 = tpu.memref_squeeze %dma_start3A_43 : memref<1x128xi32, #tpu.memory_space<vmem>> -> memref<128xi32, #tpu.memory_space<vmem>>
          %dma_start3A_45 = arith.constant 0 : i32
          %dma_start3A_46 = arith.constant 0 : i32
          %dma_start3A_47 = tpu.memref_slice %arg12[%dma_start3A_45, %dma_start3A_46] : memref<10048x64xf32, #tpu.memory_space<vmem_shared>> -> memref<10048x64xf32, #tpu.memory_space<vmem_shared>>
          tpu.enqueue_indirect_dma source(%dma_start3A_41 : memref<128x64xf32, #tpu.memory_space<vmem>>) target(%dma_start3A_47 : memref<10048x64xf32, #tpu.memory_space<vmem_shared>>) offsets(%dma_start3A_44 : memref<128xi32, #tpu.memory_space<vmem>>) semaphore(%run_scoped3A : memref<!tpu.dma_semaphore, #tpu.memory_space<semaphore_mem>>) {add = true}
          %dma_wait3A = arith.constant 0 : i32
          %dma_wait3A_48 = arith.constant 0 : i32
          %dma_wait3A_49 = tpu.memref_slice %arg13[%dma_wait3A, %dma_wait3A_48] : memref<628x64xf32, #tpu.memory_space<vmem>> -> memref<128x64xf32, #tpu.memory_space<vmem>>
          %dma_wait3A_50 = arith.constant 0 : i32
          %dma_wait3A_51 = tpu.memref_slice %arg11[%add3A_38, %dma_wait3A_50] : memref<160x128xi32, #tpu.memory_space<vmem>> -> memref<1x128xi32, #tpu.memory_space<vmem>>
          %dma_wait3A_52 = tpu.memref_squeeze %dma_wait3A_51 : memref<1x128xi32, #tpu.memory_space<vmem>> -> memref<128xi32, #tpu.memory_space<vmem>>
          %dma_wait3A_53 = arith.constant 0 : i32
          %dma_wait3A_54 = arith.constant 0 : i32
          %dma_wait3A_55 = tpu.memref_slice %arg12[%dma_wait3A_53, %dma_wait3A_54] : memref<10048x64xf32, #tpu.memory_space<vmem_shared>> -> memref<10048x64xf32, #tpu.memory_space<vmem_shared>>
          tpu.wait_indirect_dma semaphore(%run_scoped3A : memref<!tpu.dma_semaphore, #tpu.memory_space<semaphore_mem>>) src(%dma_wait3A_49 : memref<128x64xf32, #tpu.memory_space<vmem>>) dst(%dma_wait3A_55 : memref<10048x64xf32, #tpu.memory_space<vmem_shared>>)
          tpu.yield
        }) : () -> ()
        %scan3A_39 = arith.constant 0 : i32
        scf.yield %scan3A_39 : i32
      }
      %scan3A_33 = arith.constant 160 : i32
    } else {
    }
    %barrier3A_14 = arith.constant 0 : index
    tpu.barrier barrier_id(%barrier3A_14)
    %mul3A_15 = arith.constant 628 : i32
    %mul3A_16 = arith.muli %arg1, %mul3A_15 : i32
    "tpu.region"() ({
      %run_scoped3A = tpu.sem_alloc : memref<!tpu.dma_semaphore, #tpu.memory_space<semaphore_mem>>
      %dma_start3A = arith.constant 0 : i32
      %dma_start3A_27 = arith.constant 0 : i32
      %dma_start3A_28 = tpu.memref_slice %arg13[%dma_start3A, %dma_start3A_27] : memref<628x64xf32, #tpu.memory_space<vmem>> -> memref<628x64xf32, #tpu.memory_space<vmem>>
      %dma_start3A_29 = arith.constant 0 : i32
      %dma_start3A_30 = tpu.memref_slice %arg12[%mul3A_16, %dma_start3A_29] : memref<10048x64xf32, #tpu.memory_space<vmem_shared>> -> memref<628x64xf32, #tpu.memory_space<vmem_shared>>
      %dma_start3A_31 = arith.constant 0 : i32
      %dma_start3A_32 = arith.constant 0 : i32
      %dma_start3A_33 = tpu.memref_slice %arg13[%dma_start3A_31, %dma_start3A_32] : memref<628x64xf32, #tpu.memory_space<vmem>> -> memref<628x64xf32, #tpu.memory_space<vmem>>
      %dma_start3A_34 = arith.constant 0 : i32
      %dma_start3A_35 = tpu.memref_slice %arg12[%mul3A_16, %dma_start3A_34] : memref<10048x64xf32, #tpu.memory_space<vmem_shared>> -> memref<628x64xf32, #tpu.memory_space<vmem_shared>>
      tpu.enqueue_dma source(%dma_start3A_35 : memref<628x64xf32, #tpu.memory_space<vmem_shared>>) target(%dma_start3A_33 : memref<628x64xf32, #tpu.memory_space<vmem>>) target_semaphore(%run_scoped3A : memref<!tpu.dma_semaphore, #tpu.memory_space<semaphore_mem>>)
      %dma_wait3A = arith.constant 0 : i32
      %dma_wait3A_36 = arith.constant 0 : i32
      %dma_wait3A_37 = tpu.memref_slice %arg13[%dma_wait3A, %dma_wait3A_36] : memref<628x64xf32, #tpu.memory_space<vmem>> -> memref<628x64xf32, #tpu.memory_space<vmem>>
      %dma_wait3A_38 = arith.constant 0 : i32
      %dma_wait3A_39 = tpu.memref_slice %arg12[%mul3A_16, %dma_wait3A_38] : memref<10048x64xf32, #tpu.memory_space<vmem_shared>> -> memref<628x64xf32, #tpu.memory_space<vmem_shared>>
      %dma_wait3A_40 = arith.constant 0 : i32
      %dma_wait3A_41 = arith.constant 0 : i32
      %dma_wait3A_42 = tpu.memref_slice %arg13[%dma_wait3A_40, %dma_wait3A_41] : memref<628x64xf32, #tpu.memory_space<vmem>> -> memref<628x64xf32, #tpu.memory_space<vmem>>
      %dma_wait3A_43 = arith.constant 0 : i32
      %dma_wait3A_44 = tpu.memref_slice %arg12[%mul3A_16, %dma_wait3A_43] : memref<10048x64xf32, #tpu.memory_space<vmem_shared>> -> memref<628x64xf32, #tpu.memory_space<vmem_shared>>
      tpu.wait_dma2 semaphore(%run_scoped3A : memref<!tpu.dma_semaphore, #tpu.memory_space<semaphore_mem>>) src(%dma_wait3A_44 : memref<628x64xf32, #tpu.memory_space<vmem_shared>>) dst(%dma_wait3A_42 : memref<628x64xf32, #tpu.memory_space<vmem>>)
      tpu.yield
    }) : () -> ()
    %eq3A_17 = arith.constant 0 : i32
    %eq3A_18 = arith.cmpi eq, %arg0, %eq3A_17 : i32
    %convert_element_type3A_19 = arith.extui %eq3A_18 : i1 to i32
    %cond3A_20 = arith.constant 0 : i32
    %cond3A_21 = arith.cmpi ne, %convert_element_type3A_19, %cond3A_20 : i32
    scf.if %cond3A_21 {
      %mul3A_27 = arith.constant 628 : i32
      %mul3A_28 = arith.muli %arg1, %mul3A_27 : i32
      "tpu.region"() ({
        %run_scoped3A = tpu.sem_alloc : memref<!tpu.dma_semaphore, #tpu.memory_space<semaphore_mem>>
        %dma_start3A = arith.constant 0 : i32
        %dma_start3A_29 = arith.constant 0 : i32
        %dma_start3A_30 = tpu.memref_slice %arg13[%dma_start3A, %dma_start3A_29] : memref<628x64xf32, #tpu.memory_space<vmem>> -> memref<628x64xf32, #tpu.memory_space<vmem>>
        %dma_start3A_31 = arith.constant 0 : i32
        %dma_start3A_32 = tpu.memref_slice %arg8[%mul3A_28, %dma_start3A_31] : memref<10048x64xf32, #tpu.memory_space<hbm>> -> memref<628x64xf32, #tpu.memory_space<hbm>>
        %dma_start3A_33 = arith.constant 0 : i32
        %dma_start3A_34 = tpu.memref_slice %arg8[%mul3A_28, %dma_start3A_33] : memref<10048x64xf32, #tpu.memory_space<hbm>> -> memref<628x64xf32, #tpu.memory_space<hbm>>
        %dma_start3A_35 = arith.constant 0 : i32
        %dma_start3A_36 = arith.constant 0 : i32
        %dma_start3A_37 = tpu.memref_slice %arg13[%dma_start3A_35, %dma_start3A_36] : memref<628x64xf32, #tpu.memory_space<vmem>> -> memref<628x64xf32, #tpu.memory_space<vmem>>
        tpu.enqueue_dma source(%dma_start3A_37 : memref<628x64xf32, #tpu.memory_space<vmem>>) target(%dma_start3A_34 : memref<628x64xf32, #tpu.memory_space<hbm>>) target_semaphore(%run_scoped3A : memref<!tpu.dma_semaphore, #tpu.memory_space<semaphore_mem>>)
        %dma_wait3A = arith.constant 0 : i32
        %dma_wait3A_38 = arith.constant 0 : i32
        %dma_wait3A_39 = tpu.memref_slice %arg13[%dma_wait3A, %dma_wait3A_38] : memref<628x64xf32, #tpu.memory_space<vmem>> -> memref<628x64xf32, #tpu.memory_space<vmem>>
        %dma_wait3A_40 = arith.constant 0 : i32
        %dma_wait3A_41 = tpu.memref_slice %arg8[%mul3A_28, %dma_wait3A_40] : memref<10048x64xf32, #tpu.memory_space<hbm>> -> memref<628x64xf32, #tpu.memory_space<hbm>>
        %dma_wait3A_42 = arith.constant 0 : i32
        %dma_wait3A_43 = tpu.memref_slice %arg8[%mul3A_28, %dma_wait3A_42] : memref<10048x64xf32, #tpu.memory_space<hbm>> -> memref<628x64xf32, #tpu.memory_space<hbm>>
        %dma_wait3A_44 = arith.constant 0 : i32
        %dma_wait3A_45 = arith.constant 0 : i32
        %dma_wait3A_46 = tpu.memref_slice %arg13[%dma_wait3A_44, %dma_wait3A_45] : memref<628x64xf32, #tpu.memory_space<vmem>> -> memref<628x64xf32, #tpu.memory_space<vmem>>
        tpu.wait_dma2 semaphore(%run_scoped3A : memref<!tpu.dma_semaphore, #tpu.memory_space<semaphore_mem>>) src(%dma_wait3A_46 : memref<628x64xf32, #tpu.memory_space<vmem>>) dst(%dma_wait3A_43 : memref<628x64xf32, #tpu.memory_space<hbm>>)
        tpu.yield
      }) : () -> ()
    } else {
    }
    %eq3A_22 = arith.constant 1 : i32
    %eq3A_23 = arith.cmpi eq, %arg0, %eq3A_22 : i32
    %convert_element_type3A_24 = arith.extui %eq3A_23 : i1 to i32
    %cond3A_25 = arith.constant 0 : i32
    %cond3A_26 = arith.cmpi ne, %convert_element_type3A_24, %cond3A_25 : i32
    scf.if %cond3A_26 {
      %mul3A_27 = arith.constant 628 : i32
      %mul3A_28 = arith.muli %arg1, %mul3A_27 : i32
      "tpu.region"() ({
        %run_scoped3A = tpu.sem_alloc : memref<!tpu.dma_semaphore, #tpu.memory_space<semaphore_mem>>
        %dma_start3A = arith.constant 0 : i32
        %dma_start3A_29 = arith.constant 0 : i32
        %dma_start3A_30 = tpu.memref_slice %arg13[%dma_start3A, %dma_start3A_29] : memref<628x64xf32, #tpu.memory_space<vmem>> -> memref<628x64xf32, #tpu.memory_space<vmem>>
        %dma_start3A_31 = arith.constant 0 : i32
        %dma_start3A_32 = tpu.memref_slice %arg9[%mul3A_28, %dma_start3A_31] : memref<10048x64xf32, #tpu.memory_space<hbm>> -> memref<628x64xf32, #tpu.memory_space<hbm>>
        %dma_start3A_33 = arith.constant 0 : i32
        %dma_start3A_34 = tpu.memref_slice %arg9[%mul3A_28, %dma_start3A_33] : memref<10048x64xf32, #tpu.memory_space<hbm>> -> memref<628x64xf32, #tpu.memory_space<hbm>>
        %dma_start3A_35 = arith.constant 0 : i32
        %dma_start3A_36 = arith.constant 0 : i32
        %dma_start3A_37 = tpu.memref_slice %arg13[%dma_start3A_35, %dma_start3A_36] : memref<628x64xf32, #tpu.memory_space<vmem>> -> memref<628x64xf32, #tpu.memory_space<vmem>>
        tpu.enqueue_dma source(%dma_start3A_37 : memref<628x64xf32, #tpu.memory_space<vmem>>) target(%dma_start3A_34 : memref<628x64xf32, #tpu.memory_space<hbm>>) target_semaphore(%run_scoped3A : memref<!tpu.dma_semaphore, #tpu.memory_space<semaphore_mem>>)
        %dma_wait3A = arith.constant 0 : i32
        %dma_wait3A_38 = arith.constant 0 : i32
        %dma_wait3A_39 = tpu.memref_slice %arg13[%dma_wait3A, %dma_wait3A_38] : memref<628x64xf32, #tpu.memory_space<vmem>> -> memref<628x64xf32, #tpu.memory_space<vmem>>
        %dma_wait3A_40 = arith.constant 0 : i32
        %dma_wait3A_41 = tpu.memref_slice %arg9[%mul3A_28, %dma_wait3A_40] : memref<10048x64xf32, #tpu.memory_space<hbm>> -> memref<628x64xf32, #tpu.memory_space<hbm>>
        %dma_wait3A_42 = arith.constant 0 : i32
        %dma_wait3A_43 = tpu.memref_slice %arg9[%mul3A_28, %dma_wait3A_42] : memref<10048x64xf32, #tpu.memory_space<hbm>> -> memref<628x64xf32, #tpu.memory_space<hbm>>
        %dma_wait3A_44 = arith.constant 0 : i32
        %dma_wait3A_45 = arith.constant 0 : i32
        %dma_wait3A_46 = tpu.memref_slice %arg13[%dma_wait3A_44, %dma_wait3A_45] : memref<628x64xf32, #tpu.memory_space<vmem>> -> memref<628x64xf32, #tpu.memory_space<vmem>>
        tpu.wait_dma2 semaphore(%run_scoped3A : memref<!tpu.dma_semaphore, #tpu.memory_space<semaphore_mem>>) src(%dma_wait3A_46 : memref<628x64xf32, #tpu.memory_space<vmem>>) dst(%dma_wait3A_43 : memref<628x64xf32, #tpu.memory_space<hbm>>)
        tpu.yield
      }) : () -> ()
    } else {
    }
    return
  }
}

module attributes {stable_mosaic.version = 14 : i64} {
  func.func @_tc_pre_body(%arg0: memref<10000x128xf32, #tpu.memory_space<vmem>>, %arg1: memref<10000x128xf32, #tpu.memory_space<vmem>>, %arg2: memref<128x64xf32, #tpu.memory_space<vmem>>, %arg3: memref<128x64xf32, #tpu.memory_space<vmem>>, %arg4: memref<128x64xf32, #tpu.memory_space<vmem>>, %arg5: memref<128x64xf32, #tpu.memory_space<vmem>>, %arg6: memref<1x64xf32, #tpu.memory_space<vmem>>, %arg7: memref<1x64xf32, #tpu.memory_space<vmem>>, %arg8: memref<10000x64xf32, #tpu.memory_space<vmem>>, %arg9: memref<10000x64xf32, #tpu.memory_space<vmem>>, %arg10: memref<10000x64xf32, #tpu.memory_space<vmem>>, %arg11: memref<10000x64xf32, #tpu.memory_space<vmem>>) attributes {dimension_semantics = [], scalar_prefetch = 0 : i64, scratch_operands = 0 : i64, tpu.core_type = #tpu.core_type<tc>} {
    %get3A = arith.constant 0 : index
    %get3A_0 = arith.constant 0 : index
    %get3A_1 = vector.load %arg0[%get3A, %get3A_0] : memref<10000x128xf32, #tpu.memory_space<vmem>>, vector<10000x128xf32>
    %get3A_2 = arith.constant 0 : index
    %get3A_3 = arith.constant 0 : index
    %get3A_4 = vector.load %arg2[%get3A_2, %get3A_3] : memref<128x64xf32, #tpu.memory_space<vmem>>, vector<128x64xf32>
    %dot_general3A = arith.constant dense<0.000000e+00> : vector<10000x64xf32>
    %dot_general3A_5 = tpu.matmul %get3A_1, %get3A_4, %dot_general3A {dimension_numbers = #tpu.dot_dimension_numbers<[1], [0], [0], [1], [0, 0, 1, 1], [], []>, transpose_lhs_hint = false} : vector<10000x128xf32>, vector<128x64xf32>, vector<10000x64xf32> -> vector<10000x64xf32>
    %swap3A = arith.constant 0 : index
    %swap3A_6 = arith.constant 0 : index
    %swap3A_7 = vector.load %arg8[%swap3A, %swap3A_6] : memref<10000x64xf32, #tpu.memory_space<vmem>>, vector<10000x64xf32>
    tpu.vector_store %arg8[%swap3A, %swap3A_6], %dot_general3A_5 {strides = array<i32>} : memref<10000x64xf32, #tpu.memory_space<vmem>>, vector<10000x64xf32>,
    %get3A_8 = arith.constant 0 : index
    %get3A_9 = arith.constant 0 : index
    %get3A_10 = vector.load %arg1[%get3A_8, %get3A_9] : memref<10000x128xf32, #tpu.memory_space<vmem>>, vector<10000x128xf32>
    %get3A_11 = arith.constant 0 : index
    %get3A_12 = arith.constant 0 : index
    %get3A_13 = vector.load %arg3[%get3A_11, %get3A_12] : memref<128x64xf32, #tpu.memory_space<vmem>>, vector<128x64xf32>
    %dot_general3A_14 = arith.constant dense<0.000000e+00> : vector<10000x64xf32>
    %dot_general3A_15 = tpu.matmul %get3A_10, %get3A_13, %dot_general3A_14 {dimension_numbers = #tpu.dot_dimension_numbers<[1], [0], [0], [1], [0, 0, 1, 1], [], []>, transpose_lhs_hint = false} : vector<10000x128xf32>, vector<128x64xf32>, vector<10000x64xf32> -> vector<10000x64xf32>
    %swap3A_16 = arith.constant 0 : index
    %swap3A_17 = arith.constant 0 : index
    %swap3A_18 = vector.load %arg9[%swap3A_16, %swap3A_17] : memref<10000x64xf32, #tpu.memory_space<vmem>>, vector<10000x64xf32>
    tpu.vector_store %arg9[%swap3A_16, %swap3A_17], %dot_general3A_15 {strides = array<i32>} : memref<10000x64xf32, #tpu.memory_space<vmem>>, vector<10000x64xf32>,
    %get3A_19 = arith.constant 0 : index
    %get3A_20 = arith.constant 0 : index
    %get3A_21 = vector.load %arg1[%get3A_19, %get3A_20] : memref<10000x128xf32, #tpu.memory_space<vmem>>, vector<10000x128xf32>
    %get3A_22 = arith.constant 0 : index
    %get3A_23 = arith.constant 0 : index
    %get3A_24 = vector.load %arg4[%get3A_22, %get3A_23] : memref<128x64xf32, #tpu.memory_space<vmem>>, vector<128x64xf32>
    %dot_general3A_25 = arith.constant dense<0.000000e+00> : vector<10000x64xf32>
    %dot_general3A_26 = tpu.matmul %get3A_21, %get3A_24, %dot_general3A_25 {dimension_numbers = #tpu.dot_dimension_numbers<[1], [0], [0], [1], [0, 0, 1, 1], [], []>, transpose_lhs_hint = false} : vector<10000x128xf32>, vector<128x64xf32>, vector<10000x64xf32> -> vector<10000x64xf32>
    %get3A_27 = arith.constant 0 : index
    %get3A_28 = arith.constant 0 : index
    %get3A_29 = vector.load %arg6[%get3A_27, %get3A_28] : memref<1x64xf32, #tpu.memory_space<vmem>>, vector<1x64xf32>
    %add3A = vector.broadcast %get3A_29 : vector<1x64xf32> to vector<10000x64xf32>
    %add3A_30 = arith.addf %dot_general3A_26, %add3A : vector<10000x64xf32>
    %swap3A_31 = arith.constant 0 : index
    %swap3A_32 = arith.constant 0 : index
    %swap3A_33 = vector.load %arg11[%swap3A_31, %swap3A_32] : memref<10000x64xf32, #tpu.memory_space<vmem>>, vector<10000x64xf32>
    tpu.vector_store %arg11[%swap3A_31, %swap3A_32], %add3A_30 {strides = array<i32>} : memref<10000x64xf32, #tpu.memory_space<vmem>>, vector<10000x64xf32>,
    %get3A_34 = arith.constant 0 : index
    %get3A_35 = arith.constant 0 : index
    %get3A_36 = vector.load %arg0[%get3A_34, %get3A_35] : memref<10000x128xf32, #tpu.memory_space<vmem>>, vector<10000x128xf32>
    %get3A_37 = arith.constant 0 : index
    %get3A_38 = arith.constant 0 : index
    %get3A_39 = vector.load %arg5[%get3A_37, %get3A_38] : memref<128x64xf32, #tpu.memory_space<vmem>>, vector<128x64xf32>
    %dot_general3A_40 = arith.constant dense<0.000000e+00> : vector<10000x64xf32>
    %dot_general3A_41 = tpu.matmul %get3A_36, %get3A_39, %dot_general3A_40 {dimension_numbers = #tpu.dot_dimension_numbers<[1], [0], [0], [1], [0, 0, 1, 1], [], []>, transpose_lhs_hint = false} : vector<10000x128xf32>, vector<128x64xf32>, vector<10000x64xf32> -> vector<10000x64xf32>
    %get3A_42 = arith.constant 0 : index
    %get3A_43 = arith.constant 0 : index
    %get3A_44 = vector.load %arg7[%get3A_42, %get3A_43] : memref<1x64xf32, #tpu.memory_space<vmem>>, vector<1x64xf32>
    %add3A_45 = vector.broadcast %get3A_44 : vector<1x64xf32> to vector<10000x64xf32>
    %add3A_46 = arith.addf %dot_general3A_41, %add3A_45 : vector<10000x64xf32>
    %swap3A_47 = arith.constant 0 : index
    %swap3A_48 = arith.constant 0 : index
    %swap3A_49 = vector.load %arg10[%swap3A_47, %swap3A_48] : memref<10000x64xf32, #tpu.memory_space<vmem>>, vector<10000x64xf32>
    tpu.vector_store %arg10[%swap3A_47, %swap3A_48], %add3A_46 {strides = array<i32>} : memref<10000x64xf32, #tpu.memory_space<vmem>>, vector<10000x64xf32>,
    return
  }
}

module attributes {stable_mosaic.version = 14 : i64} {
  func.func @_tc_stats_body(%arg0: i32, %arg1: memref<1000x64xf32, #tpu.memory_space<vmem>>, %arg2: memref<1000x64xf32, #tpu.memory_space<vmem>>, %arg3: memref<1000x64xf32, #tpu.memory_space<vmem>>, %arg4: memref<1000x64xf32, #tpu.memory_space<vmem>>, %arg5: memref<1000x1xf32, #tpu.memory_space<vmem>>, %arg6: memref<1000x1xf32, #tpu.memory_space<vmem>>, %arg7: memref<1000x64xf32, #tpu.memory_space<vmem>>, %arg8: memref<1000x64xf32, #tpu.memory_space<vmem>>, %arg9: memref<1x1xf32, #tpu.memory_space<vmem>>, %arg10: memref<64x64xf32, #tpu.memory_space<vmem>>, %arg11: memref<64x64xf32, #tpu.memory_space<vmem>>, %arg12: memref<1x64xf32, #tpu.memory_space<vmem>>, %arg13: memref<1x64xf32, #tpu.memory_space<vmem>>, %arg14: memref<1000x64xf32, #tpu.memory_space<vmem>>, %arg15: memref<1000x64xf32, #tpu.memory_space<vmem>>, %arg16: memref<1x64xf32, #tpu.memory_space<vmem>>, %arg17: memref<1x64xf32, #tpu.memory_space<vmem>>, %arg18: memref<1x64xf32, #tpu.memory_space<vmem>>, %arg19: memref<1x64xf32, #tpu.memory_space<vmem>>) attributes {dimension_semantics = [#tpu.dimension_semantics<arbitrary>], iteration_bounds = array<i64: 10>, scalar_prefetch = 0 : i64, scratch_operands = 0 : i64, tpu.core_type = #tpu.core_type<tc>, window_params = [{transform_indices = @transform_0, window_bounds = array<i64: 1000, 64>}, {transform_indices = @transform_1, window_bounds = array<i64: 1000, 64>}, {transform_indices = @transform_2, window_bounds = array<i64: 1000, 64>}, {transform_indices = @transform_3, window_bounds = array<i64: 1000, 64>}, {transform_indices = @transform_4, window_bounds = array<i64: 1000, 1>}, {transform_indices = @transform_5, window_bounds = array<i64: 1000, 1>}, {transform_indices = @transform_6, window_bounds = array<i64: 1000, 64>}, {transform_indices = @transform_7, window_bounds = array<i64: 1000, 64>}, {pipeline_mode = #tpu.pipeline_mode<synchronous>, transform_indices = @transform_8, window_bounds = array<i64: 1, 1>}, {pipeline_mode = #tpu.pipeline_mode<synchronous>, transform_indices = @transform_9, window_bounds = array<i64: 64, 64>}, {pipeline_mode = #tpu.pipeline_mode<synchronous>, transform_indices = @transform_10, window_bounds = array<i64: 64, 64>}, {pipeline_mode = #tpu.pipeline_mode<synchronous>, transform_indices = @transform_11, window_bounds = array<i64: 1, 64>}, {pipeline_mode = #tpu.pipeline_mode<synchronous>, transform_indices = @transform_12, window_bounds = array<i64: 1, 64>}, {transform_indices = @transform_13, window_bounds = array<i64: 1000, 64>}, {transform_indices = @transform_14, window_bounds = array<i64: 1000, 64>}, {pipeline_mode = #tpu.pipeline_mode<synchronous>, transform_indices = @transform_15, window_bounds = array<i64: 1, 64>}, {pipeline_mode = #tpu.pipeline_mode<synchronous>, transform_indices = @transform_16, window_bounds = array<i64: 1, 64>}, {pipeline_mode = #tpu.pipeline_mode<synchronous>, transform_indices = @transform_17, window_bounds = array<i64: 1, 64>}, {pipeline_mode = #tpu.pipeline_mode<synchronous>, transform_indices = @transform_18, window_bounds = array<i64: 1, 64>}]} {
    %get3A = arith.constant 0 : index
    %get3A_0 = arith.constant 0 : index
    %get3A_1 = vector.load %arg9[%get3A, %get3A_0] : memref<1x1xf32, #tpu.memory_space<vmem>>, vector<1x1xf32>
    %get3A_2 = vector.extract %get3A_1[0, 0] : f32 from vector<1x1xf32>
    %get3A_3 = arith.constant 0 : index
    %get3A_4 = arith.constant 0 : index
    %get3A_5 = vector.load %arg8[%get3A_3, %get3A_4] : memref<1000x64xf32, #tpu.memory_space<vmem>>, vector<1000x64xf32>
    %mul3A = vector.broadcast %get3A_2 : f32 to vector<1000x64xf32>
    %mul3A_6 = arith.mulf %mul3A, %get3A_5 : vector<1000x64xf32>
    %sub3A = arith.constant 1.000000e+00 : f32
    %sub3A_7 = arith.subf %sub3A, %get3A_2 : f32
    %get3A_8 = arith.constant 0 : index
    %get3A_9 = arith.constant 0 : index
    %get3A_10 = vector.load %arg2[%get3A_8, %get3A_9] : memref<1000x64xf32, #tpu.memory_space<vmem>>, vector<1000x64xf32>
    %get3A_11 = arith.constant 0 : index
    %get3A_12 = arith.constant 0 : index
    %get3A_13 = vector.load %arg10[%get3A_11, %get3A_12] : memref<64x64xf32, #tpu.memory_space<vmem>>, vector<64x64xf32>
    %dot_general3A = arith.constant dense<0.000000e+00> : vector<1000x64xf32>
    %dot_general3A_14 = tpu.matmul %get3A_10, %get3A_13, %dot_general3A {dimension_numbers = #tpu.dot_dimension_numbers<[1], [0], [0], [1], [0, 0, 1, 1], [], []>, transpose_lhs_hint = false} : vector<1000x64xf32>, vector<64x64xf32>, vector<1000x64xf32> -> vector<1000x64xf32>
    %get3A_15 = arith.constant 0 : index
    %get3A_16 = arith.constant 0 : index
    %get3A_17 = vector.load %arg12[%get3A_15, %get3A_16] : memref<1x64xf32, #tpu.memory_space<vmem>>, vector<1x64xf32>
    %add3A = vector.broadcast %get3A_17 : vector<1x64xf32> to vector<1000x64xf32>
    %add3A_18 = arith.addf %dot_general3A_14, %add3A : vector<1000x64xf32>
    %mul3A_19 = vector.broadcast %sub3A_7 : f32 to vector<1000x64xf32>
    %mul3A_20 = arith.mulf %mul3A_19, %add3A_18 : vector<1000x64xf32>
    %add3A_21 = arith.addf %mul3A_6, %mul3A_20 : vector<1000x64xf32>
    %get3A_22 = arith.constant 0 : index
    %get3A_23 = arith.constant 0 : index
    %get3A_24 = vector.load %arg3[%get3A_22, %get3A_23] : memref<1000x64xf32, #tpu.memory_space<vmem>>, vector<1000x64xf32>
    %get3A_25 = arith.constant 0 : index
    %get3A_26 = arith.constant 0 : index
    %get3A_27 = vector.load %arg5[%get3A_25, %get3A_26] : memref<1000x1xf32, #tpu.memory_space<vmem>>, vector<1000x1xf32>
    %max3A = arith.constant 1.000000e+00 : f32
    %max3A_28 = vector.broadcast %max3A : f32 to vector<1000x1xf32>
    %max3A_29 = arith.maximumf %get3A_27, %max3A_28 : vector<1000x1xf32>
    %div3A = vector.broadcast %max3A_29 : vector<1000x1xf32> to vector<1000x64xf32>
    %div3A_30 = arith.divf %get3A_24, %div3A : vector<1000x64xf32>
    %add3A_31 = arith.addf %div3A_30, %add3A_21 : vector<1000x64xf32>
    %swap3A = arith.constant 0 : index
    %swap3A_32 = arith.constant 0 : index
    %swap3A_33 = vector.load %arg15[%swap3A, %swap3A_32] : memref<1000x64xf32, #tpu.memory_space<vmem>>, vector<1000x64xf32>
    tpu.vector_store %arg15[%swap3A, %swap3A_32], %add3A_31 {strides = array<i32>} : memref<1000x64xf32, #tpu.memory_space<vmem>>, vector<1000x64xf32>,
    %reduce_sum3A = arith.constant dense<0.000000e+00> : vector<64xf32>
    %reduce_sum3A_34 = vector.multi_reduction <add>, %add3A_31, %reduce_sum3A [0] : vector<1000x64xf32> to vector<64xf32>
    %broadcast_in_dim3A = vector.shape_cast %reduce_sum3A_34 : vector<64xf32> to vector<1x64xf32>
    %mul3A_35 = arith.mulf %add3A_31, %add3A_31 : vector<1000x64xf32>
    %reduce_sum3A_36 = arith.constant dense<0.000000e+00> : vector<64xf32>
    %reduce_sum3A_37 = vector.multi_reduction <add>, %mul3A_35, %reduce_sum3A_36 [0] : vector<1000x64xf32> to vector<64xf32>
    %broadcast_in_dim3A_38 = vector.shape_cast %reduce_sum3A_37 : vector<64xf32> to vector<1x64xf32>
    %eq3A = arith.constant 0 : i32
    %eq3A_39 = arith.cmpi eq, %arg0, %eq3A : i32
    %convert_element_type3A = arith.extui %eq3A_39 : i1 to i32
    %cond3A = arith.constant 0 : i32
    %cond3A_40 = arith.cmpi ne, %convert_element_type3A, %cond3A : i32
    scf.if %cond3A_40 {
      %swap3A_100 = arith.constant 0 : index
      %swap3A_101 = arith.constant 0 : index
      %swap3A_102 = vector.load %arg18[%swap3A_100, %swap3A_101] : memref<1x64xf32, #tpu.memory_space<vmem>>, vector<1x64xf32>
      tpu.vector_store %arg18[%swap3A_100, %swap3A_101], %broadcast_in_dim3A {strides = array<i32>} : memref<1x64xf32, #tpu.memory_space<vmem>>, vector<1x64xf32>,
      %swap3A_103 = arith.constant 0 : index
      %swap3A_104 = arith.constant 0 : index
      %swap3A_105 = vector.load %arg19[%swap3A_103, %swap3A_104] : memref<1x64xf32, #tpu.memory_space<vmem>>, vector<1x64xf32>
      tpu.vector_store %arg19[%swap3A_103, %swap3A_104], %broadcast_in_dim3A_38 {strides = array<i32>} : memref<1x64xf32, #tpu.memory_space<vmem>>, vector<1x64xf32>,
    } else {
    }
    %gt3A = arith.constant 0 : i32
    %gt3A_41 = arith.cmpi sgt, %arg0, %gt3A : i32
    %convert_element_type3A_42 = arith.extui %gt3A_41 : i1 to i32
    %cond3A_43 = arith.constant 0 : i32
    %cond3A_44 = arith.cmpi ne, %convert_element_type3A_42, %cond3A_43 : i32
    scf.if %cond3A_44 {
      %get3A_100 = arith.constant 0 : index
      %get3A_101 = arith.constant 0 : index
      %get3A_102 = vector.load %arg18[%get3A_100, %get3A_101] : memref<1x64xf32, #tpu.memory_space<vmem>>, vector<1x64xf32>
      %add3A_103 = arith.addf %get3A_102, %broadcast_in_dim3A : vector<1x64xf32>
      %swap3A_104 = arith.constant 0 : index
      %swap3A_105 = arith.constant 0 : index
      %swap3A_106 = vector.load %arg18[%swap3A_104, %swap3A_105] : memref<1x64xf32, #tpu.memory_space<vmem>>, vector<1x64xf32>
      tpu.vector_store %arg18[%swap3A_104, %swap3A_105], %add3A_103 {strides = array<i32>} : memref<1x64xf32, #tpu.memory_space<vmem>>, vector<1x64xf32>,
      %get3A_107 = arith.constant 0 : index
      %get3A_108 = arith.constant 0 : index
      %get3A_109 = vector.load %arg19[%get3A_107, %get3A_108] : memref<1x64xf32, #tpu.memory_space<vmem>>, vector<1x64xf32>
      %add3A_110 = arith.addf %get3A_109, %broadcast_in_dim3A_38 : vector<1x64xf32>
      %swap3A_111 = arith.constant 0 : index
      %swap3A_112 = arith.constant 0 : index
      %swap3A_113 = vector.load %arg19[%swap3A_111, %swap3A_112] : memref<1x64xf32, #tpu.memory_space<vmem>>, vector<1x64xf32>
      tpu.vector_store %arg19[%swap3A_111, %swap3A_112], %add3A_110 {strides = array<i32>} : memref<1x64xf32, #tpu.memory_space<vmem>>, vector<1x64xf32>,
    } else {
    }
    %get3A_45 = arith.constant 0 : index
    %get3A_46 = arith.constant 0 : index
    %get3A_47 = vector.load %arg7[%get3A_45, %get3A_46] : memref<1000x64xf32, #tpu.memory_space<vmem>>, vector<1000x64xf32>
    %mul3A_48 = vector.broadcast %get3A_2 : f32 to vector<1000x64xf32>
    %mul3A_49 = arith.mulf %mul3A_48, %get3A_47 : vector<1000x64xf32>
    %sub3A_50 = arith.constant 1.000000e+00 : f32
    %sub3A_51 = arith.subf %sub3A_50, %get3A_2 : f32
    %get3A_52 = arith.constant 0 : index
    %get3A_53 = arith.constant 0 : index
    %get3A_54 = vector.load %arg1[%get3A_52, %get3A_53] : memref<1000x64xf32, #tpu.memory_space<vmem>>, vector<1000x64xf32>
    %get3A_55 = arith.constant 0 : index
    %get3A_56 = arith.constant 0 : index
    %get3A_57 = vector.load %arg11[%get3A_55, %get3A_56] : memref<64x64xf32, #tpu.memory_space<vmem>>, vector<64x64xf32>
    %dot_general3A_58 = arith.constant dense<0.000000e+00> : vector<1000x64xf32>
    %dot_general3A_59 = tpu.matmul %get3A_54, %get3A_57, %dot_general3A_58 {dimension_numbers = #tpu.dot_dimension_numbers<[1], [0], [0], [1], [0, 0, 1, 1], [], []>, transpose_lhs_hint = false} : vector<1000x64xf32>, vector<64x64xf32>, vector<1000x64xf32> -> vector<1000x64xf32>
    %get3A_60 = arith.constant 0 : index
    %get3A_61 = arith.constant 0 : index
    %get3A_62 = vector.load %arg13[%get3A_60, %get3A_61] : memref<1x64xf32, #tpu.memory_space<vmem>>, vector<1x64xf32>
    %add3A_63 = vector.broadcast %get3A_62 : vector<1x64xf32> to vector<1000x64xf32>
    %add3A_64 = arith.addf %dot_general3A_59, %add3A_63 : vector<1000x64xf32>
    %mul3A_65 = vector.broadcast %sub3A_51 : f32 to vector<1000x64xf32>
    %mul3A_66 = arith.mulf %mul3A_65, %add3A_64 : vector<1000x64xf32>
    %add3A_67 = arith.addf %mul3A_49, %mul3A_66 : vector<1000x64xf32>
    %get3A_68 = arith.constant 0 : index
    %get3A_69 = arith.constant 0 : index
    %get3A_70 = vector.load %arg4[%get3A_68, %get3A_69] : memref<1000x64xf32, #tpu.memory_space<vmem>>, vector<1000x64xf32>
    %get3A_71 = arith.constant 0 : index
    %get3A_72 = arith.constant 0 : index
    %get3A_73 = vector.load %arg6[%get3A_71, %get3A_72] : memref<1000x1xf32, #tpu.memory_space<vmem>>, vector<1000x1xf32>
    %max3A_74 = arith.constant 1.000000e+00 : f32
    %max3A_75 = vector.broadcast %max3A_74 : f32 to vector<1000x1xf32>
    %max3A_76 = arith.maximumf %get3A_73, %max3A_75 : vector<1000x1xf32>
    %div3A_77 = vector.broadcast %max3A_76 : vector<1000x1xf32> to vector<1000x64xf32>
    %div3A_78 = arith.divf %get3A_70, %div3A_77 : vector<1000x64xf32>
    %add3A_79 = arith.addf %div3A_78, %add3A_67 : vector<1000x64xf32>
    %swap3A_80 = arith.constant 0 : index
    %swap3A_81 = arith.constant 0 : index
    %swap3A_82 = vector.load %arg14[%swap3A_80, %swap3A_81] : memref<1000x64xf32, #tpu.memory_space<vmem>>, vector<1000x64xf32>
    tpu.vector_store %arg14[%swap3A_80, %swap3A_81], %add3A_79 {strides = array<i32>} : memref<1000x64xf32, #tpu.memory_space<vmem>>, vector<1000x64xf32>,
    %reduce_sum3A_83 = arith.constant dense<0.000000e+00> : vector<64xf32>
    %reduce_sum3A_84 = vector.multi_reduction <add>, %add3A_79, %reduce_sum3A_83 [0] : vector<1000x64xf32> to vector<64xf32>
    %broadcast_in_dim3A_85 = vector.shape_cast %reduce_sum3A_84 : vector<64xf32> to vector<1x64xf32>
    %mul3A_86 = arith.mulf %add3A_79, %add3A_79 : vector<1000x64xf32>
    %reduce_sum3A_87 = arith.constant dense<0.000000e+00> : vector<64xf32>
    %reduce_sum3A_88 = vector.multi_reduction <add>, %mul3A_86, %reduce_sum3A_87 [0] : vector<1000x64xf32> to vector<64xf32>
    %broadcast_in_dim3A_89 = vector.shape_cast %reduce_sum3A_88 : vector<64xf32> to vector<1x64xf32>
    %eq3A_90 = arith.constant 0 : i32
    %eq3A_91 = arith.cmpi eq, %arg0, %eq3A_90 : i32
    %convert_element_type3A_92 = arith.extui %eq3A_91 : i1 to i32
    %cond3A_93 = arith.constant 0 : i32
    %cond3A_94 = arith.cmpi ne, %convert_element_type3A_92, %cond3A_93 : i32
    scf.if %cond3A_94 {
      %swap3A_100 = arith.constant 0 : index
      %swap3A_101 = arith.constant 0 : index
      %swap3A_102 = vector.load %arg16[%swap3A_100, %swap3A_101] : memref<1x64xf32, #tpu.memory_space<vmem>>, vector<1x64xf32>
      tpu.vector_store %arg16[%swap3A_100, %swap3A_101], %broadcast_in_dim3A_85 {strides = array<i32>} : memref<1x64xf32, #tpu.memory_space<vmem>>, vector<1x64xf32>,
      %swap3A_103 = arith.constant 0 : index
      %swap3A_104 = arith.constant 0 : index
      %swap3A_105 = vector.load %arg17[%swap3A_103, %swap3A_104] : memref<1x64xf32, #tpu.memory_space<vmem>>, vector<1x64xf32>
      tpu.vector_store %arg17[%swap3A_103, %swap3A_104], %broadcast_in_dim3A_89 {strides = array<i32>} : memref<1x64xf32, #tpu.memory_space<vmem>>, vector<1x64xf32>,
    } else {
    }
    %gt3A_95 = arith.constant 0 : i32
    %gt3A_96 = arith.cmpi sgt, %arg0, %gt3A_95 : i32
    %convert_element_type3A_97 = arith.extui %gt3A_96 : i1 to i32
    %cond3A_98 = arith.constant 0 : i32
    %cond3A_99 = arith.cmpi ne, %convert_element_type3A_97, %cond3A_98 : i32
    scf.if %cond3A_99 {
      %get3A_100 = arith.constant 0 : index
      %get3A_101 = arith.constant 0 : index
      %get3A_102 = vector.load %arg16[%get3A_100, %get3A_101] : memref<1x64xf32, #tpu.memory_space<vmem>>, vector<1x64xf32>
      %add3A_103 = arith.addf %get3A_102, %broadcast_in_dim3A_85 : vector<1x64xf32>
      %swap3A_104 = arith.constant 0 : index
      %swap3A_105 = arith.constant 0 : index
      %swap3A_106 = vector.load %arg16[%swap3A_104, %swap3A_105] : memref<1x64xf32, #tpu.memory_space<vmem>>, vector<1x64xf32>
      tpu.vector_store %arg16[%swap3A_104, %swap3A_105], %add3A_103 {strides = array<i32>} : memref<1x64xf32, #tpu.memory_space<vmem>>, vector<1x64xf32>,
      %get3A_107 = arith.constant 0 : index
      %get3A_108 = arith.constant 0 : index
      %get3A_109 = vector.load %arg17[%get3A_107, %get3A_108] : memref<1x64xf32, #tpu.memory_space<vmem>>, vector<1x64xf32>
      %add3A_110 = arith.addf %get3A_109, %broadcast_in_dim3A_89 : vector<1x64xf32>
      %swap3A_111 = arith.constant 0 : index
      %swap3A_112 = arith.constant 0 : index
      %swap3A_113 = vector.load %arg17[%swap3A_111, %swap3A_112] : memref<1x64xf32, #tpu.memory_space<vmem>>, vector<1x64xf32>
      tpu.vector_store %arg17[%swap3A_111, %swap3A_112], %add3A_110 {strides = array<i32>} : memref<1x64xf32, #tpu.memory_space<vmem>>, vector<1x64xf32>,
    } else {
    }
    return
  }
  func.func @transform_0(%arg0: i32) -> (i32, i32) {
    %c0_i32 = arith.constant 0 : i32
    %c0_i32_0 = arith.constant 0 : i32
    return %arg0, %c0_i32 : i32, i32
  }
  func.func @transform_1(%arg0: i32) -> (i32, i32) {
    %c0_i32 = arith.constant 0 : i32
    %c0_i32_0 = arith.constant 0 : i32
    return %arg0, %c0_i32 : i32, i32
  }
  func.func @transform_2(%arg0: i32) -> (i32, i32) {
    %c0_i32 = arith.constant 0 : i32
    %c0_i32_0 = arith.constant 0 : i32
    return %arg0, %c0_i32 : i32, i32
  }
  func.func @transform_3(%arg0: i32) -> (i32, i32) {
    %c0_i32 = arith.constant 0 : i32
    %c0_i32_0 = arith.constant 0 : i32
    return %arg0, %c0_i32 : i32, i32
  }
  func.func @transform_4(%arg0: i32) -> (i32, i32) {
    %c0_i32 = arith.constant 0 : i32
    %c0_i32_0 = arith.constant 0 : i32
    return %arg0, %c0_i32 : i32, i32
  }
  func.func @transform_5(%arg0: i32) -> (i32, i32) {
    %c0_i32 = arith.constant 0 : i32
    %c0_i32_0 = arith.constant 0 : i32
    return %arg0, %c0_i32 : i32, i32
  }
  func.func @transform_6(%arg0: i32) -> (i32, i32) {
    %c0_i32 = arith.constant 0 : i32
    %c0_i32_0 = arith.constant 0 : i32
    return %arg0, %c0_i32 : i32, i32
  }
  func.func @transform_7(%arg0: i32) -> (i32, i32) {
    %c0_i32 = arith.constant 0 : i32
    %c0_i32_0 = arith.constant 0 : i32
    return %arg0, %c0_i32 : i32, i32
  }
  func.func @transform_8(%arg0: i32) -> (i32, i32) {
    %c0_i32 = arith.constant 0 : i32
    %c0_i32_0 = arith.constant 0 : i32
    %c0_i32_1 = arith.constant 0 : i32
    return %c0_i32, %c0_i32_0 : i32, i32
  }
  func.func @transform_9(%arg0: i32) -> (i32, i32) {
    %c0_i32 = arith.constant 0 : i32
    %c0_i32_0 = arith.constant 0 : i32
    %c0_i32_1 = arith.constant 0 : i32
    return %c0_i32, %c0_i32_0 : i32, i32
  }
  func.func @transform_10(%arg0: i32) -> (i32, i32) {
    %c0_i32 = arith.constant 0 : i32
    %c0_i32_0 = arith.constant 0 : i32
    %c0_i32_1 = arith.constant 0 : i32
    return %c0_i32, %c0_i32_0 : i32, i32
  }
  func.func @transform_11(%arg0: i32) -> (i32, i32) {
    %c0_i32 = arith.constant 0 : i32
    %c0_i32_0 = arith.constant 0 : i32
    %c0_i32_1 = arith.constant 0 : i32
    return %c0_i32, %c0_i32_0 : i32, i32
  }
  func.func @transform_12(%arg0: i32) -> (i32, i32) {
    %c0_i32 = arith.constant 0 : i32
    %c0_i32_0 = arith.constant 0 : i32
    %c0_i32_1 = arith.constant 0 : i32
    return %c0_i32, %c0_i32_0 : i32, i32
  }
  func.func @transform_13(%arg0: i32) -> (i32, i32) {
    %c0_i32 = arith.constant 0 : i32
    %c0_i32_0 = arith.constant 0 : i32
    return %arg0, %c0_i32 : i32, i32
  }
  func.func @transform_14(%arg0: i32) -> (i32, i32) {
    %c0_i32 = arith.constant 0 : i32
    %c0_i32_0 = arith.constant 0 : i32
    return %arg0, %c0_i32 : i32, i32
  }
  func.func @transform_15(%arg0: i32) -> (i32, i32) {
    %c0_i32 = arith.constant 0 : i32
    %c0_i32_0 = arith.constant 0 : i32
    %c0_i32_1 = arith.constant 0 : i32
    return %c0_i32, %c0_i32_0 : i32, i32
  }
  func.func @transform_16(%arg0: i32) -> (i32, i32) {
    %c0_i32 = arith.constant 0 : i32
    %c0_i32_0 = arith.constant 0 : i32
    %c0_i32_1 = arith.constant 0 : i32
    return %c0_i32, %c0_i32_0 : i32, i32
  }
  func.func @transform_17(%arg0: i32) -> (i32, i32) {
    %c0_i32 = arith.constant 0 : i32
    %c0_i32_0 = arith.constant 0 : i32
    %c0_i32_1 = arith.constant 0 : i32
    return %c0_i32, %c0_i32_0 : i32, i32
  }
  func.func @transform_18(%arg0: i32) -> (i32, i32) {
    %c0_i32 = arith.constant 0 : i32
    %c0_i32_0 = arith.constant 0 : i32
    %c0_i32_1 = arith.constant 0 : i32
    return %c0_i32, %c0_i32_0 : i32, i32
  }
}

module attributes {stable_mosaic.version = 14 : i64} {
  func.func @_tc_norm_body(%arg0: i32, %arg1: memref<1000x64xf32, #tpu.memory_space<vmem>>, %arg2: memref<1000x64xf32, #tpu.memory_space<vmem>>, %arg3: memref<1x64xf32, #tpu.memory_space<vmem>>, %arg4: memref<1x64xf32, #tpu.memory_space<vmem>>, %arg5: memref<1x64xf32, #tpu.memory_space<vmem>>, %arg6: memref<1x64xf32, #tpu.memory_space<vmem>>, %arg7: memref<1000x64xf32, #tpu.memory_space<vmem>>, %arg8: memref<1000x64xf32, #tpu.memory_space<vmem>>, %arg9: memref<1x1xf32, #tpu.memory_space<vmem>>, %arg10: memref<1x64xf32, #tpu.memory_space<vmem>>, %arg11: memref<1x64xf32, #tpu.memory_space<vmem>>, %arg12: memref<1x64xf32, #tpu.memory_space<vmem>>, %arg13: memref<1x64xf32, #tpu.memory_space<vmem>>, %arg14: memref<64x64xf32, #tpu.memory_space<vmem>>, %arg15: memref<64x64xf32, #tpu.memory_space<vmem>>, %arg16: memref<1000x64xf32, #tpu.memory_space<vmem>>, %arg17: memref<1000x64xf32, #tpu.memory_space<vmem>>, %arg18: memref<1000x64xf32, #tpu.memory_space<vmem>>, %arg19: memref<1000x64xf32, #tpu.memory_space<vmem>>) attributes {dimension_semantics = [#tpu.dimension_semantics<arbitrary>], iteration_bounds = array<i64: 10>, scalar_prefetch = 0 : i64, scratch_operands = 0 : i64, tpu.core_type = #tpu.core_type<tc>, window_params = [{transform_indices = @transform_0, window_bounds = array<i64: 1000, 64>}, {transform_indices = @transform_1, window_bounds = array<i64: 1000, 64>}, {pipeline_mode = #tpu.pipeline_mode<synchronous>, transform_indices = @transform_2, window_bounds = array<i64: 1, 64>}, {pipeline_mode = #tpu.pipeline_mode<synchronous>, transform_indices = @transform_3, window_bounds = array<i64: 1, 64>}, {pipeline_mode = #tpu.pipeline_mode<synchronous>, transform_indices = @transform_4, window_bounds = array<i64: 1, 64>}, {pipeline_mode = #tpu.pipeline_mode<synchronous>, transform_indices = @transform_5, window_bounds = array<i64: 1, 64>}, {transform_indices = @transform_6, window_bounds = array<i64: 1000, 64>}, {transform_indices = @transform_7, window_bounds = array<i64: 1000, 64>}, {pipeline_mode = #tpu.pipeline_mode<synchronous>, transform_indices = @transform_8, window_bounds = array<i64: 1, 1>}, {pipeline_mode = #tpu.pipeline_mode<synchronous>, transform_indices = @transform_9, window_bounds = array<i64: 1, 64>}, {pipeline_mode = #tpu.pipeline_mode<synchronous>, transform_indices = @transform_10, window_bounds = array<i64: 1, 64>}, {pipeline_mode = #tpu.pipeline_mode<synchronous>, transform_indices = @transform_11, window_bounds = array<i64: 1, 64>}, {pipeline_mode = #tpu.pipeline_mode<synchronous>, transform_indices = @transform_12, window_bounds = array<i64: 1, 64>}, {pipeline_mode = #tpu.pipeline_mode<synchronous>, transform_indices = @transform_13, window_bounds = array<i64: 64, 64>}, {pipeline_mode = #tpu.pipeline_mode<synchronous>, transform_indices = @transform_14, window_bounds = array<i64: 64, 64>}, {transform_indices = @transform_15, window_bounds = array<i64: 1000, 64>}, {transform_indices = @transform_16, window_bounds = array<i64: 1000, 64>}, {transform_indices = @transform_17, window_bounds = array<i64: 1000, 64>}, {transform_indices = @transform_18, window_bounds = array<i64: 1000, 64>}]} {
    %get3A = arith.constant 0 : index
    %get3A_0 = arith.constant 0 : index
    %get3A_1 = vector.load %arg3[%get3A, %get3A_0] : memref<1x64xf32, #tpu.memory_space<vmem>>, vector<1x64xf32>
    %mul3A = arith.constant 9.99999974E-5 : f32
    %mul3A_2 = vector.broadcast %mul3A : f32 to vector<1x64xf32>
    %mul3A_3 = arith.mulf %get3A_1, %mul3A_2 : vector<1x64xf32>
    %get3A_4 = arith.constant 0 : index
    %get3A_5 = arith.constant 0 : index
    %get3A_6 = vector.load %arg4[%get3A_4, %get3A_5] : memref<1x64xf32, #tpu.memory_space<vmem>>, vector<1x64xf32>
    %mul3A_7 = arith.constant 9.99999974E-5 : f32
    %mul3A_8 = vector.broadcast %mul3A_7 : f32 to vector<1x64xf32>
    %mul3A_9 = arith.mulf %get3A_6, %mul3A_8 : vector<1x64xf32>
    %mul3A_10 = arith.mulf %mul3A_3, %mul3A_3 : vector<1x64xf32>
    %sub3A = arith.subf %mul3A_9, %mul3A_10 : vector<1x64xf32>
    %get3A_11 = arith.constant 0 : index
    %get3A_12 = arith.constant 0 : index
    %get3A_13 = vector.load %arg1[%get3A_11, %get3A_12] : memref<1000x64xf32, #tpu.memory_space<vmem>>, vector<1000x64xf32>
    %sub3A_14 = vector.broadcast %mul3A_3 : vector<1x64xf32> to vector<1000x64xf32>
    %sub3A_15 = arith.subf %get3A_13, %sub3A_14 : vector<1000x64xf32>
    %add3A = arith.constant 9.99999974E-6 : f32
    %add3A_16 = vector.broadcast %add3A : f32 to vector<1x64xf32>
    %add3A_17 = arith.addf %sub3A, %add3A_16 : vector<1x64xf32>
    %rsqrt3A = math.rsqrt %add3A_17 : vector<1x64xf32>
    %mul3A_18 = vector.broadcast %rsqrt3A : vector<1x64xf32> to vector<1000x64xf32>
    %mul3A_19 = arith.mulf %sub3A_15, %mul3A_18 : vector<1000x64xf32>
    %get3A_20 = arith.constant 0 : index
    %get3A_21 = arith.constant 0 : index
    %get3A_22 = vector.load %arg10[%get3A_20, %get3A_21] : memref<1x64xf32, #tpu.memory_space<vmem>>, vector<1x64xf32>
    %mul3A_23 = vector.broadcast %get3A_22 : vector<1x64xf32> to vector<1000x64xf32>
    %mul3A_24 = arith.mulf %mul3A_19, %mul3A_23 : vector<1000x64xf32>
    %get3A_25 = arith.constant 0 : index
    %get3A_26 = arith.constant 0 : index
    %get3A_27 = vector.load %arg11[%get3A_25, %get3A_26] : memref<1x64xf32, #tpu.memory_space<vmem>>, vector<1x64xf32>
    %add3A_28 = vector.broadcast %get3A_27 : vector<1x64xf32> to vector<1000x64xf32>
    %add3A_29 = arith.addf %mul3A_24, %add3A_28 : vector<1000x64xf32>
    %ge3A = arith.constant 0.000000e+00 : f32
    %ge3A_30 = vector.broadcast %ge3A : f32 to vector<1000x64xf32>
    %ge3A_31 = arith.cmpf oge, %add3A_29, %ge3A_30 : vector<1000x64xf32>
    %mul3A_32 = arith.constant 0.00999999977 : f32
    %mul3A_33 = vector.broadcast %mul3A_32 : f32 to vector<1000x64xf32>
    %mul3A_34 = arith.mulf %mul3A_33, %add3A_29 : vector<1000x64xf32>
    %select_n3A = arith.select %ge3A_31, %add3A_29, %mul3A_34 : vector<1000x64xi1>, vector<1000x64xf32>
    %get3A_35 = arith.constant 0 : index
    %get3A_36 = arith.constant 0 : index
    %get3A_37 = vector.load %arg9[%get3A_35, %get3A_36] : memref<1x1xf32, #tpu.memory_space<vmem>>, vector<1x1xf32>
    %get3A_38 = vector.extract %get3A_37[0, 0] : f32 from vector<1x1xf32>
    %get3A_39 = arith.constant 0 : index
    %get3A_40 = arith.constant 0 : index
    %get3A_41 = vector.load %arg7[%get3A_39, %get3A_40] : memref<1000x64xf32, #tpu.memory_space<vmem>>, vector<1000x64xf32>
    %mul3A_42 = vector.broadcast %get3A_38 : f32 to vector<1000x64xf32>
    %mul3A_43 = arith.mulf %mul3A_42, %get3A_41 : vector<1000x64xf32>
    %add3A_44 = arith.addf %select_n3A, %mul3A_43 : vector<1000x64xf32>
    %get3A_45 = arith.constant 0 : index
    %get3A_46 = arith.constant 0 : index
    %get3A_47 = vector.load %arg5[%get3A_45, %get3A_46] : memref<1x64xf32, #tpu.memory_space<vmem>>, vector<1x64xf32>
    %mul3A_48 = arith.constant 9.99999974E-5 : f32
    %mul3A_49 = vector.broadcast %mul3A_48 : f32 to vector<1x64xf32>
    %mul3A_50 = arith.mulf %get3A_47, %mul3A_49 : vector<1x64xf32>
    %get3A_51 = arith.constant 0 : index
    %get3A_52 = arith.constant 0 : index
    %get3A_53 = vector.load %arg6[%get3A_51, %get3A_52] : memref<1x64xf32, #tpu.memory_space<vmem>>, vector<1x64xf32>
    %mul3A_54 = arith.constant 9.99999974E-5 : f32
    %mul3A_55 = vector.broadcast %mul3A_54 : f32 to vector<1x64xf32>
    %mul3A_56 = arith.mulf %get3A_53, %mul3A_55 : vector<1x64xf32>
    %mul3A_57 = arith.mulf %mul3A_50, %mul3A_50 : vector<1x64xf32>
    %sub3A_58 = arith.subf %mul3A_56, %mul3A_57 : vector<1x64xf32>
    %get3A_59 = arith.constant 0 : index
    %get3A_60 = arith.constant 0 : index
    %get3A_61 = vector.load %arg2[%get3A_59, %get3A_60] : memref<1000x64xf32, #tpu.memory_space<vmem>>, vector<1000x64xf32>
    %sub3A_62 = vector.broadcast %mul3A_50 : vector<1x64xf32> to vector<1000x64xf32>
    %sub3A_63 = arith.subf %get3A_61, %sub3A_62 : vector<1000x64xf32>
    %add3A_64 = arith.constant 9.99999974E-6 : f32
    %add3A_65 = vector.broadcast %add3A_64 : f32 to vector<1x64xf32>
    %add3A_66 = arith.addf %sub3A_58, %add3A_65 : vector<1x64xf32>
    %rsqrt3A_67 = math.rsqrt %add3A_66 : vector<1x64xf32>
    %mul3A_68 = vector.broadcast %rsqrt3A_67 : vector<1x64xf32> to vector<1000x64xf32>
    %mul3A_69 = arith.mulf %sub3A_63, %mul3A_68 : vector<1000x64xf32>
    %get3A_70 = arith.constant 0 : index
    %get3A_71 = arith.constant 0 : index
    %get3A_72 = vector.load %arg12[%get3A_70, %get3A_71] : memref<1x64xf32, #tpu.memory_space<vmem>>, vector<1x64xf32>
    %mul3A_73 = vector.broadcast %get3A_72 : vector<1x64xf32> to vector<1000x64xf32>
    %mul3A_74 = arith.mulf %mul3A_69, %mul3A_73 : vector<1000x64xf32>
    %get3A_75 = arith.constant 0 : index
    %get3A_76 = arith.constant 0 : index
    %get3A_77 = vector.load %arg13[%get3A_75, %get3A_76] : memref<1x64xf32, #tpu.memory_space<vmem>>, vector<1x64xf32>
    %add3A_78 = vector.broadcast %get3A_77 : vector<1x64xf32> to vector<1000x64xf32>
    %add3A_79 = arith.addf %mul3A_74, %add3A_78 : vector<1000x64xf32>
    %ge3A_80 = arith.constant 0.000000e+00 : f32
    %ge3A_81 = vector.broadcast %ge3A_80 : f32 to vector<1000x64xf32>
    %ge3A_82 = arith.cmpf oge, %add3A_79, %ge3A_81 : vector<1000x64xf32>
    %mul3A_83 = arith.constant 0.00999999977 : f32
    %mul3A_84 = vector.broadcast %mul3A_83 : f32 to vector<1000x64xf32>
    %mul3A_85 = arith.mulf %mul3A_84, %add3A_79 : vector<1000x64xf32>
    %select_n3A_86 = arith.select %ge3A_82, %add3A_79, %mul3A_85 : vector<1000x64xi1>, vector<1000x64xf32>
    %get3A_87 = arith.constant 0 : index
    %get3A_88 = arith.constant 0 : index
    %get3A_89 = vector.load %arg9[%get3A_87, %get3A_88] : memref<1x1xf32, #tpu.memory_space<vmem>>, vector<1x1xf32>
    %get3A_90 = vector.extract %get3A_89[0, 0] : f32 from vector<1x1xf32>
    %get3A_91 = arith.constant 0 : index
    %get3A_92 = arith.constant 0 : index
    %get3A_93 = vector.load %arg8[%get3A_91, %get3A_92] : memref<1000x64xf32, #tpu.memory_space<vmem>>, vector<1000x64xf32>
    %mul3A_94 = vector.broadcast %get3A_90 : f32 to vector<1000x64xf32>
    %mul3A_95 = arith.mulf %mul3A_94, %get3A_93 : vector<1000x64xf32>
    %add3A_96 = arith.addf %select_n3A_86, %mul3A_95 : vector<1000x64xf32>
    %swap3A = arith.constant 0 : index
    %swap3A_97 = arith.constant 0 : index
    %swap3A_98 = vector.load %arg16[%swap3A, %swap3A_97] : memref<1000x64xf32, #tpu.memory_space<vmem>>, vector<1000x64xf32>
    tpu.vector_store %arg16[%swap3A, %swap3A_97], %add3A_44 {strides = array<i32>} : memref<1000x64xf32, #tpu.memory_space<vmem>>, vector<1000x64xf32>,
    %swap3A_99 = arith.constant 0 : index
    %swap3A_100 = arith.constant 0 : index
    %swap3A_101 = vector.load %arg17[%swap3A_99, %swap3A_100] : memref<1000x64xf32, #tpu.memory_space<vmem>>, vector<1000x64xf32>
    tpu.vector_store %arg17[%swap3A_99, %swap3A_100], %add3A_96 {strides = array<i32>} : memref<1000x64xf32, #tpu.memory_space<vmem>>, vector<1000x64xf32>,
    %get3A_102 = arith.constant 0 : index
    %get3A_103 = arith.constant 0 : index
    %get3A_104 = vector.load %arg14[%get3A_102, %get3A_103] : memref<64x64xf32, #tpu.memory_space<vmem>>, vector<64x64xf32>
    %dot_general3A = arith.constant dense<0.000000e+00> : vector<1000x64xf32>
    %dot_general3A_105 = tpu.matmul %add3A_44, %get3A_104, %dot_general3A {dimension_numbers = #tpu.dot_dimension_numbers<[1], [0], [0], [1], [0, 0, 1, 1], [], []>, transpose_lhs_hint = false} : vector<1000x64xf32>, vector<64x64xf32>, vector<1000x64xf32> -> vector<1000x64xf32>
    %swap3A_106 = arith.constant 0 : index
    %swap3A_107 = arith.constant 0 : index
    %swap3A_108 = vector.load %arg18[%swap3A_106, %swap3A_107] : memref<1000x64xf32, #tpu.memory_space<vmem>>, vector<1000x64xf32>
    tpu.vector_store %arg18[%swap3A_106, %swap3A_107], %dot_general3A_105 {strides = array<i32>} : memref<1000x64xf32, #tpu.memory_space<vmem>>, vector<1000x64xf32>,
    %get3A_109 = arith.constant 0 : index
    %get3A_110 = arith.constant 0 : index
    %get3A_111 = vector.load %arg15[%get3A_109, %get3A_110] : memref<64x64xf32, #tpu.memory_space<vmem>>, vector<64x64xf32>
    %dot_general3A_112 = arith.constant dense<0.000000e+00> : vector<1000x64xf32>
    %dot_general3A_113 = tpu.matmul %add3A_96, %get3A_111, %dot_general3A_112 {dimension_numbers = #tpu.dot_dimension_numbers<[1], [0], [0], [1], [0, 0, 1, 1], [], []>, transpose_lhs_hint = false} : vector<1000x64xf32>, vector<64x64xf32>, vector<1000x64xf32> -> vector<1000x64xf32>
    %swap3A_114 = arith.constant 0 : index
    %swap3A_115 = arith.constant 0 : index
    %swap3A_116 = vector.load %arg19[%swap3A_114, %swap3A_115] : memref<1000x64xf32, #tpu.memory_space<vmem>>, vector<1000x64xf32>
    tpu.vector_store %arg19[%swap3A_114, %swap3A_115], %dot_general3A_113 {strides = array<i32>} : memref<1000x64xf32, #tpu.memory_space<vmem>>, vector<1000x64xf32>,
    return
  }
  func.func @transform_0(%arg0: i32) -> (i32, i32) {
    %c0_i32 = arith.constant 0 : i32
    %c0_i32_0 = arith.constant 0 : i32
    return %arg0, %c0_i32 : i32, i32
  }
  func.func @transform_1(%arg0: i32) -> (i32, i32) {
    %c0_i32 = arith.constant 0 : i32
    %c0_i32_0 = arith.constant 0 : i32
    return %arg0, %c0_i32 : i32, i32
  }
  func.func @transform_2(%arg0: i32) -> (i32, i32) {
    %c0_i32 = arith.constant 0 : i32
    %c0_i32_0 = arith.constant 0 : i32
    %c0_i32_1 = arith.constant 0 : i32
    return %c0_i32, %c0_i32_0 : i32, i32
  }
  func.func @transform_3(%arg0: i32) -> (i32, i32) {
    %c0_i32 = arith.constant 0 : i32
    %c0_i32_0 = arith.constant 0 : i32
    %c0_i32_1 = arith.constant 0 : i32
    return %c0_i32, %c0_i32_0 : i32, i32
  }
  func.func @transform_4(%arg0: i32) -> (i32, i32) {
    %c0_i32 = arith.constant 0 : i32
    %c0_i32_0 = arith.constant 0 : i32
    %c0_i32_1 = arith.constant 0 : i32
    return %c0_i32, %c0_i32_0 : i32, i32
  }
  func.func @transform_5(%arg0: i32) -> (i32, i32) {
    %c0_i32 = arith.constant 0 : i32
    %c0_i32_0 = arith.constant 0 : i32
    %c0_i32_1 = arith.constant 0 : i32
    return %c0_i32, %c0_i32_0 : i32, i32
  }
  func.func @transform_6(%arg0: i32) -> (i32, i32) {
    %c0_i32 = arith.constant 0 : i32
    %c0_i32_0 = arith.constant 0 : i32
    return %arg0, %c0_i32 : i32, i32
  }
  func.func @transform_7(%arg0: i32) -> (i32, i32) {
    %c0_i32 = arith.constant 0 : i32
    %c0_i32_0 = arith.constant 0 : i32
    return %arg0, %c0_i32 : i32, i32
  }
  func.func @transform_8(%arg0: i32) -> (i32, i32) {
    %c0_i32 = arith.constant 0 : i32
    %c0_i32_0 = arith.constant 0 : i32
    %c0_i32_1 = arith.constant 0 : i32
    return %c0_i32, %c0_i32_0 : i32, i32
  }
  func.func @transform_9(%arg0: i32) -> (i32, i32) {
    %c0_i32 = arith.constant 0 : i32
    %c0_i32_0 = arith.constant 0 : i32
    %c0_i32_1 = arith.constant 0 : i32
    return %c0_i32, %c0_i32_0 : i32, i32
  }
  func.func @transform_10(%arg0: i32) -> (i32, i32) {
    %c0_i32 = arith.constant 0 : i32
    %c0_i32_0 = arith.constant 0 : i32
    %c0_i32_1 = arith.constant 0 : i32
    return %c0_i32, %c0_i32_0 : i32, i32
  }
  func.func @transform_11(%arg0: i32) -> (i32, i32) {
    %c0_i32 = arith.constant 0 : i32
    %c0_i32_0 = arith.constant 0 : i32
    %c0_i32_1 = arith.constant 0 : i32
    return %c0_i32, %c0_i32_0 : i32, i32
  }
  func.func @transform_12(%arg0: i32) -> (i32, i32) {
    %c0_i32 = arith.constant 0 : i32
    %c0_i32_0 = arith.constant 0 : i32
    %c0_i32_1 = arith.constant 0 : i32
    return %c0_i32, %c0_i32_0 : i32, i32
  }
  func.func @transform_13(%arg0: i32) -> (i32, i32) {
    %c0_i32 = arith.constant 0 : i32
    %c0_i32_0 = arith.constant 0 : i32
    %c0_i32_1 = arith.constant 0 : i32
    return %c0_i32, %c0_i32_0 : i32, i32
  }
  func.func @transform_14(%arg0: i32) -> (i32, i32) {
    %c0_i32 = arith.constant 0 : i32
    %c0_i32_0 = arith.constant 0 : i32
    %c0_i32_1 = arith.constant 0 : i32
    return %c0_i32, %c0_i32_0 : i32, i32
  }
  func.func @transform_15(%arg0: i32) -> (i32, i32) {
    %c0_i32 = arith.constant 0 : i32
    %c0_i32_0 = arith.constant 0 : i32
    return %arg0, %c0_i32 : i32, i32
  }
  func.func @transform_16(%arg0: i32) -> (i32, i32) {
    %c0_i32 = arith.constant 0 : i32
    %c0_i32_0 = arith.constant 0 : i32
    return %arg0, %c0_i32 : i32, i32
  }
  func.func @transform_17(%arg0: i32) -> (i32, i32) {
    %c0_i32 = arith.constant 0 : i32
    %c0_i32_0 = arith.constant 0 : i32
    return %arg0, %c0_i32 : i32, i32
  }
  func.func @transform_18(%arg0: i32) -> (i32, i32) {
    %c0_i32 = arith.constant 0 : i32
    %c0_i32_0 = arith.constant 0 : i32
    return %arg0, %c0_i32 : i32, i32
  }
}

module attributes {stable_mosaic.version = 14 : i64} {
  func.func @_tc_stats_body(%arg0: i32, %arg1: memref<1000x64xf32, #tpu.memory_space<vmem>>, %arg2: memref<1000x64xf32, #tpu.memory_space<vmem>>, %arg3: memref<1000x64xf32, #tpu.memory_space<vmem>>, %arg4: memref<1000x64xf32, #tpu.memory_space<vmem>>, %arg5: memref<1000x1xf32, #tpu.memory_space<vmem>>, %arg6: memref<1000x1xf32, #tpu.memory_space<vmem>>, %arg7: memref<1000x64xf32, #tpu.memory_space<vmem>>, %arg8: memref<1000x64xf32, #tpu.memory_space<vmem>>, %arg9: memref<1x1xf32, #tpu.memory_space<vmem>>, %arg10: memref<64x64xf32, #tpu.memory_space<vmem>>, %arg11: memref<64x64xf32, #tpu.memory_space<vmem>>, %arg12: memref<1x64xf32, #tpu.memory_space<vmem>>, %arg13: memref<1x64xf32, #tpu.memory_space<vmem>>, %arg14: memref<1000x64xf32, #tpu.memory_space<vmem>>, %arg15: memref<1000x64xf32, #tpu.memory_space<vmem>>, %arg16: memref<1x64xf32, #tpu.memory_space<vmem>>, %arg17: memref<1x64xf32, #tpu.memory_space<vmem>>, %arg18: memref<1x64xf32, #tpu.memory_space<vmem>>, %arg19: memref<1x64xf32, #tpu.memory_space<vmem>>) attributes {dimension_semantics = [#tpu.dimension_semantics<arbitrary>], iteration_bounds = array<i64: 10>, scalar_prefetch = 0 : i64, scratch_operands = 0 : i64, tpu.core_type = #tpu.core_type<tc>, window_params = [{transform_indices = @transform_0, window_bounds = array<i64: 1000, 64>}, {transform_indices = @transform_1, window_bounds = array<i64: 1000, 64>}, {transform_indices = @transform_2, window_bounds = array<i64: 1000, 64>}, {transform_indices = @transform_3, window_bounds = array<i64: 1000, 64>}, {transform_indices = @transform_4, window_bounds = array<i64: 1000, 1>}, {transform_indices = @transform_5, window_bounds = array<i64: 1000, 1>}, {transform_indices = @transform_6, window_bounds = array<i64: 1000, 64>}, {transform_indices = @transform_7, window_bounds = array<i64: 1000, 64>}, {pipeline_mode = #tpu.pipeline_mode<synchronous>, transform_indices = @transform_8, window_bounds = array<i64: 1, 1>}, {pipeline_mode = #tpu.pipeline_mode<synchronous>, transform_indices = @transform_9, window_bounds = array<i64: 64, 64>}, {pipeline_mode = #tpu.pipeline_mode<synchronous>, transform_indices = @transform_10, window_bounds = array<i64: 64, 64>}, {pipeline_mode = #tpu.pipeline_mode<synchronous>, transform_indices = @transform_11, window_bounds = array<i64: 1, 64>}, {pipeline_mode = #tpu.pipeline_mode<synchronous>, transform_indices = @transform_12, window_bounds = array<i64: 1, 64>}, {transform_indices = @transform_13, window_bounds = array<i64: 1000, 64>}, {transform_indices = @transform_14, window_bounds = array<i64: 1000, 64>}, {pipeline_mode = #tpu.pipeline_mode<synchronous>, transform_indices = @transform_15, window_bounds = array<i64: 1, 64>}, {pipeline_mode = #tpu.pipeline_mode<synchronous>, transform_indices = @transform_16, window_bounds = array<i64: 1, 64>}, {pipeline_mode = #tpu.pipeline_mode<synchronous>, transform_indices = @transform_17, window_bounds = array<i64: 1, 64>}, {pipeline_mode = #tpu.pipeline_mode<synchronous>, transform_indices = @transform_18, window_bounds = array<i64: 1, 64>}]} {
    %get3A = arith.constant 0 : index
    %get3A_0 = arith.constant 0 : index
    %get3A_1 = vector.load %arg9[%get3A, %get3A_0] : memref<1x1xf32, #tpu.memory_space<vmem>>, vector<1x1xf32>
    %get3A_2 = vector.extract %get3A_1[0, 0] : f32 from vector<1x1xf32>
    %get3A_3 = arith.constant 0 : index
    %get3A_4 = arith.constant 0 : index
    %get3A_5 = vector.load %arg8[%get3A_3, %get3A_4] : memref<1000x64xf32, #tpu.memory_space<vmem>>, vector<1000x64xf32>
    %mul3A = vector.broadcast %get3A_2 : f32 to vector<1000x64xf32>
    %mul3A_6 = arith.mulf %mul3A, %get3A_5 : vector<1000x64xf32>
    %sub3A = arith.constant 1.000000e+00 : f32
    %sub3A_7 = arith.subf %sub3A, %get3A_2 : f32
    %get3A_8 = arith.constant 0 : index
    %get3A_9 = arith.constant 0 : index
    %get3A_10 = vector.load %arg2[%get3A_8, %get3A_9] : memref<1000x64xf32, #tpu.memory_space<vmem>>, vector<1000x64xf32>
    %get3A_11 = arith.constant 0 : index
    %get3A_12 = arith.constant 0 : index
    %get3A_13 = vector.load %arg10[%get3A_11, %get3A_12] : memref<64x64xf32, #tpu.memory_space<vmem>>, vector<64x64xf32>
    %dot_general3A = arith.constant dense<0.000000e+00> : vector<1000x64xf32>
    %dot_general3A_14 = tpu.matmul %get3A_10, %get3A_13, %dot_general3A {dimension_numbers = #tpu.dot_dimension_numbers<[1], [0], [0], [1], [0, 0, 1, 1], [], []>, transpose_lhs_hint = false} : vector<1000x64xf32>, vector<64x64xf32>, vector<1000x64xf32> -> vector<1000x64xf32>
    %get3A_15 = arith.constant 0 : index
    %get3A_16 = arith.constant 0 : index
    %get3A_17 = vector.load %arg12[%get3A_15, %get3A_16] : memref<1x64xf32, #tpu.memory_space<vmem>>, vector<1x64xf32>
    %add3A = vector.broadcast %get3A_17 : vector<1x64xf32> to vector<1000x64xf32>
    %add3A_18 = arith.addf %dot_general3A_14, %add3A : vector<1000x64xf32>
    %mul3A_19 = vector.broadcast %sub3A_7 : f32 to vector<1000x64xf32>
    %mul3A_20 = arith.mulf %mul3A_19, %add3A_18 : vector<1000x64xf32>
    %add3A_21 = arith.addf %mul3A_6, %mul3A_20 : vector<1000x64xf32>
    %get3A_22 = arith.constant 0 : index
    %get3A_23 = arith.constant 0 : index
    %get3A_24 = vector.load %arg3[%get3A_22, %get3A_23] : memref<1000x64xf32, #tpu.memory_space<vmem>>, vector<1000x64xf32>
    %get3A_25 = arith.constant 0 : index
    %get3A_26 = arith.constant 0 : index
    %get3A_27 = vector.load %arg5[%get3A_25, %get3A_26] : memref<1000x1xf32, #tpu.memory_space<vmem>>, vector<1000x1xf32>
    %max3A = arith.constant 1.000000e+00 : f32
    %max3A_28 = vector.broadcast %max3A : f32 to vector<1000x1xf32>
    %max3A_29 = arith.maximumf %get3A_27, %max3A_28 : vector<1000x1xf32>
    %div3A = vector.broadcast %max3A_29 : vector<1000x1xf32> to vector<1000x64xf32>
    %div3A_30 = arith.divf %get3A_24, %div3A : vector<1000x64xf32>
    %add3A_31 = arith.addf %div3A_30, %add3A_21 : vector<1000x64xf32>
    %swap3A = arith.constant 0 : index
    %swap3A_32 = arith.constant 0 : index
    %swap3A_33 = vector.load %arg15[%swap3A, %swap3A_32] : memref<1000x64xf32, #tpu.memory_space<vmem>>, vector<1000x64xf32>
    tpu.vector_store %arg15[%swap3A, %swap3A_32], %add3A_31 {strides = array<i32>} : memref<1000x64xf32, #tpu.memory_space<vmem>>, vector<1000x64xf32>,
    %reduce_sum3A = arith.constant dense<0.000000e+00> : vector<64xf32>
    %reduce_sum3A_34 = vector.multi_reduction <add>, %add3A_31, %reduce_sum3A [0] : vector<1000x64xf32> to vector<64xf32>
    %broadcast_in_dim3A = vector.shape_cast %reduce_sum3A_34 : vector<64xf32> to vector<1x64xf32>
    %mul3A_35 = arith.mulf %add3A_31, %add3A_31 : vector<1000x64xf32>
    %reduce_sum3A_36 = arith.constant dense<0.000000e+00> : vector<64xf32>
    %reduce_sum3A_37 = vector.multi_reduction <add>, %mul3A_35, %reduce_sum3A_36 [0] : vector<1000x64xf32> to vector<64xf32>
    %broadcast_in_dim3A_38 = vector.shape_cast %reduce_sum3A_37 : vector<64xf32> to vector<1x64xf32>
    %eq3A = arith.constant 0 : i32
    %eq3A_39 = arith.cmpi eq, %arg0, %eq3A : i32
    %convert_element_type3A = arith.extui %eq3A_39 : i1 to i32
    %cond3A = arith.constant 0 : i32
    %cond3A_40 = arith.cmpi ne, %convert_element_type3A, %cond3A : i32
    scf.if %cond3A_40 {
      %swap3A_100 = arith.constant 0 : index
      %swap3A_101 = arith.constant 0 : index
      %swap3A_102 = vector.load %arg18[%swap3A_100, %swap3A_101] : memref<1x64xf32, #tpu.memory_space<vmem>>, vector<1x64xf32>
      tpu.vector_store %arg18[%swap3A_100, %swap3A_101], %broadcast_in_dim3A {strides = array<i32>} : memref<1x64xf32, #tpu.memory_space<vmem>>, vector<1x64xf32>,
      %swap3A_103 = arith.constant 0 : index
      %swap3A_104 = arith.constant 0 : index
      %swap3A_105 = vector.load %arg19[%swap3A_103, %swap3A_104] : memref<1x64xf32, #tpu.memory_space<vmem>>, vector<1x64xf32>
      tpu.vector_store %arg19[%swap3A_103, %swap3A_104], %broadcast_in_dim3A_38 {strides = array<i32>} : memref<1x64xf32, #tpu.memory_space<vmem>>, vector<1x64xf32>,
    } else {
    }
    %gt3A = arith.constant 0 : i32
    %gt3A_41 = arith.cmpi sgt, %arg0, %gt3A : i32
    %convert_element_type3A_42 = arith.extui %gt3A_41 : i1 to i32
    %cond3A_43 = arith.constant 0 : i32
    %cond3A_44 = arith.cmpi ne, %convert_element_type3A_42, %cond3A_43 : i32
    scf.if %cond3A_44 {
      %get3A_100 = arith.constant 0 : index
      %get3A_101 = arith.constant 0 : index
      %get3A_102 = vector.load %arg18[%get3A_100, %get3A_101] : memref<1x64xf32, #tpu.memory_space<vmem>>, vector<1x64xf32>
      %add3A_103 = arith.addf %get3A_102, %broadcast_in_dim3A : vector<1x64xf32>
      %swap3A_104 = arith.constant 0 : index
      %swap3A_105 = arith.constant 0 : index
      %swap3A_106 = vector.load %arg18[%swap3A_104, %swap3A_105] : memref<1x64xf32, #tpu.memory_space<vmem>>, vector<1x64xf32>
      tpu.vector_store %arg18[%swap3A_104, %swap3A_105], %add3A_103 {strides = array<i32>} : memref<1x64xf32, #tpu.memory_space<vmem>>, vector<1x64xf32>,
      %get3A_107 = arith.constant 0 : index
      %get3A_108 = arith.constant 0 : index
      %get3A_109 = vector.load %arg19[%get3A_107, %get3A_108] : memref<1x64xf32, #tpu.memory_space<vmem>>, vector<1x64xf32>
      %add3A_110 = arith.addf %get3A_109, %broadcast_in_dim3A_38 : vector<1x64xf32>
      %swap3A_111 = arith.constant 0 : index
      %swap3A_112 = arith.constant 0 : index
      %swap3A_113 = vector.load %arg19[%swap3A_111, %swap3A_112] : memref<1x64xf32, #tpu.memory_space<vmem>>, vector<1x64xf32>
      tpu.vector_store %arg19[%swap3A_111, %swap3A_112], %add3A_110 {strides = array<i32>} : memref<1x64xf32, #tpu.memory_space<vmem>>, vector<1x64xf32>,
    } else {
    }
    %get3A_45 = arith.constant 0 : index
    %get3A_46 = arith.constant 0 : index
    %get3A_47 = vector.load %arg7[%get3A_45, %get3A_46] : memref<1000x64xf32, #tpu.memory_space<vmem>>, vector<1000x64xf32>
    %mul3A_48 = vector.broadcast %get3A_2 : f32 to vector<1000x64xf32>
    %mul3A_49 = arith.mulf %mul3A_48, %get3A_47 : vector<1000x64xf32>
    %sub3A_50 = arith.constant 1.000000e+00 : f32
    %sub3A_51 = arith.subf %sub3A_50, %get3A_2 : f32
    %get3A_52 = arith.constant 0 : index
    %get3A_53 = arith.constant 0 : index
    %get3A_54 = vector.load %arg1[%get3A_52, %get3A_53] : memref<1000x64xf32, #tpu.memory_space<vmem>>, vector<1000x64xf32>
    %get3A_55 = arith.constant 0 : index
    %get3A_56 = arith.constant 0 : index
    %get3A_57 = vector.load %arg11[%get3A_55, %get3A_56] : memref<64x64xf32, #tpu.memory_space<vmem>>, vector<64x64xf32>
    %dot_general3A_58 = arith.constant dense<0.000000e+00> : vector<1000x64xf32>
    %dot_general3A_59 = tpu.matmul %get3A_54, %get3A_57, %dot_general3A_58 {dimension_numbers = #tpu.dot_dimension_numbers<[1], [0], [0], [1], [0, 0, 1, 1], [], []>, transpose_lhs_hint = false} : vector<1000x64xf32>, vector<64x64xf32>, vector<1000x64xf32> -> vector<1000x64xf32>
    %get3A_60 = arith.constant 0 : index
    %get3A_61 = arith.constant 0 : index
    %get3A_62 = vector.load %arg13[%get3A_60, %get3A_61] : memref<1x64xf32, #tpu.memory_space<vmem>>, vector<1x64xf32>
    %add3A_63 = vector.broadcast %get3A_62 : vector<1x64xf32> to vector<1000x64xf32>
    %add3A_64 = arith.addf %dot_general3A_59, %add3A_63 : vector<1000x64xf32>
    %mul3A_65 = vector.broadcast %sub3A_51 : f32 to vector<1000x64xf32>
    %mul3A_66 = arith.mulf %mul3A_65, %add3A_64 : vector<1000x64xf32>
    %add3A_67 = arith.addf %mul3A_49, %mul3A_66 : vector<1000x64xf32>
    %get3A_68 = arith.constant 0 : index
    %get3A_69 = arith.constant 0 : index
    %get3A_70 = vector.load %arg4[%get3A_68, %get3A_69] : memref<1000x64xf32, #tpu.memory_space<vmem>>, vector<1000x64xf32>
    %get3A_71 = arith.constant 0 : index
    %get3A_72 = arith.constant 0 : index
    %get3A_73 = vector.load %arg6[%get3A_71, %get3A_72] : memref<1000x1xf32, #tpu.memory_space<vmem>>, vector<1000x1xf32>
    %max3A_74 = arith.constant 1.000000e+00 : f32
    %max3A_75 = vector.broadcast %max3A_74 : f32 to vector<1000x1xf32>
    %max3A_76 = arith.maximumf %get3A_73, %max3A_75 : vector<1000x1xf32>
    %div3A_77 = vector.broadcast %max3A_76 : vector<1000x1xf32> to vector<1000x64xf32>
    %div3A_78 = arith.divf %get3A_70, %div3A_77 : vector<1000x64xf32>
    %add3A_79 = arith.addf %div3A_78, %add3A_67 : vector<1000x64xf32>
    %swap3A_80 = arith.constant 0 : index
    %swap3A_81 = arith.constant 0 : index
    %swap3A_82 = vector.load %arg14[%swap3A_80, %swap3A_81] : memref<1000x64xf32, #tpu.memory_space<vmem>>, vector<1000x64xf32>
    tpu.vector_store %arg14[%swap3A_80, %swap3A_81], %add3A_79 {strides = array<i32>} : memref<1000x64xf32, #tpu.memory_space<vmem>>, vector<1000x64xf32>,
    %reduce_sum3A_83 = arith.constant dense<0.000000e+00> : vector<64xf32>
    %reduce_sum3A_84 = vector.multi_reduction <add>, %add3A_79, %reduce_sum3A_83 [0] : vector<1000x64xf32> to vector<64xf32>
    %broadcast_in_dim3A_85 = vector.shape_cast %reduce_sum3A_84 : vector<64xf32> to vector<1x64xf32>
    %mul3A_86 = arith.mulf %add3A_79, %add3A_79 : vector<1000x64xf32>
    %reduce_sum3A_87 = arith.constant dense<0.000000e+00> : vector<64xf32>
    %reduce_sum3A_88 = vector.multi_reduction <add>, %mul3A_86, %reduce_sum3A_87 [0] : vector<1000x64xf32> to vector<64xf32>
    %broadcast_in_dim3A_89 = vector.shape_cast %reduce_sum3A_88 : vector<64xf32> to vector<1x64xf32>
    %eq3A_90 = arith.constant 0 : i32
    %eq3A_91 = arith.cmpi eq, %arg0, %eq3A_90 : i32
    %convert_element_type3A_92 = arith.extui %eq3A_91 : i1 to i32
    %cond3A_93 = arith.constant 0 : i32
    %cond3A_94 = arith.cmpi ne, %convert_element_type3A_92, %cond3A_93 : i32
    scf.if %cond3A_94 {
      %swap3A_100 = arith.constant 0 : index
      %swap3A_101 = arith.constant 0 : index
      %swap3A_102 = vector.load %arg16[%swap3A_100, %swap3A_101] : memref<1x64xf32, #tpu.memory_space<vmem>>, vector<1x64xf32>
      tpu.vector_store %arg16[%swap3A_100, %swap3A_101], %broadcast_in_dim3A_85 {strides = array<i32>} : memref<1x64xf32, #tpu.memory_space<vmem>>, vector<1x64xf32>,
      %swap3A_103 = arith.constant 0 : index
      %swap3A_104 = arith.constant 0 : index
      %swap3A_105 = vector.load %arg17[%swap3A_103, %swap3A_104] : memref<1x64xf32, #tpu.memory_space<vmem>>, vector<1x64xf32>
      tpu.vector_store %arg17[%swap3A_103, %swap3A_104], %broadcast_in_dim3A_89 {strides = array<i32>} : memref<1x64xf32, #tpu.memory_space<vmem>>, vector<1x64xf32>,
    } else {
    }
    %gt3A_95 = arith.constant 0 : i32
    %gt3A_96 = arith.cmpi sgt, %arg0, %gt3A_95 : i32
    %convert_element_type3A_97 = arith.extui %gt3A_96 : i1 to i32
    %cond3A_98 = arith.constant 0 : i32
    %cond3A_99 = arith.cmpi ne, %convert_element_type3A_97, %cond3A_98 : i32
    scf.if %cond3A_99 {
      %get3A_100 = arith.constant 0 : index
      %get3A_101 = arith.constant 0 : index
      %get3A_102 = vector.load %arg16[%get3A_100, %get3A_101] : memref<1x64xf32, #tpu.memory_space<vmem>>, vector<1x64xf32>
      %add3A_103 = arith.addf %get3A_102, %broadcast_in_dim3A_85 : vector<1x64xf32>
      %swap3A_104 = arith.constant 0 : index
      %swap3A_105 = arith.constant 0 : index
      %swap3A_106 = vector.load %arg16[%swap3A_104, %swap3A_105] : memref<1x64xf32, #tpu.memory_space<vmem>>, vector<1x64xf32>
      tpu.vector_store %arg16[%swap3A_104, %swap3A_105], %add3A_103 {strides = array<i32>} : memref<1x64xf32, #tpu.memory_space<vmem>>, vector<1x64xf32>,
      %get3A_107 = arith.constant 0 : index
      %get3A_108 = arith.constant 0 : index
      %get3A_109 = vector.load %arg17[%get3A_107, %get3A_108] : memref<1x64xf32, #tpu.memory_space<vmem>>, vector<1x64xf32>
      %add3A_110 = arith.addf %get3A_109, %broadcast_in_dim3A_89 : vector<1x64xf32>
      %swap3A_111 = arith.constant 0 : index
      %swap3A_112 = arith.constant 0 : index
      %swap3A_113 = vector.load %arg17[%swap3A_111, %swap3A_112] : memref<1x64xf32, #tpu.memory_space<vmem>>, vector<1x64xf32>
      tpu.vector_store %arg17[%swap3A_111, %swap3A_112], %add3A_110 {strides = array<i32>} : memref<1x64xf32, #tpu.memory_space<vmem>>, vector<1x64xf32>,
    } else {
    }
    return
  }
  func.func @transform_0(%arg0: i32) -> (i32, i32) {
    %c0_i32 = arith.constant 0 : i32
    %c0_i32_0 = arith.constant 0 : i32
    return %arg0, %c0_i32 : i32, i32
  }
  func.func @transform_1(%arg0: i32) -> (i32, i32) {
    %c0_i32 = arith.constant 0 : i32
    %c0_i32_0 = arith.constant 0 : i32
    return %arg0, %c0_i32 : i32, i32
  }
  func.func @transform_2(%arg0: i32) -> (i32, i32) {
    %c0_i32 = arith.constant 0 : i32
    %c0_i32_0 = arith.constant 0 : i32
    return %arg0, %c0_i32 : i32, i32
  }
  func.func @transform_3(%arg0: i32) -> (i32, i32) {
    %c0_i32 = arith.constant 0 : i32
    %c0_i32_0 = arith.constant 0 : i32
    return %arg0, %c0_i32 : i32, i32
  }
  func.func @transform_4(%arg0: i32) -> (i32, i32) {
    %c0_i32 = arith.constant 0 : i32
    %c0_i32_0 = arith.constant 0 : i32
    return %arg0, %c0_i32 : i32, i32
  }
  func.func @transform_5(%arg0: i32) -> (i32, i32) {
    %c0_i32 = arith.constant 0 : i32
    %c0_i32_0 = arith.constant 0 : i32
    return %arg0, %c0_i32 : i32, i32
  }
  func.func @transform_6(%arg0: i32) -> (i32, i32) {
    %c0_i32 = arith.constant 0 : i32
    %c0_i32_0 = arith.constant 0 : i32
    return %arg0, %c0_i32 : i32, i32
  }
  func.func @transform_7(%arg0: i32) -> (i32, i32) {
    %c0_i32 = arith.constant 0 : i32
    %c0_i32_0 = arith.constant 0 : i32
    return %arg0, %c0_i32 : i32, i32
  }
  func.func @transform_8(%arg0: i32) -> (i32, i32) {
    %c0_i32 = arith.constant 0 : i32
    %c0_i32_0 = arith.constant 0 : i32
    %c0_i32_1 = arith.constant 0 : i32
    return %c0_i32, %c0_i32_0 : i32, i32
  }
  func.func @transform_9(%arg0: i32) -> (i32, i32) {
    %c0_i32 = arith.constant 0 : i32
    %c0_i32_0 = arith.constant 0 : i32
    %c0_i32_1 = arith.constant 0 : i32
    return %c0_i32, %c0_i32_0 : i32, i32
  }
  func.func @transform_10(%arg0: i32) -> (i32, i32) {
    %c0_i32 = arith.constant 0 : i32
    %c0_i32_0 = arith.constant 0 : i32
    %c0_i32_1 = arith.constant 0 : i32
    return %c0_i32, %c0_i32_0 : i32, i32
  }
  func.func @transform_11(%arg0: i32) -> (i32, i32) {
    %c0_i32 = arith.constant 0 : i32
    %c0_i32_0 = arith.constant 0 : i32
    %c0_i32_1 = arith.constant 0 : i32
    return %c0_i32, %c0_i32_0 : i32, i32
  }
  func.func @transform_12(%arg0: i32) -> (i32, i32) {
    %c0_i32 = arith.constant 0 : i32
    %c0_i32_0 = arith.constant 0 : i32
    %c0_i32_1 = arith.constant 0 : i32
    return %c0_i32, %c0_i32_0 : i32, i32
  }
  func.func @transform_13(%arg0: i32) -> (i32, i32) {
    %c0_i32 = arith.constant 0 : i32
    %c0_i32_0 = arith.constant 0 : i32
    return %arg0, %c0_i32 : i32, i32
  }
  func.func @transform_14(%arg0: i32) -> (i32, i32) {
    %c0_i32 = arith.constant 0 : i32
    %c0_i32_0 = arith.constant 0 : i32
    return %arg0, %c0_i32 : i32, i32
  }
  func.func @transform_15(%arg0: i32) -> (i32, i32) {
    %c0_i32 = arith.constant 0 : i32
    %c0_i32_0 = arith.constant 0 : i32
    %c0_i32_1 = arith.constant 0 : i32
    return %c0_i32, %c0_i32_0 : i32, i32
  }
  func.func @transform_16(%arg0: i32) -> (i32, i32) {
    %c0_i32 = arith.constant 0 : i32
    %c0_i32_0 = arith.constant 0 : i32
    %c0_i32_1 = arith.constant 0 : i32
    return %c0_i32, %c0_i32_0 : i32, i32
  }
  func.func @transform_17(%arg0: i32) -> (i32, i32) {
    %c0_i32 = arith.constant 0 : i32
    %c0_i32_0 = arith.constant 0 : i32
    %c0_i32_1 = arith.constant 0 : i32
    return %c0_i32, %c0_i32_0 : i32, i32
  }
  func.func @transform_18(%arg0: i32) -> (i32, i32) {
    %c0_i32 = arith.constant 0 : i32
    %c0_i32_0 = arith.constant 0 : i32
    %c0_i32_1 = arith.constant 0 : i32
    return %c0_i32, %c0_i32_0 : i32, i32
  }
}

module attributes {stable_mosaic.version = 14 : i64} {
  func.func @_tc_norm_body(%arg0: i32, %arg1: memref<1000x64xf32, #tpu.memory_space<vmem>>, %arg2: memref<1000x64xf32, #tpu.memory_space<vmem>>, %arg3: memref<1x64xf32, #tpu.memory_space<vmem>>, %arg4: memref<1x64xf32, #tpu.memory_space<vmem>>, %arg5: memref<1x64xf32, #tpu.memory_space<vmem>>, %arg6: memref<1x64xf32, #tpu.memory_space<vmem>>, %arg7: memref<1000x64xf32, #tpu.memory_space<vmem>>, %arg8: memref<1000x64xf32, #tpu.memory_space<vmem>>, %arg9: memref<1x1xf32, #tpu.memory_space<vmem>>, %arg10: memref<1x64xf32, #tpu.memory_space<vmem>>, %arg11: memref<1x64xf32, #tpu.memory_space<vmem>>, %arg12: memref<1x64xf32, #tpu.memory_space<vmem>>, %arg13: memref<1x64xf32, #tpu.memory_space<vmem>>, %arg14: memref<64x64xf32, #tpu.memory_space<vmem>>, %arg15: memref<64x64xf32, #tpu.memory_space<vmem>>, %arg16: memref<1000x64xf32, #tpu.memory_space<vmem>>, %arg17: memref<1000x64xf32, #tpu.memory_space<vmem>>, %arg18: memref<1000x64xf32, #tpu.memory_space<vmem>>, %arg19: memref<1000x64xf32, #tpu.memory_space<vmem>>) attributes {dimension_semantics = [#tpu.dimension_semantics<arbitrary>], iteration_bounds = array<i64: 10>, scalar_prefetch = 0 : i64, scratch_operands = 0 : i64, tpu.core_type = #tpu.core_type<tc>, window_params = [{transform_indices = @transform_0, window_bounds = array<i64: 1000, 64>}, {transform_indices = @transform_1, window_bounds = array<i64: 1000, 64>}, {pipeline_mode = #tpu.pipeline_mode<synchronous>, transform_indices = @transform_2, window_bounds = array<i64: 1, 64>}, {pipeline_mode = #tpu.pipeline_mode<synchronous>, transform_indices = @transform_3, window_bounds = array<i64: 1, 64>}, {pipeline_mode = #tpu.pipeline_mode<synchronous>, transform_indices = @transform_4, window_bounds = array<i64: 1, 64>}, {pipeline_mode = #tpu.pipeline_mode<synchronous>, transform_indices = @transform_5, window_bounds = array<i64: 1, 64>}, {transform_indices = @transform_6, window_bounds = array<i64: 1000, 64>}, {transform_indices = @transform_7, window_bounds = array<i64: 1000, 64>}, {pipeline_mode = #tpu.pipeline_mode<synchronous>, transform_indices = @transform_8, window_bounds = array<i64: 1, 1>}, {pipeline_mode = #tpu.pipeline_mode<synchronous>, transform_indices = @transform_9, window_bounds = array<i64: 1, 64>}, {pipeline_mode = #tpu.pipeline_mode<synchronous>, transform_indices = @transform_10, window_bounds = array<i64: 1, 64>}, {pipeline_mode = #tpu.pipeline_mode<synchronous>, transform_indices = @transform_11, window_bounds = array<i64: 1, 64>}, {pipeline_mode = #tpu.pipeline_mode<synchronous>, transform_indices = @transform_12, window_bounds = array<i64: 1, 64>}, {pipeline_mode = #tpu.pipeline_mode<synchronous>, transform_indices = @transform_13, window_bounds = array<i64: 64, 64>}, {pipeline_mode = #tpu.pipeline_mode<synchronous>, transform_indices = @transform_14, window_bounds = array<i64: 64, 64>}, {transform_indices = @transform_15, window_bounds = array<i64: 1000, 64>}, {transform_indices = @transform_16, window_bounds = array<i64: 1000, 64>}, {transform_indices = @transform_17, window_bounds = array<i64: 1000, 64>}, {transform_indices = @transform_18, window_bounds = array<i64: 1000, 64>}]} {
    %get3A = arith.constant 0 : index
    %get3A_0 = arith.constant 0 : index
    %get3A_1 = vector.load %arg3[%get3A, %get3A_0] : memref<1x64xf32, #tpu.memory_space<vmem>>, vector<1x64xf32>
    %mul3A = arith.constant 9.99999974E-5 : f32
    %mul3A_2 = vector.broadcast %mul3A : f32 to vector<1x64xf32>
    %mul3A_3 = arith.mulf %get3A_1, %mul3A_2 : vector<1x64xf32>
    %get3A_4 = arith.constant 0 : index
    %get3A_5 = arith.constant 0 : index
    %get3A_6 = vector.load %arg4[%get3A_4, %get3A_5] : memref<1x64xf32, #tpu.memory_space<vmem>>, vector<1x64xf32>
    %mul3A_7 = arith.constant 9.99999974E-5 : f32
    %mul3A_8 = vector.broadcast %mul3A_7 : f32 to vector<1x64xf32>
    %mul3A_9 = arith.mulf %get3A_6, %mul3A_8 : vector<1x64xf32>
    %mul3A_10 = arith.mulf %mul3A_3, %mul3A_3 : vector<1x64xf32>
    %sub3A = arith.subf %mul3A_9, %mul3A_10 : vector<1x64xf32>
    %get3A_11 = arith.constant 0 : index
    %get3A_12 = arith.constant 0 : index
    %get3A_13 = vector.load %arg1[%get3A_11, %get3A_12] : memref<1000x64xf32, #tpu.memory_space<vmem>>, vector<1000x64xf32>
    %sub3A_14 = vector.broadcast %mul3A_3 : vector<1x64xf32> to vector<1000x64xf32>
    %sub3A_15 = arith.subf %get3A_13, %sub3A_14 : vector<1000x64xf32>
    %add3A = arith.constant 9.99999974E-6 : f32
    %add3A_16 = vector.broadcast %add3A : f32 to vector<1x64xf32>
    %add3A_17 = arith.addf %sub3A, %add3A_16 : vector<1x64xf32>
    %rsqrt3A = math.rsqrt %add3A_17 : vector<1x64xf32>
    %mul3A_18 = vector.broadcast %rsqrt3A : vector<1x64xf32> to vector<1000x64xf32>
    %mul3A_19 = arith.mulf %sub3A_15, %mul3A_18 : vector<1000x64xf32>
    %get3A_20 = arith.constant 0 : index
    %get3A_21 = arith.constant 0 : index
    %get3A_22 = vector.load %arg10[%get3A_20, %get3A_21] : memref<1x64xf32, #tpu.memory_space<vmem>>, vector<1x64xf32>
    %mul3A_23 = vector.broadcast %get3A_22 : vector<1x64xf32> to vector<1000x64xf32>
    %mul3A_24 = arith.mulf %mul3A_19, %mul3A_23 : vector<1000x64xf32>
    %get3A_25 = arith.constant 0 : index
    %get3A_26 = arith.constant 0 : index
    %get3A_27 = vector.load %arg11[%get3A_25, %get3A_26] : memref<1x64xf32, #tpu.memory_space<vmem>>, vector<1x64xf32>
    %add3A_28 = vector.broadcast %get3A_27 : vector<1x64xf32> to vector<1000x64xf32>
    %add3A_29 = arith.addf %mul3A_24, %add3A_28 : vector<1000x64xf32>
    %ge3A = arith.constant 0.000000e+00 : f32
    %ge3A_30 = vector.broadcast %ge3A : f32 to vector<1000x64xf32>
    %ge3A_31 = arith.cmpf oge, %add3A_29, %ge3A_30 : vector<1000x64xf32>
    %mul3A_32 = arith.constant 0.00999999977 : f32
    %mul3A_33 = vector.broadcast %mul3A_32 : f32 to vector<1000x64xf32>
    %mul3A_34 = arith.mulf %mul3A_33, %add3A_29 : vector<1000x64xf32>
    %select_n3A = arith.select %ge3A_31, %add3A_29, %mul3A_34 : vector<1000x64xi1>, vector<1000x64xf32>
    %get3A_35 = arith.constant 0 : index
    %get3A_36 = arith.constant 0 : index
    %get3A_37 = vector.load %arg9[%get3A_35, %get3A_36] : memref<1x1xf32, #tpu.memory_space<vmem>>, vector<1x1xf32>
    %get3A_38 = vector.extract %get3A_37[0, 0] : f32 from vector<1x1xf32>
    %get3A_39 = arith.constant 0 : index
    %get3A_40 = arith.constant 0 : index
    %get3A_41 = vector.load %arg7[%get3A_39, %get3A_40] : memref<1000x64xf32, #tpu.memory_space<vmem>>, vector<1000x64xf32>
    %mul3A_42 = vector.broadcast %get3A_38 : f32 to vector<1000x64xf32>
    %mul3A_43 = arith.mulf %mul3A_42, %get3A_41 : vector<1000x64xf32>
    %add3A_44 = arith.addf %select_n3A, %mul3A_43 : vector<1000x64xf32>
    %get3A_45 = arith.constant 0 : index
    %get3A_46 = arith.constant 0 : index
    %get3A_47 = vector.load %arg5[%get3A_45, %get3A_46] : memref<1x64xf32, #tpu.memory_space<vmem>>, vector<1x64xf32>
    %mul3A_48 = arith.constant 9.99999974E-5 : f32
    %mul3A_49 = vector.broadcast %mul3A_48 : f32 to vector<1x64xf32>
    %mul3A_50 = arith.mulf %get3A_47, %mul3A_49 : vector<1x64xf32>
    %get3A_51 = arith.constant 0 : index
    %get3A_52 = arith.constant 0 : index
    %get3A_53 = vector.load %arg6[%get3A_51, %get3A_52] : memref<1x64xf32, #tpu.memory_space<vmem>>, vector<1x64xf32>
    %mul3A_54 = arith.constant 9.99999974E-5 : f32
    %mul3A_55 = vector.broadcast %mul3A_54 : f32 to vector<1x64xf32>
    %mul3A_56 = arith.mulf %get3A_53, %mul3A_55 : vector<1x64xf32>
    %mul3A_57 = arith.mulf %mul3A_50, %mul3A_50 : vector<1x64xf32>
    %sub3A_58 = arith.subf %mul3A_56, %mul3A_57 : vector<1x64xf32>
    %get3A_59 = arith.constant 0 : index
    %get3A_60 = arith.constant 0 : index
    %get3A_61 = vector.load %arg2[%get3A_59, %get3A_60] : memref<1000x64xf32, #tpu.memory_space<vmem>>, vector<1000x64xf32>
    %sub3A_62 = vector.broadcast %mul3A_50 : vector<1x64xf32> to vector<1000x64xf32>
    %sub3A_63 = arith.subf %get3A_61, %sub3A_62 : vector<1000x64xf32>
    %add3A_64 = arith.constant 9.99999974E-6 : f32
    %add3A_65 = vector.broadcast %add3A_64 : f32 to vector<1x64xf32>
    %add3A_66 = arith.addf %sub3A_58, %add3A_65 : vector<1x64xf32>
    %rsqrt3A_67 = math.rsqrt %add3A_66 : vector<1x64xf32>
    %mul3A_68 = vector.broadcast %rsqrt3A_67 : vector<1x64xf32> to vector<1000x64xf32>
    %mul3A_69 = arith.mulf %sub3A_63, %mul3A_68 : vector<1000x64xf32>
    %get3A_70 = arith.constant 0 : index
    %get3A_71 = arith.constant 0 : index
    %get3A_72 = vector.load %arg12[%get3A_70, %get3A_71] : memref<1x64xf32, #tpu.memory_space<vmem>>, vector<1x64xf32>
    %mul3A_73 = vector.broadcast %get3A_72 : vector<1x64xf32> to vector<1000x64xf32>
    %mul3A_74 = arith.mulf %mul3A_69, %mul3A_73 : vector<1000x64xf32>
    %get3A_75 = arith.constant 0 : index
    %get3A_76 = arith.constant 0 : index
    %get3A_77 = vector.load %arg13[%get3A_75, %get3A_76] : memref<1x64xf32, #tpu.memory_space<vmem>>, vector<1x64xf32>
    %add3A_78 = vector.broadcast %get3A_77 : vector<1x64xf32> to vector<1000x64xf32>
    %add3A_79 = arith.addf %mul3A_74, %add3A_78 : vector<1000x64xf32>
    %ge3A_80 = arith.constant 0.000000e+00 : f32
    %ge3A_81 = vector.broadcast %ge3A_80 : f32 to vector<1000x64xf32>
    %ge3A_82 = arith.cmpf oge, %add3A_79, %ge3A_81 : vector<1000x64xf32>
    %mul3A_83 = arith.constant 0.00999999977 : f32
    %mul3A_84 = vector.broadcast %mul3A_83 : f32 to vector<1000x64xf32>
    %mul3A_85 = arith.mulf %mul3A_84, %add3A_79 : vector<1000x64xf32>
    %select_n3A_86 = arith.select %ge3A_82, %add3A_79, %mul3A_85 : vector<1000x64xi1>, vector<1000x64xf32>
    %get3A_87 = arith.constant 0 : index
    %get3A_88 = arith.constant 0 : index
    %get3A_89 = vector.load %arg9[%get3A_87, %get3A_88] : memref<1x1xf32, #tpu.memory_space<vmem>>, vector<1x1xf32>
    %get3A_90 = vector.extract %get3A_89[0, 0] : f32 from vector<1x1xf32>
    %get3A_91 = arith.constant 0 : index
    %get3A_92 = arith.constant 0 : index
    %get3A_93 = vector.load %arg8[%get3A_91, %get3A_92] : memref<1000x64xf32, #tpu.memory_space<vmem>>, vector<1000x64xf32>
    %mul3A_94 = vector.broadcast %get3A_90 : f32 to vector<1000x64xf32>
    %mul3A_95 = arith.mulf %mul3A_94, %get3A_93 : vector<1000x64xf32>
    %add3A_96 = arith.addf %select_n3A_86, %mul3A_95 : vector<1000x64xf32>
    %swap3A = arith.constant 0 : index
    %swap3A_97 = arith.constant 0 : index
    %swap3A_98 = vector.load %arg16[%swap3A, %swap3A_97] : memref<1000x64xf32, #tpu.memory_space<vmem>>, vector<1000x64xf32>
    tpu.vector_store %arg16[%swap3A, %swap3A_97], %add3A_44 {strides = array<i32>} : memref<1000x64xf32, #tpu.memory_space<vmem>>, vector<1000x64xf32>,
    %swap3A_99 = arith.constant 0 : index
    %swap3A_100 = arith.constant 0 : index
    %swap3A_101 = vector.load %arg17[%swap3A_99, %swap3A_100] : memref<1000x64xf32, #tpu.memory_space<vmem>>, vector<1000x64xf32>
    tpu.vector_store %arg17[%swap3A_99, %swap3A_100], %add3A_96 {strides = array<i32>} : memref<1000x64xf32, #tpu.memory_space<vmem>>, vector<1000x64xf32>,
    %get3A_102 = arith.constant 0 : index
    %get3A_103 = arith.constant 0 : index
    %get3A_104 = vector.load %arg14[%get3A_102, %get3A_103] : memref<64x64xf32, #tpu.memory_space<vmem>>, vector<64x64xf32>
    %dot_general3A = arith.constant dense<0.000000e+00> : vector<1000x64xf32>
    %dot_general3A_105 = tpu.matmul %add3A_44, %get3A_104, %dot_general3A {dimension_numbers = #tpu.dot_dimension_numbers<[1], [0], [0], [1], [0, 0, 1, 1], [], []>, transpose_lhs_hint = false} : vector<1000x64xf32>, vector<64x64xf32>, vector<1000x64xf32> -> vector<1000x64xf32>
    %swap3A_106 = arith.constant 0 : index
    %swap3A_107 = arith.constant 0 : index
    %swap3A_108 = vector.load %arg18[%swap3A_106, %swap3A_107] : memref<1000x64xf32, #tpu.memory_space<vmem>>, vector<1000x64xf32>
    tpu.vector_store %arg18[%swap3A_106, %swap3A_107], %dot_general3A_105 {strides = array<i32>} : memref<1000x64xf32, #tpu.memory_space<vmem>>, vector<1000x64xf32>,
    %get3A_109 = arith.constant 0 : index
    %get3A_110 = arith.constant 0 : index
    %get3A_111 = vector.load %arg15[%get3A_109, %get3A_110] : memref<64x64xf32, #tpu.memory_space<vmem>>, vector<64x64xf32>
    %dot_general3A_112 = arith.constant dense<0.000000e+00> : vector<1000x64xf32>
    %dot_general3A_113 = tpu.matmul %add3A_96, %get3A_111, %dot_general3A_112 {dimension_numbers = #tpu.dot_dimension_numbers<[1], [0], [0], [1], [0, 0, 1, 1], [], []>, transpose_lhs_hint = false} : vector<1000x64xf32>, vector<64x64xf32>, vector<1000x64xf32> -> vector<1000x64xf32>
    %swap3A_114 = arith.constant 0 : index
    %swap3A_115 = arith.constant 0 : index
    %swap3A_116 = vector.load %arg19[%swap3A_114, %swap3A_115] : memref<1000x64xf32, #tpu.memory_space<vmem>>, vector<1000x64xf32>
    tpu.vector_store %arg19[%swap3A_114, %swap3A_115], %dot_general3A_113 {strides = array<i32>} : memref<1000x64xf32, #tpu.memory_space<vmem>>, vector<1000x64xf32>,
    return
  }
  func.func @transform_0(%arg0: i32) -> (i32, i32) {
    %c0_i32 = arith.constant 0 : i32
    %c0_i32_0 = arith.constant 0 : i32
    return %arg0, %c0_i32 : i32, i32
  }
  func.func @transform_1(%arg0: i32) -> (i32, i32) {
    %c0_i32 = arith.constant 0 : i32
    %c0_i32_0 = arith.constant 0 : i32
    return %arg0, %c0_i32 : i32, i32
  }
  func.func @transform_2(%arg0: i32) -> (i32, i32) {
    %c0_i32 = arith.constant 0 : i32
    %c0_i32_0 = arith.constant 0 : i32
    %c0_i32_1 = arith.constant 0 : i32
    return %c0_i32, %c0_i32_0 : i32, i32
  }
  func.func @transform_3(%arg0: i32) -> (i32, i32) {
    %c0_i32 = arith.constant 0 : i32
    %c0_i32_0 = arith.constant 0 : i32
    %c0_i32_1 = arith.constant 0 : i32
    return %c0_i32, %c0_i32_0 : i32, i32
  }
  func.func @transform_4(%arg0: i32) -> (i32, i32) {
    %c0_i32 = arith.constant 0 : i32
    %c0_i32_0 = arith.constant 0 : i32
    %c0_i32_1 = arith.constant 0 : i32
    return %c0_i32, %c0_i32_0 : i32, i32
  }
  func.func @transform_5(%arg0: i32) -> (i32, i32) {
    %c0_i32 = arith.constant 0 : i32
    %c0_i32_0 = arith.constant 0 : i32
    %c0_i32_1 = arith.constant 0 : i32
    return %c0_i32, %c0_i32_0 : i32, i32
  }
  func.func @transform_6(%arg0: i32) -> (i32, i32) {
    %c0_i32 = arith.constant 0 : i32
    %c0_i32_0 = arith.constant 0 : i32
    return %arg0, %c0_i32 : i32, i32
  }
  func.func @transform_7(%arg0: i32) -> (i32, i32) {
    %c0_i32 = arith.constant 0 : i32
    %c0_i32_0 = arith.constant 0 : i32
    return %arg0, %c0_i32 : i32, i32
  }
  func.func @transform_8(%arg0: i32) -> (i32, i32) {
    %c0_i32 = arith.constant 0 : i32
    %c0_i32_0 = arith.constant 0 : i32
    %c0_i32_1 = arith.constant 0 : i32
    return %c0_i32, %c0_i32_0 : i32, i32
  }
  func.func @transform_9(%arg0: i32) -> (i32, i32) {
    %c0_i32 = arith.constant 0 : i32
    %c0_i32_0 = arith.constant 0 : i32
    %c0_i32_1 = arith.constant 0 : i32
    return %c0_i32, %c0_i32_0 : i32, i32
  }
  func.func @transform_10(%arg0: i32) -> (i32, i32) {
    %c0_i32 = arith.constant 0 : i32
    %c0_i32_0 = arith.constant 0 : i32
    %c0_i32_1 = arith.constant 0 : i32
    return %c0_i32, %c0_i32_0 : i32, i32
  }
  func.func @transform_11(%arg0: i32) -> (i32, i32) {
    %c0_i32 = arith.constant 0 : i32
    %c0_i32_0 = arith.constant 0 : i32
    %c0_i32_1 = arith.constant 0 : i32
    return %c0_i32, %c0_i32_0 : i32, i32
  }
  func.func @transform_12(%arg0: i32) -> (i32, i32) {
    %c0_i32 = arith.constant 0 : i32
    %c0_i32_0 = arith.constant 0 : i32
    %c0_i32_1 = arith.constant 0 : i32
    return %c0_i32, %c0_i32_0 : i32, i32
  }
  func.func @transform_13(%arg0: i32) -> (i32, i32) {
    %c0_i32 = arith.constant 0 : i32
    %c0_i32_0 = arith.constant 0 : i32
    %c0_i32_1 = arith.constant 0 : i32
    return %c0_i32, %c0_i32_0 : i32, i32
  }
  func.func @transform_14(%arg0: i32) -> (i32, i32) {
    %c0_i32 = arith.constant 0 : i32
    %c0_i32_0 = arith.constant 0 : i32
    %c0_i32_1 = arith.constant 0 : i32
    return %c0_i32, %c0_i32_0 : i32, i32
  }
  func.func @transform_15(%arg0: i32) -> (i32, i32) {
    %c0_i32 = arith.constant 0 : i32
    %c0_i32_0 = arith.constant 0 : i32
    return %arg0, %c0_i32 : i32, i32
  }
  func.func @transform_16(%arg0: i32) -> (i32, i32) {
    %c0_i32 = arith.constant 0 : i32
    %c0_i32_0 = arith.constant 0 : i32
    return %arg0, %c0_i32 : i32, i32
  }
  func.func @transform_17(%arg0: i32) -> (i32, i32) {
    %c0_i32 = arith.constant 0 : i32
    %c0_i32_0 = arith.constant 0 : i32
    return %arg0, %c0_i32 : i32, i32
  }
  func.func @transform_18(%arg0: i32) -> (i32, i32) {
    %c0_i32 = arith.constant 0 : i32
    %c0_i32_0 = arith.constant 0 : i32
    return %arg0, %c0_i32 : i32, i32
  }
}

module attributes {stable_mosaic.version = 14 : i64} {
  func.func @_tc_post_body(%arg0: memref<10000x64xf32, #tpu.memory_space<vmem>>, %arg1: memref<10000x64xf32, #tpu.memory_space<vmem>>, %arg2: memref<64x64xf32, #tpu.memory_space<vmem>>, %arg3: memref<1x64xf32, #tpu.memory_space<vmem>>, %arg4: memref<1x64xf32, #tpu.memory_space<vmem>>, %arg5: memref<1x64xf32, #tpu.memory_space<vmem>>, %arg6: memref<64x64xf32, #tpu.memory_space<vmem>>, %arg7: memref<1x64xf32, #tpu.memory_space<vmem>>, %arg8: memref<64x64xf32, #tpu.memory_space<vmem>>, %arg9: memref<1x64xf32, #tpu.memory_space<vmem>>, %arg10: memref<1x64xf32, #tpu.memory_space<vmem>>, %arg11: memref<1x64xf32, #tpu.memory_space<vmem>>, %arg12: memref<64x64xf32, #tpu.memory_space<vmem>>, %arg13: memref<1x64xf32, #tpu.memory_space<vmem>>, %arg14: memref<10000x64xf32, #tpu.memory_space<vmem>>, %arg15: memref<10000x64xf32, #tpu.memory_space<vmem>>) attributes {dimension_semantics = [], scalar_prefetch = 0 : i64, scratch_operands = 0 : i64, tpu.core_type = #tpu.core_type<tc>} {
    %get3A = arith.constant 0 : index
    %get3A_0 = arith.constant 0 : index
    %get3A_1 = vector.load %arg0[%get3A, %get3A_0] : memref<10000x64xf32, #tpu.memory_space<vmem>>, vector<10000x64xf32>
    %get3A_2 = arith.constant 0 : index
    %get3A_3 = arith.constant 0 : index
    %get3A_4 = vector.load %arg2[%get3A_2, %get3A_3] : memref<64x64xf32, #tpu.memory_space<vmem>>, vector<64x64xf32>
    %dot_general3A = arith.constant dense<0.000000e+00> : vector<10000x64xf32>
    %dot_general3A_5 = tpu.matmul %get3A_1, %get3A_4, %dot_general3A {dimension_numbers = #tpu.dot_dimension_numbers<[1], [0], [0], [1], [0, 0, 1, 1], [], []>, transpose_lhs_hint = false} : vector<10000x64xf32>, vector<64x64xf32>, vector<10000x64xf32> -> vector<10000x64xf32>
    %get3A_6 = arith.constant 0 : index
    %get3A_7 = arith.constant 0 : index
    %get3A_8 = vector.load %arg3[%get3A_6, %get3A_7] : memref<1x64xf32, #tpu.memory_space<vmem>>, vector<1x64xf32>
    %add3A = vector.broadcast %get3A_8 : vector<1x64xf32> to vector<10000x64xf32>
    %add3A_9 = arith.addf %dot_general3A_5, %add3A : vector<10000x64xf32>
    %get3A_10 = arith.constant 0 : index
    %get3A_11 = arith.constant 0 : index
    %get3A_12 = vector.load %arg4[%get3A_10, %get3A_11] : memref<1x64xf32, #tpu.memory_space<vmem>>, vector<1x64xf32>
    %get3A_13 = arith.constant 0 : index
    %get3A_14 = arith.constant 0 : index
    %get3A_15 = vector.load %arg5[%get3A_13, %get3A_14] : memref<1x64xf32, #tpu.memory_space<vmem>>, vector<1x64xf32>
    %reduce_sum3A = arith.constant dense<0.000000e+00> : vector<64xf32>
    %reduce_sum3A_16 = vector.multi_reduction <add>, %add3A_9, %reduce_sum3A [0] : vector<10000x64xf32> to vector<64xf32>
    %div3A = arith.constant 1.000000e+04 : f32
    %div3A_17 = vector.broadcast %div3A : f32 to vector<64xf32>
    %div3A_18 = arith.divf %reduce_sum3A_16, %div3A_17 : vector<64xf32>
    %jit3A = arith.constant 0 : i32
    %reduce_sum3A_19 = arith.constant dense<0.000000e+00> : vector<64xf32>
    %reduce_sum3A_20 = vector.multi_reduction <add>, %add3A_9, %reduce_sum3A_19 [0] : vector<10000x64xf32> to vector<64xf32>
    %broadcast_in_dim3A = vector.shape_cast %reduce_sum3A_20 : vector<64xf32> to vector<1x64xf32>
    %div3A_21 = arith.constant 1.000000e+04 : f32
    %div3A_22 = vector.broadcast %div3A_21 : f32 to vector<1x64xf32>
    %div3A_23 = arith.divf %broadcast_in_dim3A, %div3A_22 : vector<1x64xf32>
    %sub3A = vector.broadcast %div3A_23 : vector<1x64xf32> to vector<10000x64xf32>
    %sub3A_24 = arith.subf %add3A_9, %sub3A : vector<10000x64xf32>
    %square3A = arith.mulf %sub3A_24, %sub3A_24 : vector<10000x64xf32>
    %convert_element_type3A = arith.sitofp %jit3A : i32 to f32
    %sub3A_25 = arith.constant 1.000000e+04 : f32
    %sub3A_26 = arith.subf %sub3A_25, %convert_element_type3A : f32
    %reduce_sum3A_27 = arith.constant dense<0.000000e+00> : vector<64xf32>
    %reduce_sum3A_28 = vector.multi_reduction <add>, %square3A, %reduce_sum3A_27 [0] : vector<10000x64xf32> to vector<64xf32>
    %div3A_29 = vector.broadcast %sub3A_26 : f32 to vector<64xf32>
    %div3A_30 = arith.divf %reduce_sum3A_28, %div3A_29 : vector<64xf32>
    %gt3A = arith.constant 0.000000e+00 : f32
    %gt3A_31 = arith.cmpf ogt, %sub3A_26, %gt3A : f32
    %jit3A_32 = arith.constant 0x7FC00000 : f32
    %broadcast_in_dim3A_33 = vector.broadcast %jit3A_32 : f32 to vector<64xf32>
    %select_n3A = arith.select %gt3A_31, %div3A_30, %broadcast_in_dim3A_33 : vector<64xf32>
    %broadcast_in_dim3A_34 = vector.shape_cast %div3A_18 : vector<64xf32> to vector<1x64xf32>
    %sub3A_35 = vector.broadcast %broadcast_in_dim3A_34 : vector<1x64xf32> to vector<10000x64xf32>
    %sub3A_36 = arith.subf %add3A_9, %sub3A_35 : vector<10000x64xf32>
    %add3A_37 = arith.constant 9.99999974E-6 : f32
    %add3A_38 = vector.broadcast %add3A_37 : f32 to vector<64xf32>
    %add3A_39 = arith.addf %select_n3A, %add3A_38 : vector<64xf32>
    %sqrt3A = math.sqrt %add3A_39 : vector<64xf32>
    %broadcast_in_dim3A_40 = vector.shape_cast %sqrt3A : vector<64xf32> to vector<1x64xf32>
    %div3A_41 = vector.broadcast %broadcast_in_dim3A_40 : vector<1x64xf32> to vector<10000x64xf32>
    %div3A_42 = arith.divf %sub3A_36, %div3A_41 : vector<10000x64xf32>
    %mul3A = vector.broadcast %get3A_12 : vector<1x64xf32> to vector<10000x64xf32>
    %mul3A_43 = arith.mulf %div3A_42, %mul3A : vector<10000x64xf32>
    %add3A_44 = vector.broadcast %get3A_15 : vector<1x64xf32> to vector<10000x64xf32>
    %add3A_45 = arith.addf %mul3A_43, %add3A_44 : vector<10000x64xf32>
    %ge3A = arith.constant 0.000000e+00 : f32
    %ge3A_46 = vector.broadcast %ge3A : f32 to vector<10000x64xf32>
    %ge3A_47 = arith.cmpf oge, %add3A_45, %ge3A_46 : vector<10000x64xf32>
    %mul3A_48 = arith.constant 0.00999999977 : f32
    %mul3A_49 = vector.broadcast %mul3A_48 : f32 to vector<10000x64xf32>
    %mul3A_50 = arith.mulf %mul3A_49, %add3A_45 : vector<10000x64xf32>
    %select_n3A_51 = arith.select %ge3A_47, %add3A_45, %mul3A_50 : vector<10000x64xi1>, vector<10000x64xf32>
    %get3A_52 = arith.constant 0 : index
    %get3A_53 = arith.constant 0 : index
    %get3A_54 = vector.load %arg6[%get3A_52, %get3A_53] : memref<64x64xf32, #tpu.memory_space<vmem>>, vector<64x64xf32>
    %dot_general3A_55 = arith.constant dense<0.000000e+00> : vector<10000x64xf32>
    %dot_general3A_56 = tpu.matmul %select_n3A_51, %get3A_54, %dot_general3A_55 {dimension_numbers = #tpu.dot_dimension_numbers<[1], [0], [0], [1], [0, 0, 1, 1], [], []>, transpose_lhs_hint = false} : vector<10000x64xf32>, vector<64x64xf32>, vector<10000x64xf32> -> vector<10000x64xf32>
    %get3A_57 = arith.constant 0 : index
    %get3A_58 = arith.constant 0 : index
    %get3A_59 = vector.load %arg7[%get3A_57, %get3A_58] : memref<1x64xf32, #tpu.memory_space<vmem>>, vector<1x64xf32>
    %add3A_60 = vector.broadcast %get3A_59 : vector<1x64xf32> to vector<10000x64xf32>
    %add3A_61 = arith.addf %dot_general3A_56, %add3A_60 : vector<10000x64xf32>
    %swap3A = arith.constant 0 : index
    %swap3A_62 = arith.constant 0 : index
    %swap3A_63 = vector.load %arg14[%swap3A, %swap3A_62] : memref<10000x64xf32, #tpu.memory_space<vmem>>, vector<10000x64xf32>
    tpu.vector_store %arg14[%swap3A, %swap3A_62], %add3A_61 {strides = array<i32>} : memref<10000x64xf32, #tpu.memory_space<vmem>>, vector<10000x64xf32>,
    %get3A_64 = arith.constant 0 : index
    %get3A_65 = arith.constant 0 : index
    %get3A_66 = vector.load %arg1[%get3A_64, %get3A_65] : memref<10000x64xf32, #tpu.memory_space<vmem>>, vector<10000x64xf32>
    %get3A_67 = arith.constant 0 : index
    %get3A_68 = arith.constant 0 : index
    %get3A_69 = vector.load %arg8[%get3A_67, %get3A_68] : memref<64x64xf32, #tpu.memory_space<vmem>>, vector<64x64xf32>
    %dot_general3A_70 = arith.constant dense<0.000000e+00> : vector<10000x64xf32>
    %dot_general3A_71 = tpu.matmul %get3A_66, %get3A_69, %dot_general3A_70 {dimension_numbers = #tpu.dot_dimension_numbers<[1], [0], [0], [1], [0, 0, 1, 1], [], []>, transpose_lhs_hint = false} : vector<10000x64xf32>, vector<64x64xf32>, vector<10000x64xf32> -> vector<10000x64xf32>
    %get3A_72 = arith.constant 0 : index
    %get3A_73 = arith.constant 0 : index
    %get3A_74 = vector.load %arg9[%get3A_72, %get3A_73] : memref<1x64xf32, #tpu.memory_space<vmem>>, vector<1x64xf32>
    %add3A_75 = vector.broadcast %get3A_74 : vector<1x64xf32> to vector<10000x64xf32>
    %add3A_76 = arith.addf %dot_general3A_71, %add3A_75 : vector<10000x64xf32>
    %get3A_77 = arith.constant 0 : index
    %get3A_78 = arith.constant 0 : index
    %get3A_79 = vector.load %arg10[%get3A_77, %get3A_78] : memref<1x64xf32, #tpu.memory_space<vmem>>, vector<1x64xf32>
    %get3A_80 = arith.constant 0 : index
    %get3A_81 = arith.constant 0 : index
    %get3A_82 = vector.load %arg11[%get3A_80, %get3A_81] : memref<1x64xf32, #tpu.memory_space<vmem>>, vector<1x64xf32>
    %reduce_sum3A_83 = arith.constant dense<0.000000e+00> : vector<64xf32>
    %reduce_sum3A_84 = vector.multi_reduction <add>, %add3A_76, %reduce_sum3A_83 [0] : vector<10000x64xf32> to vector<64xf32>
    %div3A_85 = arith.constant 1.000000e+04 : f32
    %div3A_86 = vector.broadcast %div3A_85 : f32 to vector<64xf32>
    %div3A_87 = arith.divf %reduce_sum3A_84, %div3A_86 : vector<64xf32>
    %jit3A_88 = arith.constant 0 : i32
    %reduce_sum3A_89 = arith.constant dense<0.000000e+00> : vector<64xf32>
    %reduce_sum3A_90 = vector.multi_reduction <add>, %add3A_76, %reduce_sum3A_89 [0] : vector<10000x64xf32> to vector<64xf32>
    %broadcast_in_dim3A_91 = vector.shape_cast %reduce_sum3A_90 : vector<64xf32> to vector<1x64xf32>
    %div3A_92 = arith.constant 1.000000e+04 : f32
    %div3A_93 = vector.broadcast %div3A_92 : f32 to vector<1x64xf32>
    %div3A_94 = arith.divf %broadcast_in_dim3A_91, %div3A_93 : vector<1x64xf32>
    %sub3A_95 = vector.broadcast %div3A_94 : vector<1x64xf32> to vector<10000x64xf32>
    %sub3A_96 = arith.subf %add3A_76, %sub3A_95 : vector<10000x64xf32>
    %square3A_97 = arith.mulf %sub3A_96, %sub3A_96 : vector<10000x64xf32>
    %convert_element_type3A_98 = arith.sitofp %jit3A_88 : i32 to f32
    %sub3A_99 = arith.constant 1.000000e+04 : f32
    %sub3A_100 = arith.subf %sub3A_99, %convert_element_type3A_98 : f32
    %reduce_sum3A_101 = arith.constant dense<0.000000e+00> : vector<64xf32>
    %reduce_sum3A_102 = vector.multi_reduction <add>, %square3A_97, %reduce_sum3A_101 [0] : vector<10000x64xf32> to vector<64xf32>
    %div3A_103 = vector.broadcast %sub3A_100 : f32 to vector<64xf32>
    %div3A_104 = arith.divf %reduce_sum3A_102, %div3A_103 : vector<64xf32>
    %gt3A_105 = arith.constant 0.000000e+00 : f32
    %gt3A_106 = arith.cmpf ogt, %sub3A_100, %gt3A_105 : f32
    %jit3A_107 = arith.constant 0x7FC00000 : f32
    %broadcast_in_dim3A_108 = vector.broadcast %jit3A_107 : f32 to vector<64xf32>
    %select_n3A_109 = arith.select %gt3A_106, %div3A_104, %broadcast_in_dim3A_108 : vector<64xf32>
    %broadcast_in_dim3A_110 = vector.shape_cast %div3A_87 : vector<64xf32> to vector<1x64xf32>
    %sub3A_111 = vector.broadcast %broadcast_in_dim3A_110 : vector<1x64xf32> to vector<10000x64xf32>
    %sub3A_112 = arith.subf %add3A_76, %sub3A_111 : vector<10000x64xf32>
    %add3A_113 = arith.constant 9.99999974E-6 : f32
    %add3A_114 = vector.broadcast %add3A_113 : f32 to vector<64xf32>
    %add3A_115 = arith.addf %select_n3A_109, %add3A_114 : vector<64xf32>
    %sqrt3A_116 = math.sqrt %add3A_115 : vector<64xf32>
    %broadcast_in_dim3A_117 = vector.shape_cast %sqrt3A_116 : vector<64xf32> to vector<1x64xf32>
    %div3A_118 = vector.broadcast %broadcast_in_dim3A_117 : vector<1x64xf32> to vector<10000x64xf32>
    %div3A_119 = arith.divf %sub3A_112, %div3A_118 : vector<10000x64xf32>
    %mul3A_120 = vector.broadcast %get3A_79 : vector<1x64xf32> to vector<10000x64xf32>
    %mul3A_121 = arith.mulf %div3A_119, %mul3A_120 : vector<10000x64xf32>
    %add3A_122 = vector.broadcast %get3A_82 : vector<1x64xf32> to vector<10000x64xf32>
    %add3A_123 = arith.addf %mul3A_121, %add3A_122 : vector<10000x64xf32>
    %ge3A_124 = arith.constant 0.000000e+00 : f32
    %ge3A_125 = vector.broadcast %ge3A_124 : f32 to vector<10000x64xf32>
    %ge3A_126 = arith.cmpf oge, %add3A_123, %ge3A_125 : vector<10000x64xf32>
    %mul3A_127 = arith.constant 0.00999999977 : f32
    %mul3A_128 = vector.broadcast %mul3A_127 : f32 to vector<10000x64xf32>
    %mul3A_129 = arith.mulf %mul3A_128, %add3A_123 : vector<10000x64xf32>
    %select_n3A_130 = arith.select %ge3A_126, %add3A_123, %mul3A_129 : vector<10000x64xi1>, vector<10000x64xf32>
    %get3A_131 = arith.constant 0 : index
    %get3A_132 = arith.constant 0 : index
    %get3A_133 = vector.load %arg12[%get3A_131, %get3A_132] : memref<64x64xf32, #tpu.memory_space<vmem>>, vector<64x64xf32>
    %dot_general3A_134 = arith.constant dense<0.000000e+00> : vector<10000x64xf32>
    %dot_general3A_135 = tpu.matmul %select_n3A_130, %get3A_133, %dot_general3A_134 {dimension_numbers = #tpu.dot_dimension_numbers<[1], [0], [0], [1], [0, 0, 1, 1], [], []>, transpose_lhs_hint = false} : vector<10000x64xf32>, vector<64x64xf32>, vector<10000x64xf32> -> vector<10000x64xf32>
    %get3A_136 = arith.constant 0 : index
    %get3A_137 = arith.constant 0 : index
    %get3A_138 = vector.load %arg13[%get3A_136, %get3A_137] : memref<1x64xf32, #tpu.memory_space<vmem>>, vector<1x64xf32>
    %add3A_139 = vector.broadcast %get3A_138 : vector<1x64xf32> to vector<10000x64xf32>
    %add3A_140 = arith.addf %dot_general3A_135, %add3A_139 : vector<10000x64xf32>
    %swap3A_141 = arith.constant 0 : index
    %swap3A_142 = arith.constant 0 : index
    %swap3A_143 = vector.load %arg15[%swap3A_141, %swap3A_142] : memref<10000x64xf32, #tpu.memory_space<vmem>>, vector<10000x64xf32>
    tpu.vector_store %arg15[%swap3A_141, %swap3A_142], %add3A_140 {strides = array<i32>} : memref<10000x64xf32, #tpu.memory_space<vmem>>, vector<10000x64xf32>,
    return
  }
}

</mosaic_0001>

<sc_bundles>
// kernel: sc_edge_agg.10.cloned.1.call-start
scs
__scs_entry_jumppad:
0x0: {  	(pc) =	sbr.rel $0x88, $3  }
0x1: {  	(tag) =	ssettag $0x0;
	lr =	simm.s32 $0x1  }
0x2: {  	[smem:$0x3F73] =	sst lr;
	_ =	strace $0xD0000000  }
0x3: {  	_ = 	snop  }
0x4: {  	_ = 	snop  }
0x5: {  	_ = 	snop  }
0x6: {  	_ = 	snop  }
0x7: {  	_ = 	snop  }
__scs_overlays_trampoline_lowered:
0x8: {  	[smem:$0x3F82] =	sst s0  }
0x9: {  	[smem:$0x3F83] =	sst s1  }
0xa: {  	[smem:$0x3F84] =	sst s2  }
0xb: {  	[smem:$0x3F85] =	sst s3  }
0xc: {  	[smem:$0x3F86] =	sst s4  }
0xd: {  	[smem:$0x3F87] =	sst s5  }
0xe: {  	[smem:$0x3F88] =	sst s6  }
0xf: {  	[smem:$0x3F89] =	sst s7  }
0x10: {  	[smem:$0x3F8A] =	sst s8  }
0x11: {  	[smem:$0x3F8B] =	sst s9;
	s0 =	simm.s32 @!p0 $0x0  }
0x12: {  	s1 =	sld [smem:$0x3F71];
	s0 =	simm.s32 @p0 $0x1  }
0x13: {  	[smem:$0x3F8C] =	sst s0;
	s0 =	simm.s32 @!p1 $0x0  }
0x14: {  	s2 =	sld [smem:$0x3F70];
	s0 =	simm.s32 @p1 $0x1  }
0x15: {  	[smem:$0x3F8D] =	sst s0;
	s0 =	simm.s32 @!p2 $0x0  }
0x16: {  	s3 =	sld [smem:$0x3FDB];
	s0 =	simm.s32 @p2 $0x1  }
0x17: {  	s4 =	simm.s32 $0x1BF5;
	[smem:$0x3F8F] =	sst s0  }
0x18: {  	s0 =	sld [smem:$0x3F72];
	_ =	swait.ge [sflag:s4], $0x0  }
0x19: {  	s7 =	sld [smem:$0x3F73]  }
0x1a: {  	s8 =	sadd.s32 $0xFFFFE003, lr  }
0x1b: {  	s9 =	sadd.s32 $0xFFFFFEF7, lr;
	s5 =	simm.s32 $0xFFFFFFFF;
	p2 =	slt.u32 s8, $0xFFFFF086  }
0x1c: {  	p1 =	slt.u32 s9, $0xF7A;
	s5 =	simm.s32 @!p2 $0x0  }
0x1d: {  	s5 =	simm.s32 @p1 $0x1;
	p0 =	seq.s32 s7, s2  }
0x1e: {  	s7 =	smul.u32 @!p0 $0xF7A, s2;
	p2 =	seq.s32 @!p0 s5, $0x0  }
0x1f: {  	s9 =	smul.u32 $0xF7A, s1;
	s8 =	simm.s32 @!p0 $0x1BF5;
	p2 =	por !p2, p0  }
0x20: {  	[sflag:s8] =	ssyncset.s32 @!p0 $0xFFFFF086;
	s6 =	sadd.s32 @!p0 s3, s7;
	s7 =	simm.s32 @!p0 $0x108  }
0x21: {  	s3 =	sadd.s32 s3, s9;
	s6 =	sadd.s32 @!p0 $0x88, s6;
	s7 =	simm.s32 @p2 $0x1082  }
0x22: {  	[simem:s7], [sflag:s8] =	dma.local @!p0 [hbm:s6], $0xF7A  }
0x23: {  	s9 =	sor.u32 $0xD0000000, s2;
	s6 =	simm.s32 $0x108;
	_ =	swait.ge @!p0 [sflag:s8], $0x0  }
0x24: {  	s3 =	sadd.s32 $0x88, s3;
	s6 =	simm.s32 @!p1 $0x1082;
	[sflag:s4] =	ssyncset.s32 $0xFFFFF086  }
0x25: {  	[simem:s6], [sflag:s4] =	dma.local [hbm:s3], $0xF7A  }
0x26: {  	[smem:$0x3F73] =	sst s1;
	(tag) =	ssettag s2;
	_ =	strace s9  }
0x27: {  	s1 =	sld [smem:$0x3F83]  }
0x28: {  	s2 =	sld [smem:$0x3F84]  }
0x29: {  	s4 =	sld [smem:$0x3F86]  }
0x2a: {  	p0 =	seq.s32 s5, $0x0;
	s5 =	sld [smem:$0x3F87]  }
0x2b: {  	s6 =	sld [smem:$0x3F88]  }
0x2c: {  	s7 =	sld [smem:$0x3F89]  }
0x2d: {  	s3 =	simm.s32 $0x108;
	s8 =	sld [smem:$0x3F8A]  }
0x2e: {  	s3 =	simm.s32 @!p0 $0x1082;
	s9 =	sld [smem:$0x3F8B]  }
0x2f: {  	lr =	sadd.s32 s0, s3;
	s0 =	sld [smem:$0x3F82]  }
0x30: {  	s3 =	sld [smem:$0x3F85]  }
0x31: {  	[smem:$0x3F8E] =	sst s10  }
0x32: {  	s10 =	sld [smem:$0x3F8C];
	_ =	sdelay $0x3  }
0x33: {  	p0 =	seq.s32 s10, $0x1;
	s10 =	sld [smem:$0x3F8E];
	_ =	sdelay $0x3  }
0x34: {  	[smem:$0x3F8E] =	sst s10  }
0x35: {  	s10 =	sld [smem:$0x3F8D];
	_ =	sdelay $0x3  }
0x36: {  	p1 =	seq.s32 s10, $0x1;
	s10 =	sld [smem:$0x3F8E];
	_ =	sdelay $0x3  }
0x37: {  	[smem:$0x3F8E] =	sst s10  }
0x38: {  	s10 =	sld [smem:$0x3F8F]  }
0x39: {  	_ = 	snop;
	(pc) =	sbr.ind lr, $3  }
0x3a: {  	_ = 	snop  }
0x3b: {  	_ = 	snop  }
0x3c: {  	p2 =	seq.s32 s10, $0x1;
	s10 =	sld [smem:$0x3F8E]  }
0x3d: {  	_ =	shalt  }
0x3e: {  	_ =	shalt  }
0x3f: {  	_ =	shalt  }
0x40: {  	_ =	shalt  }
0x41: {  	_ =	shalt  }
0x42: {  	_ =	shalt  }
0x43: {  	_ =	shalt  }
0x44: {  	_ =	shalt  }
0x45: {  	_ =	shalt  }
0x46: {  	_ =	shalt  }
0x47: {  	_ =	shalt  }
0x48: {  	_ =	shalt  }
0x49: {  	_ =	shalt  }
0x4a: {  	_ =	shalt  }
0x4b: {  	_ =	shalt  }
0x4c: {  	_ =	shalt  }
0x4d: {  	_ =	shalt  }
0x4e: {  	_ =	shalt  }
0x4f: {  	_ =	shalt  }
0x50: {  	_ =	shalt  }
0x51: {  	_ =	shalt  }
0x52: {  	_ =	shalt  }
0x53: {  	_ =	shalt  }
0x54: {  	_ =	shalt  }
0x55: {  	_ =	shalt  }
0x56: {  	_ =	shalt  }
0x57: {  	_ =	shalt  }
0x58: {  	_ =	shalt  }
0x59: {  	_ =	shalt  }
0x5a: {  	_ =	shalt  }
0x5b: {  	_ =	shalt  }
0x5c: {  	_ =	shalt  }
0x5d: {  	_ =	shalt  }
0x5e: {  	_ =	shalt  }
0x5f: {  	_ =	shalt  }
0x60: {  	_ =	shalt  }
0x61: {  	_ =	shalt  }
0x62: {  	_ =	shalt  }
0x63: {  	_ =	shalt  }
0x64: {  	_ =	shalt  }
0x65: {  	_ =	shalt  }
0x66: {  	_ =	shalt  }
0x67: {  	_ =	shalt  }
0x68: {  	_ =	shalt  }
0x69: {  	_ =	shalt  }
0x6a: {  	_ =	shalt  }
0x6b: {  	_ =	shalt  }
0x6c: {  	_ =	shalt  }
0x6d: {  	_ =	shalt  }
0x6e: {  	_ =	shalt  }
0x6f: {  	_ =	shalt  }
0x70: {  	_ =	shalt  }
0x71: {  	_ =	shalt  }
0x72: {  	_ =	shalt  }
0x73: {  	_ =	shalt  }
0x74: {  	_ =	shalt  }
0x75: {  	_ =	shalt  }
0x76: {  	_ =	shalt  }
0x77: {  	_ =	shalt  }
0x78: {  	_ =	shalt  }
0x79: {  	_ =	shalt  }
0x7a: {  	_ =	shalt  }
0x7b: {  	_ =	shalt  }
0x7c: {  	_ =	shalt  }
0x7d: {  	_ =	shalt  }
0x7e: {  	_ =	shalt  }
0x7f: {  	_ =	shalt  }
0x80: {  	_ =	shalt  }
0x81: {  	_ =	shalt  }
0x82: {  	_ =	shalt  }
0x83: {  	_ =	shalt  }
0x84: {  	_ =	shalt  }
0x85: {  	_ =	shalt  }
0x86: {  	_ =	shalt  }
0x87: {  	_ =	shalt  }
.Lfunc_end0:
.L_simem_size_0:
called_computation.1_lowered:
.L_overlay_start_0:
0x88: {  	s2 =	sld [smem:$0x3FD9]  }
0x89: {  	s3 =	sld [smem:$0x3FFE];
	_ =	sdelay $0x1  }
0x8a: {  	s1 =	srdreg.scid  }
0x8b: {  	s0 =	sand.u32 $0x1, s1  }
0x8c: {  	s16 =	sshll.u32 s0, $0xA;
	s2 =	sadd.s32 s3, s2  }
0x8d: {  	s2 =	sadd.s32 s2, s16  }
0x8e: {  	[smem:$0x3F9A] =	sst s2  }
0x8f: {  	_ = 	snop  }
0x90: {  	(tm) =	ssettm $0x1  }
0x91: {  	s17 =	sld [smem:$0x3FFB];
	_ =	sdelay $0x3  }
0x92: {  	_ =	strace s17  }
0x93: {  	s2 =	sld [smem:$0x3FFC];
	_ =	sdelay $0x3  }
0x94: {  	_ =	strace s2  }
0x95: {  	s2 =	sld [smem:$0x3FFD];
	_ =	sdelay $0x3  }
0x96: {  	_ =	strace s2  }
0x97: {  	_ =	strace $0x8FFFFFFF  }
0x98: {  	s18 =	sld [smem:$0x3FDB];
	_ =	sdelay $0x1  }
0x99: {  	s19 =	simm.s32 $_scs_section_size  }
0x9a: {  	s4 =	simm.s32 $_size__tile_overlayer_lowered;
	s5 =	simm.s32 $_tile_overlayer_lowered  }
0x9b: {  	s22 =	simm.s32 $0x1BFF;
	s21 =	sshll.u32 s5, $0x1;
	s2 =	sadd.s32 s19, s18  }
0x9c: {  	s6 =	simm.s32 $0x0;
	s20 =	sshll.u32 s4, $0x1;
	s4 =	sadd.s32 s21, s2  }
0x9d: {  	[timem:s6], [sflag:s22] =	dma.local [hbm:s4], s20  }
0x9e: {  	_ =	swait.ge [sflag:s22], s20  }
0x9f: {  	s3 =	ssub.s32 $0x0, s20;
	[sflag:s22] =	ssyncset.done $0x0  }
0xa0: {  	[sflag:s22] =	ssyncadd.s32 s3;
	_ =	sdelay $0x1  }
0xa1: {  	s23 =	simm.s32 $0x1B8B  }
0xa2: {  	_ =	swait.ge [sflag:s23], $0x1  }
0xa3: {  	[sflag:s23] =	ssyncset.done $0x0  }
0xa4: {  	s25 =	simm.s32 $0x1B8E;
	s24 =	sld [smem:$0x3FFE];
	[sflag:s23] =	ssyncadd.s32 $0xFFFFFFFF  }
0xa5: {  	s26 =	simm.s32 $execute0_lowered;
	[smem:$0x3FD2] =	sst s25  }
0xa6: {  	s4 =	sshll.u32 s26, $0x1;
	_ =	strace $0x80000046;
	[dreg:$0x1] =	wrdreg $0xFFFFFFFF  }
0xa7: {  	s28 =	simm.s32 $_size_execute0_lowered;
	s2 =	sadd.s32 s2, s4;
	[dreg:$0x0] =	wrdreg $0x0  }
0xa8: {  	s4 =	sshll.u32 s28, $0x1;
	[dreg:$0x2] =	wrdreg s2  }
0xa9: {  	[dreg:$0x3] =	wrdreg s4  }
0xaa: {  	[dreg:$0x4] =	wrdreg $0xC0  }
0xab: {  	_ =	task [dreg:s6], $0x5FFFF  }
0xac: {  	[dreg:$0x1] =	wrdreg $0xFFFFFFFF  }
0xad: {  	[dreg:$0x0] =	wrdreg $0x60  }
0xae: {  	[dreg:$0x2] =	wrdreg s24  }
0xaf: {  	[dreg:$0x3] =	wrdreg $0xA0000  }
0xb0: {  	[dreg:$0x4] =	wrdreg $0x9  }
0xb1: {  	_ =	task.clear_ibuf [dreg:s6], $0x5FFFF;
	_ =	strace $0x90000046  }
0xb2: {  	s29 =	simm.s32 $0x9;
	_ =	strace $0x80000048  }
0xb3: {  	_ =	swait.ge [sflag:s29], $0x1  }
0xb4: {  	[sflag:s29] =	ssyncadd.s32 $0xFFFFFFFF  }
0xb5: {  	_ =	strace $0x90000048  }
0xb6: {  	_ =	sfence  }
0xb7: {  	s30 =	sld [smem:$0x0];
	_ =	sdelay $0x2  }
0xb8: {  	s31 =	sshll.u32 s1, $0xD;
	s1 =	sshrl.u32 s1, $0x2  }
0xb9: {  	s3 =	sand.u32 $0x4000, s31;
	s1 =	sadd.s32 s1, s30  }
0xba: {  	s0 =	sor.u32 s3, s0;
	s1 =	sshll.u32 s1, $0x11  }
0xbb: {  	s0 =	sor.u32 s1, s0  }
0xbc: {  	s0 =	sadd.s32 $0x8F2B, s0  }
0xbd: {  	[sflag:s0] =	ssyncadd.remote.s32 $0x1  }
0xbe: {  	_ =	sfence.sel $0xFFFF  }
0xbf: {  	[dreg:$0x0] =	wrdreg $0xFFFFFFFF;
	(pc) =	sbr.abs _section_cstart, $3  }
0xc0: {  	[dreg:$0x1] =	wrdreg $0xFFFFFFFF  }
0xc1: {  	_ =	task.clear_ibuf [dreg:s6], $0x2FFFF;
	_ =	strace $0x9FFFFFFF  }
0xc2: {  	(tm) =	ssettm $0x7FFFFFFF  }
0xc3: {  	_ =	shalt  }
tec
execute0_lowered:
.L_overlay_start_1:
0x0: {  	(tag) =	ssettag $0x1  }
0x1: {  	s6 =	rddreg [dreg:$0x0]  }
0x2: {  	s2 =	rddreg [dreg:$0x1]  }
0x3: {  	s0 =	rddreg [dreg:$0x2];
	s3 =	simm.s32 $0x0  }
0x4: {  	s1 =	stileid.u32;
	s4 =	srdreg.scid;
	s14 =	simm.s32 $0x1  }
0x5: {  	s15 =	simm.s32 $0x5000;
	s16 =	simm.s32 $0x80;
	s17 =	simm.s32 $0x0  }
0x6: {  	[smem:$0x7FF] =	sst s3;
	s5 =	smul.u32 $0xA00, s1;
	s13 =	sand.u32 $0x1, s4  }
0x7: {  	s4 =	sadd.s32 $0x27600, s6;
	s10 =	smul.u32 $0x9D00, s1;
	_ =	strace $0x80000047  }
.Ltmp0:
0x8: {  	s7 =	ssub.s32 $0x2, s13;
	p0 =	sne.s32 s13, $0x0;
	(pc) =	sbr.rel .LBB2_1-.Ltmp0, $4  }
0x9: {  	s13 =	simm.s32 $0x13D00;
	s11 =	sadd.s32 s5, s6;
	s8 =	sshrl.u32 s7, $0x1  }
0xa: {  	s5 =	sadd.s32 $0x4EA00, s6;
	s6 =	sadd.s32 $0x3B000, s6;
	s12 =	ssub.s32 s7, s8  }
0xb: {  	s7 =	sadd.s32 s10, s2;
	s8 =	sadd.s32 $0x1D600, s11;
	s9 =	sadd.s32 $0x13600, s11  }
0xc: {  	v0 =	vimm.f32 $0.0e+00;
	s10 =	sshrl.u32 s10, $0x3;
	s11 =	sadd.s32 $0x9600, s11;
	s12 =	smax.u32 s12, $0x1  }
.LBB2_9:
0xd: {  	s18 =	sshra.s32 s18, $0x2;
	[sflag:s14] =	ssyncadd.s32 $0xFFFFE000  }
0xe: {  	[tilespmem:s13], [sflag:$0x1] =	stream.indirect.gather [hbm4b:s4+s16], $0x40, s18, s16, $0xb8;
	[tilespmem:$0x1DA00] =	vst v63  }
0xf: {  	_ =	swait.ge [sflag:s14], $0x2000  }
0x10: {  	[sflag:s14] =	ssyncset.done $0x0  }
0x11: {  	s18 =	sadd.s32 $0x5000, s18;
	[sflag:s14] =	ssyncadd.s32 $0xFFFFE000  }
0x12: {  	[spmem:s2] =	stream.indirect.scatter.add.f32 [tilespmem:s13], [sflag:$0x1], $0x40, s18, s16, $0xb8;
	[tilespmem:$0x1DA00] =	vst v63  }
0x13: {  	_ =	swait.ge [sflag:s14], $0x2000  }
0x14: {  	[sflag:s14] =	ssyncset.done $0x0  }
0x15: {  	s18 =	smov.u32 s6;
	[sflag:s14] =	ssyncadd.s32 $0xFFFFE000  }
.LBB2_10:
0x16: {  	[bflag:$0x0] =	sbarrier.arrive $0xFFFF  }
0x17: {  	[tilespmem:s13], [sflag:$0x1] =	stream.linear.gather [spmem:s7], $0x9D00, $0x38;
	[tilespmem:$0x1DA00] =	vst v63  }
0x18: {  	s17 =	sadd.s32 $0x1, s17;
	_ =	swait.ge [sflag:s14], $0x9D00  }
0x19: {  	p1 =	sne.s32 s17, s12;
	[sflag:s14] =	ssyncset.done $0x0  }
.Ltmp1:
0x1a: {  	s18 =	sadd.s32 s18, s10;
	[sflag:s14] =	ssyncadd.s32 $0xFFFF6300;
	(pc) =	sbr.rel @!p1 .LBB2_11-.Ltmp1, $4  }
0x1b: {  	[hbm4b:s18+s3] =	stream.linear.scatter [tilespmem:s13], [sflag:$0x1], $0x9D00, $0x38;
	[tilespmem:$0x1DA00] =	vst v63  }
0x1c: {  	_ =	swait.ge [sflag:s14], $0x9D00  }
0x1d: {  	[sflag:s14] =	ssyncset.done $0x0  }
0x1e: {  	[sflag:s14] =	ssyncadd.s32 $0xFFFF6300  }
.LBB2_1:
0x1f: {  	s19 =	simm.s32 $0x100;
	s18 =	simm.s32 $0x0  }
.LBB2_2:
0x20: {  	p1 =	sne.s32 s19, $0x27300;
	[tilespmem:s18+$0x13D30] =	vst v0;
	s20 =	smov.u32 s19;
	s19 =	sadd.s32 $0x100, s19  }
.Ltmp2:
0x21: {  	[tilespmem:s18+$0x13D20] =	vst v0;
	(pc) =	sbr.rel @p1 .LBB2_2-.Ltmp2, $3  }
0x22: {  	[tilespmem:s18+$0x13D00] =	vst v0  }
0x23: {  	[tilespmem:s18+$0x13D10] =	vst v0;
	_ =	sdelay $0x1  }
0x24: {  	s18 =	sshra.s32 s20, $0x2  }
0x25: {  	[tilespmem:s18+$0x13D30] =	vst v0  }
0x26: {  	[tilespmem:s18+$0x13D20] =	vst v0  }
0x27: {  	[tilespmem:s18+$0x13D00] =	vst v0  }
0x28: {  	[tilespmem:s18+$0x13D10] =	vst v0  }
0x29: {  	[spmem:s7] =	stream.linear.scatter [tilespmem:s13], [sflag:$0x1], $0x9D00, $0x38;
	[tilespmem:$0x1DA00] =	vst v63  }
0x2a: {  	_ =	swait.ge [sflag:s14], $0x9D00  }
0x2b: {  	[sflag:s14] =	ssyncset.done $0x0  }
0x2c: {  	[sflag:s14] =	ssyncadd.s32 $0xFFFF6300  }
.Ltmp3:
0x2d: {  	[bflag:$0x0] =	sbarrier.arrive $0xFFFF;
	(pc) =	sbr.rel @p0 .LBB2_7-.Ltmp3, $4  }
0x2e: {  	[tilespmem:s3], [sflag:$0x1] =	stream.linear.gather [hbm4b:s8+s3], $0x5000, $0x38;
	[tilespmem:$0x1DA00] =	vst v63  }
0x2f: {  	_ =	swait.ge [sflag:s14], $0x5000  }
0x30: {  	[sflag:s14] =	ssyncset.done $0x0  }
0x31: {  	s18 =	simm.s32 $0x0;
	[sflag:s14] =	ssyncadd.s32 $0xFFFFB000  }
0x32: {  	[tilespmem:s15], [sflag:$0x1] =	stream.linear.gather [hbm4b:s11+s18], $0x5000, $0x38;
	[tilespmem:$0x1DA00] =	vst v63  }
0x33: {  	_ =	swait.ge [sflag:s14], $0x5000  }
0x34: {  	[sflag:s14] =	ssyncset.done $0x0  }
0x35: {  	s30 =	simm.s32 $0x0;
	[sflag:s14] =	ssyncadd.s32 $0xFFFFB000  }
0x36: {  	[tilespmem:s13], [sflag:$0x1] =	stream.indirect.gather [hbm4b:s4+s16], $0x40, s30, s16, $0xb8;
	[tilespmem:$0x1DA00] =	vst v63  }
0x37: {  	_ =	swait.ge [sflag:s14], $0x2000  }
0x38: {  	[sflag:s14] =	ssyncset.done $0x0  }
0x39: {  	s31 =	simm.s32 $0x5000;
	[sflag:s14] =	ssyncadd.s32 $0xFFFFE000  }
0x3a: {  	[spmem:s2] =	stream.indirect.scatter.add.f32 [tilespmem:s13], [sflag:$0x1], $0x40, s31, s16, $0xb8;
	[tilespmem:$0x1DA00] =	vst v63  }
0x3b: {  	_ =	swait.ge [sflag:s14], $0x2000  }
0x3c: {  	s18 =	simm.s32 $0x200;
	s19 =	simm.s32 $0x400;
	[sflag:s14] =	ssyncset.done $0x0  }
.LBB2_5:
0x3d: {  	s20 =	sshra.s32 s18, $0x2  }
0x3e: {  	[sflag:s14] =	ssyncadd.s32 $0xFFFFE000;
	s18 =	smov.u32 s19;
	s21 =	sadd.s32 $0x200, s19  }
0x3f: {  	[tilespmem:s13], [sflag:$0x1] =	stream.indirect.gather [hbm4b:s4+s16], $0x40, s20, s16, $0xb8;
	[tilespmem:$0x1DA00] =	vst v63  }
0x40: {  	p1 =	seq.s32 s19, $0x13E00;
	_ =	swait.ge [sflag:s14], $0x2000  }
.Ltmp4:
0x41: {  	[sflag:s14] =	ssyncset.done $0x0;
	(pc) =	sbr.rel @!p1 .LBB2_5-.Ltmp4, $4  }
0x42: {  	s19 =	sadd.s32 $0x5000, s20;
	[sflag:s14] =	ssyncadd.s32 $0xFFFFE000  }
0x43: {  	[spmem:s2] =	stream.indirect.scatter.add.f32 [tilespmem:s13], [sflag:$0x1], $0x40, s19, s16, $0xb8;
	[tilespmem:$0x1DA00] =	vst v63  }
0x44: {  	_ =	swait.ge [sflag:s14], $0x2000  }
0x45: {  	s19 =	smov.u32 s21;
	[sflag:s14] =	ssyncset.done $0x0  }
0x46: {  	s18 =	sshra.s32 s18, $0x2;
	[sflag:s14] =	ssyncadd.s32 $0xFFFFE000  }
0x47: {  	[tilespmem:s13], [sflag:$0x1] =	stream.indirect.gather [hbm4b:s4+s16], $0x40, s18, s16, $0xb8;
	[tilespmem:$0x1DA00] =	vst v63  }
0x48: {  	_ =	swait.ge [sflag:s14], $0x2000  }
0x49: {  	[sflag:s14] =	ssyncset.done $0x0  }
.Ltmp5:
0x4a: {  	s18 =	sadd.s32 $0x5000, s18;
	[sflag:s14] =	ssyncadd.s32 $0xFFFFE000;
	(pc) =	sbr.rel .LBB2_10-.Ltmp5, $4  }
0x4b: {  	[spmem:s2] =	stream.indirect.scatter.add.f32 [tilespmem:s13], [sflag:$0x1], $0x40, s18, s16, $0xb8;
	[tilespmem:$0x1DA00] =	vst v63  }
0x4c: {  	_ =	swait.ge [sflag:s14], $0x2000  }
0x4d: {  	[sflag:s14] =	ssyncset.done $0x0  }
0x4e: {  	s18 =	smov.u32 s5;
	[sflag:s14] =	ssyncadd.s32 $0xFFFFE000  }
.LBB2_7:
0x4f: {  	[tilespmem:s15], [sflag:$0x1] =	stream.linear.gather [hbm4b:s9+s18], $0x5000, $0x38;
	[tilespmem:$0x1DA00] =	vst v63  }
0x50: {  	_ =	swait.ge [sflag:s14], $0x5000  }
0x51: {  	[sflag:s14] =	ssyncset.done $0x0  }
0x52: {  	s30 =	simm.s32 $0x0;
	[sflag:s14] =	ssyncadd.s32 $0xFFFFB000  }
0x53: {  	[tilespmem:s13], [sflag:$0x1] =	stream.indirect.gather [hbm4b:s4+s16], $0x40, s30, s16, $0xb8;
	[tilespmem:$0x1DA00] =	vst v63  }
0x54: {  	_ =	swait.ge [sflag:s14], $0x2000  }
0x55: {  	[sflag:s14] =	ssyncset.done $0x0  }
0x56: {  	s31 =	simm.s32 $0x5000;
	[sflag:s14] =	ssyncadd.s32 $0xFFFFE000  }
0x57: {  	[spmem:s2] =	stream.indirect.scatter.add.f32 [tilespmem:s13], [sflag:$0x1], $0x40, s31, s16, $0xb8;
	[tilespmem:$0x1DA00] =	vst v63  }
0x58: {  	_ =	swait.ge [sflag:s14], $0x2000  }
0x59: {  	s18 =	simm.s32 $0x200;
	s19 =	simm.s32 $0x400;
	[sflag:s14] =	ssyncset.done $0x0  }
.LBB2_8:
0x5a: {  	s20 =	sshra.s32 s18, $0x2  }
0x5b: {  	[sflag:s14] =	ssyncadd.s32 $0xFFFFE000;
	s18 =	smov.u32 s19;
	s21 =	sadd.s32 $0x200, s19  }
0x5c: {  	[tilespmem:s13], [sflag:$0x1] =	stream.indirect.gather [hbm4b:s4+s16], $0x40, s20, s16, $0xb8;
	[tilespmem:$0x1DA00] =	vst v63  }
0x5d: {  	p1 =	sne.s32 s19, $0x13E00;
	_ =	swait.ge [sflag:s14], $0x2000  }
.Ltmp6:
0x5e: {  	[sflag:s14] =	ssyncset.done $0x0;
	(pc) =	sbr.rel @p1 .LBB2_8-.Ltmp6, $4  }
0x5f: {  	s19 =	sadd.s32 $0x5000, s20;
	[sflag:s14] =	ssyncadd.s32 $0xFFFFE000  }
0x60: {  	[spmem:s2] =	stream.indirect.scatter.add.f32 [tilespmem:s13], [sflag:$0x1], $0x40, s19, s16, $0xb8;
	[tilespmem:$0x1DA00] =	vst v63  }
0x61: {  	_ =	swait.ge [sflag:s14], $0x2000  }
0x62: {  	s19 =	smov.u32 s21;
	[sflag:s14] =	ssyncset.done $0x0  }
.Ltmp7:
0x63: {  	_ = 	snop;
	(pc) =	sbr.rel .LBB2_9-.Ltmp7, $1  }
0x64: {  	_ =	sdelay $0x3  }
.LBB2_11:
0x65: {  	_ =	sfence.sel $0x180000  }
0x66: {  	[bflag:$0x0] =	sbarrier.arrive $0xFFFF  }
0x67: {  	p0 =	sne.s32 s1, $0x0;
	_ =	strace $0x90000047  }
0x68: {  	s0 =	sadd.s32 @!p0 $0x100000, s0;
	[bflag:$0x2] =	sbarrier.arrive $0xFFFF  }
0x69: {  	[sflag:s0] =	ssyncadd.tile.s32 @!p0 $0x1;
	_ =	shalt  }
.Lfunc_end2:
_tile_overlayer_lowered:
.L_overlay_start_2:
0x6a: {  	(tag) =	ssettag $0x2  }
0x6b: {  	s0 =	rddreg [dreg:$0x0];
	s2 =	stileid.u32  }
0x6c: {  	s1 =	rddreg [dreg:$0x1];
	p0 =	sne.s32 s2, $0x0  }
0x6d: {  	s3 =	rddreg [dreg:$0x2];
	[bflag:$0x3] =	sbarrier.arrive $0xFFFF;
	s2 =	simm.s32 @!p0 $0x1C01  }
0x6e: {  	[timem:s3], [sflag:s2] =	dma.local @!p0 [hbm:s0], s1  }
0x6f: {  	s0 =	simm.s32 @!p0 $0x1  }
0x70: {  	_ =	swait.ge @!p0 [sflag:s0], s1  }
0x71: {  	s1 =	ssub.s32 @!p0 $0x0, s1;
	[sflag:s0] =	ssyncset.done @!p0 $0x0  }
0x72: {  	[sflag:s0] =	ssyncadd.s32 @!p0 s1  }
0x73: {  	[bflag:$0x3] =	sbarrier.arrive $0xFFFF  }
0x74: {  	_ =	shalt  }

// kernel: sc_edge_agg.13.cloned.1.call-start
scs
__scs_entry_jumppad:
0x0: {  	(pc) =	sbr.rel $0x88, $3  }
0x1: {  	(tag) =	ssettag $0x0;
	lr =	simm.s32 $0x1  }
0x2: {  	[smem:$0x3F73] =	sst lr;
	_ =	strace $0xD0000000  }
0x3: {  	_ = 	snop  }
0x4: {  	_ = 	snop  }
0x5: {  	_ = 	snop  }
0x6: {  	_ = 	snop  }
0x7: {  	_ = 	snop  }
__scs_overlays_trampoline_lowered:
0x8: {  	[smem:$0x3F82] =	sst s0  }
0x9: {  	[smem:$0x3F83] =	sst s1  }
0xa: {  	[smem:$0x3F84] =	sst s2  }
0xb: {  	[smem:$0x3F85] =	sst s3  }
0xc: {  	[smem:$0x3F86] =	sst s4  }
0xd: {  	[smem:$0x3F87] =	sst s5  }
0xe: {  	[smem:$0x3F88] =	sst s6  }
0xf: {  	[smem:$0x3F89] =	sst s7  }
0x10: {  	[smem:$0x3F8A] =	sst s8  }
0x11: {  	[smem:$0x3F8B] =	sst s9;
	s0 =	simm.s32 @!p0 $0x0  }
0x12: {  	s1 =	sld [smem:$0x3F71];
	s0 =	simm.s32 @p0 $0x1  }
0x13: {  	[smem:$0x3F8C] =	sst s0;
	s0 =	simm.s32 @!p1 $0x0  }
0x14: {  	s2 =	sld [smem:$0x3F70];
	s0 =	simm.s32 @p1 $0x1  }
0x15: {  	[smem:$0x3F8D] =	sst s0;
	s0 =	simm.s32 @!p2 $0x0  }
0x16: {  	s3 =	sld [smem:$0x3FDB];
	s0 =	simm.s32 @p2 $0x1  }
0x17: {  	s4 =	simm.s32 $0x1BF5;
	[smem:$0x3F8F] =	sst s0  }
0x18: {  	s0 =	sld [smem:$0x3F72];
	_ =	swait.ge [sflag:s4], $0x0  }
0x19: {  	s7 =	sld [smem:$0x3F73]  }
0x1a: {  	s8 =	sadd.s32 $0xFFFFE003, lr  }
0x1b: {  	s9 =	sadd.s32 $0xFFFFFEF7, lr;
	s5 =	simm.s32 $0xFFFFFFFF;
	p2 =	slt.u32 s8, $0xFFFFF086  }
0x1c: {  	p1 =	slt.u32 s9, $0xF7A;
	s5 =	simm.s32 @!p2 $0x0  }
0x1d: {  	s5 =	simm.s32 @p1 $0x1;
	p0 =	seq.s32 s7, s2  }
0x1e: {  	s7 =	smul.u32 @!p0 $0xF7A, s2;
	p2 =	seq.s32 @!p0 s5, $0x0  }
0x1f: {  	s9 =	smul.u32 $0xF7A, s1;
	s8 =	simm.s32 @!p0 $0x1BF5;
	p2 =	por !p2, p0  }
0x20: {  	[sflag:s8] =	ssyncset.s32 @!p0 $0xFFFFF086;
	s6 =	sadd.s32 @!p0 s3, s7;
	s7 =	simm.s32 @!p0 $0x108  }
0x21: {  	s3 =	sadd.s32 s3, s9;
	s6 =	sadd.s32 @!p0 $0x88, s6;
	s7 =	simm.s32 @p2 $0x1082  }
0x22: {  	[simem:s7], [sflag:s8] =	dma.local @!p0 [hbm:s6], $0xF7A  }
0x23: {  	s9 =	sor.u32 $0xD0000000, s2;
	s6 =	simm.s32 $0x108;
	_ =	swait.ge @!p0 [sflag:s8], $0x0  }
0x24: {  	s3 =	sadd.s32 $0x88, s3;
	s6 =	simm.s32 @!p1 $0x1082;
	[sflag:s4] =	ssyncset.s32 $0xFFFFF086  }
0x25: {  	[simem:s6], [sflag:s4] =	dma.local [hbm:s3], $0xF7A  }
0x26: {  	[smem:$0x3F73] =	sst s1;
	(tag) =	ssettag s2;
	_ =	strace s9  }
0x27: {  	s1 =	sld [smem:$0x3F83]  }
0x28: {  	s2 =	sld [smem:$0x3F84]  }
0x29: {  	s4 =	sld [smem:$0x3F86]  }
0x2a: {  	p0 =	seq.s32 s5, $0x0;
	s5 =	sld [smem:$0x3F87]  }
0x2b: {  	s6 =	sld [smem:$0x3F88]  }
0x2c: {  	s7 =	sld [smem:$0x3F89]  }
0x2d: {  	s3 =	simm.s32 $0x108;
	s8 =	sld [smem:$0x3F8A]  }
0x2e: {  	s3 =	simm.s32 @!p0 $0x1082;
	s9 =	sld [smem:$0x3F8B]  }
0x2f: {  	lr =	sadd.s32 s0, s3;
	s0 =	sld [smem:$0x3F82]  }
0x30: {  	s3 =	sld [smem:$0x3F85]  }
0x31: {  	[smem:$0x3F8E] =	sst s10  }
0x32: {  	s10 =	sld [smem:$0x3F8C];
	_ =	sdelay $0x3  }
0x33: {  	p0 =	seq.s32 s10, $0x1;
	s10 =	sld [smem:$0x3F8E];
	_ =	sdelay $0x3  }
0x34: {  	[smem:$0x3F8E] =	sst s10  }
0x35: {  	s10 =	sld [smem:$0x3F8D];
	_ =	sdelay $0x3  }
0x36: {  	p1 =	seq.s32 s10, $0x1;
	s10 =	sld [smem:$0x3F8E];
	_ =	sdelay $0x3  }
0x37: {  	[smem:$0x3F8E] =	sst s10  }
0x38: {  	s10 =	sld [smem:$0x3F8F]  }
0x39: {  	_ = 	snop;
	(pc) =	sbr.ind lr, $3  }
0x3a: {  	_ = 	snop  }
0x3b: {  	_ = 	snop  }
0x3c: {  	p2 =	seq.s32 s10, $0x1;
	s10 =	sld [smem:$0x3F8E]  }
0x3d: {  	_ =	shalt  }
0x3e: {  	_ =	shalt  }
0x3f: {  	_ =	shalt  }
0x40: {  	_ =	shalt  }
0x41: {  	_ =	shalt  }
0x42: {  	_ =	shalt  }
0x43: {  	_ =	shalt  }
0x44: {  	_ =	shalt  }
0x45: {  	_ =	shalt  }
0x46: {  	_ =	shalt  }
0x47: {  	_ =	shalt  }
0x48: {  	_ =	shalt  }
0x49: {  	_ =	shalt  }
0x4a: {  	_ =	shalt  }
0x4b: {  	_ =	shalt  }
0x4c: {  	_ =	shalt  }
0x4d: {  	_ =	shalt  }
0x4e: {  	_ =	shalt  }
0x4f: {  	_ =	shalt  }
0x50: {  	_ =	shalt  }
0x51: {  	_ =	shalt  }
0x52: {  	_ =	shalt  }
0x53: {  	_ =	shalt  }
0x54: {  	_ =	shalt  }
0x55: {  	_ =	shalt  }
0x56: {  	_ =	shalt  }
0x57: {  	_ =	shalt  }
0x58: {  	_ =	shalt  }
0x59: {  	_ =	shalt  }
0x5a: {  	_ =	shalt  }
0x5b: {  	_ =	shalt  }
0x5c: {  	_ =	shalt  }
0x5d: {  	_ =	shalt  }
0x5e: {  	_ =	shalt  }
0x5f: {  	_ =	shalt  }
0x60: {  	_ =	shalt  }
0x61: {  	_ =	shalt  }
0x62: {  	_ =	shalt  }
0x63: {  	_ =	shalt  }
0x64: {  	_ =	shalt  }
0x65: {  	_ =	shalt  }
0x66: {  	_ =	shalt  }
0x67: {  	_ =	shalt  }
0x68: {  	_ =	shalt  }
0x69: {  	_ =	shalt  }
0x6a: {  	_ =	shalt  }
0x6b: {  	_ =	shalt  }
0x6c: {  	_ =	shalt  }
0x6d: {  	_ =	shalt  }
0x6e: {  	_ =	shalt  }
0x6f: {  	_ =	shalt  }
0x70: {  	_ =	shalt  }
0x71: {  	_ =	shalt  }
0x72: {  	_ =	shalt  }
0x73: {  	_ =	shalt  }
0x74: {  	_ =	shalt  }
0x75: {  	_ =	shalt  }
0x76: {  	_ =	shalt  }
0x77: {  	_ =	shalt  }
0x78: {  	_ =	shalt  }
0x79: {  	_ =	shalt  }
0x7a: {  	_ =	shalt  }
0x7b: {  	_ =	shalt  }
0x7c: {  	_ =	shalt  }
0x7d: {  	_ =	shalt  }
0x7e: {  	_ =	shalt  }
0x7f: {  	_ =	shalt  }
0x80: {  	_ =	shalt  }
0x81: {  	_ =	shalt  }
0x82: {  	_ =	shalt  }
0x83: {  	_ =	shalt  }
0x84: {  	_ =	shalt  }
0x85: {  	_ =	shalt  }
0x86: {  	_ =	shalt  }
0x87: {  	_ =	shalt  }
.Lfunc_end0:
.L_simem_size_0:
called_computation.2_lowered:
.L_overlay_start_0:
0x88: {  	s2 =	sld [smem:$0x3FD9]  }
0x89: {  	s3 =	sld [smem:$0x3FFE];
	_ =	sdelay $0x1  }
0x8a: {  	s1 =	srdreg.scid  }
0x8b: {  	s0 =	sand.u32 $0x1, s1  }
0x8c: {  	s15 =	sshll.u32 s0, $0xA;
	s2 =	sadd.s32 s3, s2  }
0x8d: {  	s2 =	sadd.s32 s2, s15  }
0x8e: {  	[smem:$0x3F9A] =	sst s2  }
0x8f: {  	_ = 	snop  }
0x90: {  	s2 =	sld [smem:$0x3FD0];
	_ =	sdelay $0x2  }
0x91: {  	s4 =	simm.s32 $0xB;
	s16 =	simm.s32 $0x10  }
0x92: {  	[smem:s16], [sflag:s4] =	dma.local [hbm:s2], $0x1  }
0x93: {  	_ =	swait.eq [sflag:s4], $0x1  }
0x94: {  	[sflag:s4] =	ssyncset.done $0x0  }
0x95: {  	s17 =	sld [smem:$0x10];
	[sflag:s4] =	ssyncadd.s32 $0xFFFFFFFF  }
0x96: {  	s18 =	sld [smem:$0x11];
	(tm) =	ssettm $0x1  }
0x97: {  	s19 =	sld [smem:$0x3FFB];
	_ =	sdelay $0x3  }
0x98: {  	_ =	strace s19  }
0x99: {  	s2 =	sld [smem:$0x3FFC];
	_ =	sdelay $0x3  }
0x9a: {  	_ =	strace s2  }
0x9b: {  	s2 =	sld [smem:$0x3FFD];
	_ =	sdelay $0x3  }
0x9c: {  	_ =	strace s2  }
0x9d: {  	_ =	strace $0x8FFFFFFF  }
0x9e: {  	s20 =	sld [smem:$0x3FDB];
	_ =	sdelay $0x1  }
0x9f: {  	s5 =	simm.s32 $_scs_section_size  }
0xa0: {  	s6 =	simm.s32 $_size__tile_overlayer_lowered;
	s7 =	simm.s32 $_tile_overlayer_lowered  }
0xa1: {  	s8 =	simm.s32 $0x1BFF;
	s21 =	sshll.u32 s7, $0x1;
	s5 =	sadd.s32 s5, s20  }
0xa2: {  	s22 =	simm.s32 $0x0;
	s6 =	sshll.u32 s6, $0x1;
	s7 =	sadd.s32 s21, s5  }
0xa3: {  	[timem:s22], [sflag:s8] =	dma.local [hbm:s7], s6  }
0xa4: {  	_ =	swait.ge [sflag:s8], s6  }
0xa5: {  	s6 =	ssub.s32 $0x0, s6;
	[sflag:s8] =	ssyncset.done $0x0  }
0xa6: {  	[sflag:s8] =	ssyncadd.s32 s6;
	_ =	sdelay $0x1  }
0xa7: {  	s23 =	simm.s32 $0x1B8B  }
0xa8: {  	_ =	swait.ge [sflag:s23], $0x1  }
0xa9: {  	[sflag:s23] =	ssyncset.done $0x0  }
0xaa: {  	[sflag:s23] =	ssyncadd.s32 $0xFFFFFFFF  }
0xab: {  	s6 =	sld [smem:$0x0]  }
0xac: {  	s7 =	sand.u32 $0xFFFFFFFE, s1  }
0xad: {  	p0 =	sne.s32 s1, s7  }
0xae: {  	s7 =	sshll.u32 @p0 s7, $0xE  }
0xaf: {  	s7 =	sadd.s32 @p0 $0x11B8D, s7;
	s8 =	sshll.u32 @p0 s6, $0x11  }
0xb0: {  	s7 =	sor.u32 @p0 s8, s7  }
0xb1: {  	[sflag:s7] =	ssyncadd.remote.s32 @p0 $0x1;
	_ =	sdelay $0x1  }
0xb2: {  	s7 =	simm.s32 @p0 $0x1B8D  }
0xb3: {  	_ =	swait.eq @p0 [sflag:s7], $0x1  }
0xb4: {  	[sflag:s7] =	ssyncadd.s32 @p0 $0xFFFFFFFF  }
0xb5: {  	s8 =	sshll.u32 @!p0 s1, $0xE  }
0xb6: {  	s8 =	sor.u32 @!p0 $0x4000, s8;
	s7 =	simm.s32 @!p0 $0x1B8D  }
0xb7: {  	s6 =	sshll.u32 @!p0 s6, $0x11;
	s8 =	sadd.s32 @!p0 $0x11B8D, s8;
	_ =	swait.eq @!p0 [sflag:s7], $0x1  }
0xb8: {  	s6 =	sor.u32 @!p0 s6, s8;
	[sflag:s7] =	ssyncadd.s32 @!p0 $0xFFFFFFFF  }
0xb9: {  	s25 =	simm.s32 $0x1B8E;
	s24 =	sld [smem:$0x3FFE];
	[sflag:s6] =	ssyncadd.remote.s32 @!p0 $0x1  }
0xba: {  	s26 =	simm.s32 $execute0_lowered;
	[smem:$0x3FD2] =	sst s25  }
0xbb: {  	s7 =	sshll.u32 s26, $0x1;
	_ =	strace $0x80000049;
	[dreg:$0x1] =	wrdreg $0xFFFFFFFF  }
0xbc: {  	s28 =	simm.s32 $_size_execute0_lowered;
	s5 =	sadd.s32 s5, s7;
	[dreg:$0x0] =	wrdreg $0x0  }
0xbd: {  	s7 =	sshll.u32 s28, $0x1;
	[dreg:$0x2] =	wrdreg s5  }
0xbe: {  	[dreg:$0x3] =	wrdreg s7  }
0xbf: {  	[dreg:$0x4] =	wrdreg $0xC0  }
0xc0: {  	_ =	task [dreg:s22], $0x5FFFF  }
0xc1: {  	[dreg:$0x1] =	wrdreg $0xFFFFFFFF  }
0xc2: {  	[dreg:$0x0] =	wrdreg $0x60  }
0xc3: {  	[dreg:$0x2] =	wrdreg s24  }
0xc4: {  	[dreg:$0x3] =	wrdreg s18  }
0xc5: {  	[dreg:$0x4] =	wrdreg s17  }
0xc6: {  	[dreg:$0x5] =	wrdreg $0xA0000  }
0xc7: {  	[dreg:$0x6] =	wrdreg $0xA  }
0xc8: {  	_ =	task.clear_ibuf [dreg:s22], $0x7FFFF;
	_ =	strace $0x90000049  }
0xc9: {  	s29 =	simm.s32 $0xA;
	_ =	strace $0x8000004B  }
0xca: {  	_ =	swait.ge [sflag:s29], $0x1  }
0xcb: {  	[sflag:s29] =	ssyncadd.s32 $0xFFFFFFFF  }
0xcc: {  	_ =	strace $0x9000004B  }
0xcd: {  	_ =	sfence  }
0xce: {  	s30 =	sld [smem:$0x0];
	_ =	sdelay $0x2  }
0xcf: {  	s31 =	sshll.u32 s1, $0xD;
	s1 =	sshrl.u32 s1, $0x2  }
0xd0: {  	s4 =	sand.u32 $0x4000, s31;
	s1 =	sadd.s32 s1, s30  }
0xd1: {  	s0 =	sor.u32 s4, s0;
	s1 =	sshll.u32 s1, $0x11  }
0xd2: {  	s0 =	sor.u32 s1, s0  }
0xd3: {  	s0 =	sadd.s32 $0x8F2B, s0  }
0xd4: {  	[sflag:s0] =	ssyncadd.remote.s32 $0x1  }
0xd5: {  	_ =	sfence.sel $0xFFFF  }
0xd6: {  	[dreg:$0x0] =	wrdreg $0xFFFFFFFF;
	(pc) =	sbr.abs _section_cstart, $3  }
0xd7: {  	[dreg:$0x1] =	wrdreg $0xFFFFFFFF  }
0xd8: {  	_ =	task.clear_ibuf [dreg:s22], $0x2FFFF;
	_ =	strace $0x9FFFFFFF  }
0xd9: {  	(tm) =	ssettm $0x7FFFFFFF  }
tec
execute0_lowered:
.L_overlay_start_1:
0x0: {  	(tag) =	ssettag $0x1  }
0x1: {  	s8 =	rddreg [dreg:$0x0]  }
0x2: {  	s1 =	rddreg [dreg:$0x1]  }
0x3: {  	s3 =	rddreg [dreg:$0x2]  }
0x4: {  	s4 =	rddreg [dreg:$0x3]  }
0x5: {  	s0 =	rddreg [dreg:$0x4];
	s5 =	simm.s32 $0x0  }
0x6: {  	s2 =	stileid.u32;
	s6 =	srdreg.scid;
	s16 =	simm.s32 $0x1  }
0x7: {  	s17 =	simm.s32 $0x5000;
	s18 =	simm.s32 $0x80;
	s19 =	simm.s32 $0x0  }
0x8: {  	[smem:$0x7FF] =	sst s5;
	s9 =	smul.u32 $0xA00, s2;
	s15 =	sand.u32 $0x1, s6  }
0x9: {  	s11 =	smul.u32 $0x9D00, s2;
	s6 =	sadd.s32 $0xC4800, s8;
	s7 =	sadd.s32 $0xD8200, s8  }
.Ltmp0:
0xa: {  	_ =	strace $0x8000004A;
	s10 =	ssub.s32 $0x2, s15;
	(pc) =	sbr.rel .LBB2_1-.Ltmp0, $4  }
0xb: {  	p0 =	sne.s32 s15, $0x0;
	s15 =	simm.s32 $0x13D00;
	s12 =	sshrl.u32 s10, $0x1  }
0xc: {  	s13 =	sadd.s32 s9, s8;
	s8 =	sadd.s32 s11, s4;
	s11 =	sshrl.u32 s11, $0x3  }
0xd: {  	s14 =	ssub.s32 s10, s12;
	s9 =	sadd.s32 $0x6C400, s13;
	s10 =	sadd.s32 $0x13600, s13  }
0xe: {  	v0 =	vimm.f32 $0.0e+00;
	s12 =	sadd.s32 $0x62400, s13;
	s13 =	sadd.s32 $0x9600, s13;
	s14 =	smax.u32 s14, $0x1  }
.LBB2_9:
0xf: {  	s20 =	sshra.s32 s20, $0x2;
	[sflag:s16] =	ssyncadd.s32 $0xFFFFE000  }
0x10: {  	[tilespmem:s15], [sflag:$0x1] =	stream.indirect.gather [hbm4b:s7+s18], $0x40, s20, s18, $0xb8;
	[tilespmem:$0x1DA00] =	vst v63  }
0x11: {  	_ =	swait.ge [sflag:s16], $0x2000  }
0x12: {  	[sflag:s16] =	ssyncset.done $0x0  }
0x13: {  	s20 =	sadd.s32 $0x5000, s20;
	[sflag:s16] =	ssyncadd.s32 $0xFFFFE000  }
0x14: {  	[spmem:s4] =	stream.indirect.scatter.add.f32 [tilespmem:s15], [sflag:$0x1], $0x40, s20, s18, $0xb8;
	[tilespmem:$0x1DA00] =	vst v63  }
0x15: {  	_ =	swait.ge [sflag:s16], $0x2000  }
0x16: {  	[sflag:s16] =	ssyncset.done $0x0  }
0x17: {  	s20 =	smov.u32 s3;
	[sflag:s16] =	ssyncadd.s32 $0xFFFFE000  }
.LBB2_10:
0x18: {  	[bflag:$0x0] =	sbarrier.arrive $0xFFFF  }
0x19: {  	[tilespmem:s15], [sflag:$0x1] =	stream.linear.gather [spmem:s8], $0x9D00, $0x38;
	[tilespmem:$0x1DA00] =	vst v63  }
0x1a: {  	s19 =	sadd.s32 $0x1, s19;
	_ =	swait.ge [sflag:s16], $0x9D00  }
0x1b: {  	p1 =	sne.s32 s19, s14;
	[sflag:s16] =	ssyncset.done $0x0  }
.Ltmp1:
0x1c: {  	s20 =	sadd.s32 s20, s11;
	[sflag:s16] =	ssyncadd.s32 $0xFFFF6300;
	(pc) =	sbr.rel @!p1 .LBB2_11-.Ltmp1, $4  }
0x1d: {  	[hbm4b:s20+s5] =	stream.linear.scatter [tilespmem:s15], [sflag:$0x1], $0x9D00, $0x38;
	[tilespmem:$0x1DA00] =	vst v63  }
0x1e: {  	_ =	swait.ge [sflag:s16], $0x9D00  }
0x1f: {  	[sflag:s16] =	ssyncset.done $0x0  }
0x20: {  	[sflag:s16] =	ssyncadd.s32 $0xFFFF6300  }
.LBB2_1:
0x21: {  	s21 =	simm.s32 $0x100;
	s20 =	simm.s32 $0x0  }
.LBB2_2:
0x22: {  	p1 =	sne.s32 s21, $0x27300;
	[tilespmem:s20+$0x13D30] =	vst v0;
	s22 =	smov.u32 s21;
	s21 =	sadd.s32 $0x100, s21  }
.Ltmp2:
0x23: {  	[tilespmem:s20+$0x13D20] =	vst v0;
	(pc) =	sbr.rel @p1 .LBB2_2-.Ltmp2, $3  }
0x24: {  	[tilespmem:s20+$0x13D00] =	vst v0  }
0x25: {  	[tilespmem:s20+$0x13D10] =	vst v0;
	_ =	sdelay $0x1  }
0x26: {  	s20 =	sshra.s32 s22, $0x2  }
0x27: {  	[tilespmem:s20+$0x13D30] =	vst v0  }
0x28: {  	[tilespmem:s20+$0x13D20] =	vst v0  }
0x29: {  	[tilespmem:s20+$0x13D00] =	vst v0  }
0x2a: {  	[tilespmem:s20+$0x13D10] =	vst v0  }
0x2b: {  	[spmem:s8] =	stream.linear.scatter [tilespmem:s15], [sflag:$0x1], $0x9D00, $0x38;
	[tilespmem:$0x1DA00] =	vst v63  }
.Ltmp3:
0x2c: {  	_ =	swait.ge [sflag:s16], $0x9D00;
	(pc) =	sbr.rel @p0 .LBB2_7-.Ltmp3, $4  }
0x2d: {  	[sflag:s16] =	ssyncset.done $0x0  }
0x2e: {  	[sflag:s16] =	ssyncadd.s32 $0xFFFF6300  }
0x2f: {  	[bflag:$0x0] =	sbarrier.arrive $0xFFFF  }
0x30: {  	s20 =	simm.s32 $0x0  }
0x31: {  	[tilespmem:s20], [sflag:$0x1] =	stream.linear.gather [hbm4b:s12+s20], $0x5000, $0x38;
	[tilespmem:$0x1DA00] =	vst v63  }
0x32: {  	_ =	swait.ge [sflag:s16], $0x5000  }
0x33: {  	[sflag:s16] =	ssyncset.done $0x0  }
0x34: {  	[sflag:s16] =	ssyncadd.s32 $0xFFFFB000  }
0x35: {  	[tilespmem:s17], [sflag:$0x1] =	stream.linear.gather [hbm4b:s13+s20], $0x5000, $0x38;
	[tilespmem:$0x1DA00] =	vst v63  }
0x36: {  	_ =	swait.ge [sflag:s16], $0x5000  }
0x37: {  	[sflag:s16] =	ssyncset.done $0x0  }
0x38: {  	s30 =	simm.s32 $0x0;
	[sflag:s16] =	ssyncadd.s32 $0xFFFFB000  }
0x39: {  	[tilespmem:s15], [sflag:$0x1] =	stream.indirect.gather [hbm4b:s6+s18], $0x40, s30, s18, $0xb8;
	[tilespmem:$0x1DA00] =	vst v63  }
0x3a: {  	_ =	swait.ge [sflag:s16], $0x2000  }
0x3b: {  	[sflag:s16] =	ssyncset.done $0x0  }
0x3c: {  	s31 =	simm.s32 $0x5000;
	[sflag:s16] =	ssyncadd.s32 $0xFFFFE000  }
0x3d: {  	[spmem:s4] =	stream.indirect.scatter.add.f32 [tilespmem:s15], [sflag:$0x1], $0x40, s31, s18, $0xb8;
	[tilespmem:$0x1DA00] =	vst v63  }
0x3e: {  	_ =	swait.ge [sflag:s16], $0x2000  }
0x3f: {  	s21 =	simm.s32 $0x400;
	s20 =	simm.s32 $0x200;
	[sflag:s16] =	ssyncset.done $0x0  }
.LBB2_5:
0x40: {  	s22 =	sshra.s32 s20, $0x2  }
0x41: {  	[sflag:s16] =	ssyncadd.s32 $0xFFFFE000;
	s20 =	smov.u32 s21;
	s23 =	sadd.s32 $0x200, s21  }
0x42: {  	[tilespmem:s15], [sflag:$0x1] =	stream.indirect.gather [hbm4b:s6+s18], $0x40, s22, s18, $0xb8;
	[tilespmem:$0x1DA00] =	vst v63  }
0x43: {  	p1 =	seq.s32 s21, $0x13E00;
	_ =	swait.ge [sflag:s16], $0x2000  }
.Ltmp4:
0x44: {  	[sflag:s16] =	ssyncset.done $0x0;
	(pc) =	sbr.rel @!p1 .LBB2_5-.Ltmp4, $4  }
0x45: {  	s21 =	sadd.s32 $0x5000, s22;
	[sflag:s16] =	ssyncadd.s32 $0xFFFFE000  }
0x46: {  	[spmem:s4] =	stream.indirect.scatter.add.f32 [tilespmem:s15], [sflag:$0x1], $0x40, s21, s18, $0xb8;
	[tilespmem:$0x1DA00] =	vst v63  }
0x47: {  	_ =	swait.ge [sflag:s16], $0x2000  }
0x48: {  	s21 =	smov.u32 s23;
	[sflag:s16] =	ssyncset.done $0x0  }
0x49: {  	s20 =	sshra.s32 s20, $0x2;
	[sflag:s16] =	ssyncadd.s32 $0xFFFFE000  }
0x4a: {  	[tilespmem:s15], [sflag:$0x1] =	stream.indirect.gather [hbm4b:s6+s18], $0x40, s20, s18, $0xb8;
	[tilespmem:$0x1DA00] =	vst v63  }
0x4b: {  	_ =	swait.ge [sflag:s16], $0x2000  }
0x4c: {  	[sflag:s16] =	ssyncset.done $0x0  }
.Ltmp5:
0x4d: {  	s20 =	sadd.s32 $0x5000, s20;
	[sflag:s16] =	ssyncadd.s32 $0xFFFFE000;
	(pc) =	sbr.rel .LBB2_10-.Ltmp5, $4  }
0x4e: {  	[spmem:s4] =	stream.indirect.scatter.add.f32 [tilespmem:s15], [sflag:$0x1], $0x40, s20, s18, $0xb8;
	[tilespmem:$0x1DA00] =	vst v63  }
0x4f: {  	_ =	swait.ge [sflag:s16], $0x2000  }
0x50: {  	[sflag:s16] =	ssyncset.done $0x0  }
0x51: {  	s20 =	smov.u32 s1;
	[sflag:s16] =	ssyncadd.s32 $0xFFFFE000  }
.LBB2_7:
0x52: {  	[tilespmem:s20], [sflag:$0x1] =	stream.linear.gather [hbm4b:s9+s20], $0x5000, $0x38;
	[tilespmem:$0x1DA00] =	vst v63  }
0x53: {  	_ =	swait.ge [sflag:s16], $0x5000  }
0x54: {  	[sflag:s16] =	ssyncset.done $0x0  }
0x55: {  	[sflag:s16] =	ssyncadd.s32 $0xFFFFB000  }
0x56: {  	[tilespmem:s17], [sflag:$0x1] =	stream.linear.gather [hbm4b:s10+s20], $0x5000, $0x38;
	[tilespmem:$0x1DA00] =	vst v63  }
0x57: {  	_ =	swait.ge [sflag:s16], $0x5000  }
0x58: {  	[sflag:s16] =	ssyncset.done $0x0  }
0x59: {  	s30 =	simm.s32 $0x0;
	[sflag:s16] =	ssyncadd.s32 $0xFFFFB000  }
0x5a: {  	[tilespmem:s15], [sflag:$0x1] =	stream.indirect.gather [hbm4b:s7+s18], $0x40, s30, s18, $0xb8;
	[tilespmem:$0x1DA00] =	vst v63  }
0x5b: {  	_ =	swait.ge [sflag:s16], $0x2000  }
0x5c: {  	[sflag:s16] =	ssyncset.done $0x0  }
0x5d: {  	s31 =	simm.s32 $0x5000;
	[sflag:s16] =	ssyncadd.s32 $0xFFFFE000  }
0x5e: {  	[spmem:s4] =	stream.indirect.scatter.add.f32 [tilespmem:s15], [sflag:$0x1], $0x40, s31, s18, $0xb8;
	[tilespmem:$0x1DA00] =	vst v63  }
0x5f: {  	_ =	swait.ge [sflag:s16], $0x2000  }
0x60: {  	s21 =	simm.s32 $0x400;
	s20 =	simm.s32 $0x200;
	[sflag:s16] =	ssyncset.done $0x0  }
.LBB2_8:
0x61: {  	s22 =	sshra.s32 s20, $0x2  }
0x62: {  	[sflag:s16] =	ssyncadd.s32 $0xFFFFE000;
	s20 =	smov.u32 s21;
	s23 =	sadd.s32 $0x200, s21  }
0x63: {  	[tilespmem:s15], [sflag:$0x1] =	stream.indirect.gather [hbm4b:s7+s18], $0x40, s22, s18, $0xb8;
	[tilespmem:$0x1DA00] =	vst v63  }
0x64: {  	p1 =	sne.s32 s21, $0x13E00;
	_ =	swait.ge [sflag:s16], $0x2000  }
.Ltmp6:
0x65: {  	[sflag:s16] =	ssyncset.done $0x0;
	(pc) =	sbr.rel @p1 .LBB2_8-.Ltmp6, $4  }
0x66: {  	s21 =	sadd.s32 $0x5000, s22;
	[sflag:s16] =	ssyncadd.s32 $0xFFFFE000  }
0x67: {  	[spmem:s4] =	stream.indirect.scatter.add.f32 [tilespmem:s15], [sflag:$0x1], $0x40, s21, s18, $0xb8;
	[tilespmem:$0x1DA00] =	vst v63  }
0x68: {  	_ =	swait.ge [sflag:s16], $0x2000  }
0x69: {  	s21 =	smov.u32 s23;
	[sflag:s16] =	ssyncset.done $0x0  }
.Ltmp7:
0x6a: {  	_ = 	snop;
	(pc) =	sbr.rel .LBB2_9-.Ltmp7, $1  }
0x6b: {  	_ =	sdelay $0x3  }
.LBB2_11:
0x6c: {  	_ =	sfence.sel $0x180000  }
0x6d: {  	[bflag:$0x0] =	sbarrier.arrive $0xFFFF  }
0x6e: {  	p0 =	sne.s32 s2, $0x0;
	_ =	strace $0x9000004A  }
0x6f: {  	s0 =	sadd.s32 @!p0 $0x100000, s0;
	[bflag:$0x2] =	sbarrier.arrive $0xFFFF  }
0x70: {  	[sflag:s0] =	ssyncadd.tile.s32 @!p0 $0x1;
	_ =	shalt  }
.Lfunc_end2:
_tile_overlayer_lowered:
.L_overlay_start_2:
0x71: {  	(tag) =	ssettag $0x2  }
0x72: {  	s0 =	rddreg [dreg:$0x0];
	s2 =	stileid.u32  }
0x73: {  	s1 =	rddreg [dreg:$0x1];
	p0 =	sne.s32 s2, $0x0  }
0x74: {  	s3 =	rddreg [dreg:$0x2];
	[bflag:$0x3] =	sbarrier.arrive $0xFFFF;
	s2 =	simm.s32 @!p0 $0x1C01  }
0x75: {  	[timem:s3], [sflag:s2] =	dma.local @!p0 [hbm:s0], s1  }
0x76: {  	s0 =	simm.s32 @!p0 $0x1  }
0x77: {  	_ =	swait.ge @!p0 [sflag:s0], s1  }
0x78: {  	s1 =	ssub.s32 @!p0 $0x0, s1;
	[sflag:s0] =	ssyncset.done @!p0 $0x0  }
0x79: {  	[sflag:s0] =	ssyncadd.s32 @!p0 s1  }
0x7a: {  	[bflag:$0x3] =	sbarrier.arrive $0xFFFF  }
0x7b: {  	_ =	shalt  }

// kernel: sc_edge_agg.7.cloned.1.call-start
scs
__scs_entry_jumppad:
0x0: {  	(pc) =	sbr.rel $0x88, $3  }
0x1: {  	(tag) =	ssettag $0x0;
	lr =	simm.s32 $0x1  }
0x2: {  	[smem:$0x3F73] =	sst lr;
	_ =	strace $0xD0000000  }
0x3: {  	_ = 	snop  }
0x4: {  	_ = 	snop  }
0x5: {  	_ = 	snop  }
0x6: {  	_ = 	snop  }
0x7: {  	_ = 	snop  }
__scs_overlays_trampoline_lowered:
0x8: {  	[smem:$0x3F82] =	sst s0  }
0x9: {  	[smem:$0x3F83] =	sst s1  }
0xa: {  	[smem:$0x3F84] =	sst s2  }
0xb: {  	[smem:$0x3F85] =	sst s3  }
0xc: {  	[smem:$0x3F86] =	sst s4  }
0xd: {  	[smem:$0x3F87] =	sst s5  }
0xe: {  	[smem:$0x3F88] =	sst s6  }
0xf: {  	[smem:$0x3F89] =	sst s7  }
0x10: {  	[smem:$0x3F8A] =	sst s8  }
0x11: {  	[smem:$0x3F8B] =	sst s9;
	s0 =	simm.s32 @!p0 $0x0  }
0x12: {  	s1 =	sld [smem:$0x3F71];
	s0 =	simm.s32 @p0 $0x1  }
0x13: {  	[smem:$0x3F8C] =	sst s0;
	s0 =	simm.s32 @!p1 $0x0  }
0x14: {  	s2 =	sld [smem:$0x3F70];
	s0 =	simm.s32 @p1 $0x1  }
0x15: {  	[smem:$0x3F8D] =	sst s0;
	s0 =	simm.s32 @!p2 $0x0  }
0x16: {  	s3 =	sld [smem:$0x3FDB];
	s0 =	simm.s32 @p2 $0x1  }
0x17: {  	s4 =	simm.s32 $0x1BF5;
	[smem:$0x3F8F] =	sst s0  }
0x18: {  	s0 =	sld [smem:$0x3F72];
	_ =	swait.ge [sflag:s4], $0x0  }
0x19: {  	s7 =	sld [smem:$0x3F73]  }
0x1a: {  	s8 =	sadd.s32 $0xFFFFE003, lr  }
0x1b: {  	s9 =	sadd.s32 $0xFFFFFEF7, lr;
	s5 =	simm.s32 $0xFFFFFFFF;
	p2 =	slt.u32 s8, $0xFFFFF086  }
0x1c: {  	p1 =	slt.u32 s9, $0xF7A;
	s5 =	simm.s32 @!p2 $0x0  }
0x1d: {  	s5 =	simm.s32 @p1 $0x1;
	p0 =	seq.s32 s7, s2  }
0x1e: {  	s7 =	smul.u32 @!p0 $0xF7A, s2;
	p2 =	seq.s32 @!p0 s5, $0x0  }
0x1f: {  	s9 =	smul.u32 $0xF7A, s1;
	s8 =	simm.s32 @!p0 $0x1BF5;
	p2 =	por !p2, p0  }
0x20: {  	[sflag:s8] =	ssyncset.s32 @!p0 $0xFFFFF086;
	s6 =	sadd.s32 @!p0 s3, s7;
	s7 =	simm.s32 @!p0 $0x108  }
0x21: {  	s3 =	sadd.s32 s3, s9;
	s6 =	sadd.s32 @!p0 $0x88, s6;
	s7 =	simm.s32 @p2 $0x1082  }
0x22: {  	[simem:s7], [sflag:s8] =	dma.local @!p0 [hbm:s6], $0xF7A  }
0x23: {  	s9 =	sor.u32 $0xD0000000, s2;
	s6 =	simm.s32 $0x108;
	_ =	swait.ge @!p0 [sflag:s8], $0x0  }
0x24: {  	s3 =	sadd.s32 $0x88, s3;
	s6 =	simm.s32 @!p1 $0x1082;
	[sflag:s4] =	ssyncset.s32 $0xFFFFF086  }
0x25: {  	[simem:s6], [sflag:s4] =	dma.local [hbm:s3], $0xF7A  }
0x26: {  	[smem:$0x3F73] =	sst s1;
	(tag) =	ssettag s2;
	_ =	strace s9  }
0x27: {  	s1 =	sld [smem:$0x3F83]  }
0x28: {  	s2 =	sld [smem:$0x3F84]  }
0x29: {  	s4 =	sld [smem:$0x3F86]  }
0x2a: {  	p0 =	seq.s32 s5, $0x0;
	s5 =	sld [smem:$0x3F87]  }
0x2b: {  	s6 =	sld [smem:$0x3F88]  }
0x2c: {  	s7 =	sld [smem:$0x3F89]  }
0x2d: {  	s3 =	simm.s32 $0x108;
	s8 =	sld [smem:$0x3F8A]  }
0x2e: {  	s3 =	simm.s32 @!p0 $0x1082;
	s9 =	sld [smem:$0x3F8B]  }
0x2f: {  	lr =	sadd.s32 s0, s3;
	s0 =	sld [smem:$0x3F82]  }
0x30: {  	s3 =	sld [smem:$0x3F85]  }
0x31: {  	[smem:$0x3F8E] =	sst s10  }
0x32: {  	s10 =	sld [smem:$0x3F8C];
	_ =	sdelay $0x3  }
0x33: {  	p0 =	seq.s32 s10, $0x1;
	s10 =	sld [smem:$0x3F8E];
	_ =	sdelay $0x3  }
0x34: {  	[smem:$0x3F8E] =	sst s10  }
0x35: {  	s10 =	sld [smem:$0x3F8D];
	_ =	sdelay $0x3  }
0x36: {  	p1 =	seq.s32 s10, $0x1;
	s10 =	sld [smem:$0x3F8E];
	_ =	sdelay $0x3  }
0x37: {  	[smem:$0x3F8E] =	sst s10  }
0x38: {  	s10 =	sld [smem:$0x3F8F]  }
0x39: {  	_ = 	snop;
	(pc) =	sbr.ind lr, $3  }
0x3a: {  	_ = 	snop  }
0x3b: {  	_ = 	snop  }
0x3c: {  	p2 =	seq.s32 s10, $0x1;
	s10 =	sld [smem:$0x3F8E]  }
0x3d: {  	_ =	shalt  }
0x3e: {  	_ =	shalt  }
0x3f: {  	_ =	shalt  }
0x40: {  	_ =	shalt  }
0x41: {  	_ =	shalt  }
0x42: {  	_ =	shalt  }
0x43: {  	_ =	shalt  }
0x44: {  	_ =	shalt  }
0x45: {  	_ =	shalt  }
0x46: {  	_ =	shalt  }
0x47: {  	_ =	shalt  }
0x48: {  	_ =	shalt  }
0x49: {  	_ =	shalt  }
0x4a: {  	_ =	shalt  }
0x4b: {  	_ =	shalt  }
0x4c: {  	_ =	shalt  }
0x4d: {  	_ =	shalt  }
0x4e: {  	_ =	shalt  }
0x4f: {  	_ =	shalt  }
0x50: {  	_ =	shalt  }
0x51: {  	_ =	shalt  }
0x52: {  	_ =	shalt  }
0x53: {  	_ =	shalt  }
0x54: {  	_ =	shalt  }
0x55: {  	_ =	shalt  }
0x56: {  	_ =	shalt  }
0x57: {  	_ =	shalt  }
0x58: {  	_ =	shalt  }
0x59: {  	_ =	shalt  }
0x5a: {  	_ =	shalt  }
0x5b: {  	_ =	shalt  }
0x5c: {  	_ =	shalt  }
0x5d: {  	_ =	shalt  }
0x5e: {  	_ =	shalt  }
0x5f: {  	_ =	shalt  }
0x60: {  	_ =	shalt  }
0x61: {  	_ =	shalt  }
0x62: {  	_ =	shalt  }
0x63: {  	_ =	shalt  }
0x64: {  	_ =	shalt  }
0x65: {  	_ =	shalt  }
0x66: {  	_ =	shalt  }
0x67: {  	_ =	shalt  }
0x68: {  	_ =	shalt  }
0x69: {  	_ =	shalt  }
0x6a: {  	_ =	shalt  }
0x6b: {  	_ =	shalt  }
0x6c: {  	_ =	shalt  }
0x6d: {  	_ =	shalt  }
0x6e: {  	_ =	shalt  }
0x6f: {  	_ =	shalt  }
0x70: {  	_ =	shalt  }
0x71: {  	_ =	shalt  }
0x72: {  	_ =	shalt  }
0x73: {  	_ =	shalt  }
0x74: {  	_ =	shalt  }
0x75: {  	_ =	shalt  }
0x76: {  	_ =	shalt  }
0x77: {  	_ =	shalt  }
0x78: {  	_ =	shalt  }
0x79: {  	_ =	shalt  }
0x7a: {  	_ =	shalt  }
0x7b: {  	_ =	shalt  }
0x7c: {  	_ =	shalt  }
0x7d: {  	_ =	shalt  }
0x7e: {  	_ =	shalt  }
0x7f: {  	_ =	shalt  }
0x80: {  	_ =	shalt  }
0x81: {  	_ =	shalt  }
0x82: {  	_ =	shalt  }
0x83: {  	_ =	shalt  }
0x84: {  	_ =	shalt  }
0x85: {  	_ =	shalt  }
0x86: {  	_ =	shalt  }
0x87: {  	_ =	shalt  }
.Lfunc_end0:
.L_simem_size_0:
called_computation_lowered:
.L_overlay_start_0:
0x88: {  	s2 =	sld [smem:$0x3FD9]  }
0x89: {  	s3 =	sld [smem:$0x3FFE];
	_ =	sdelay $0x1  }
0x8a: {  	s1 =	srdreg.scid  }
0x8b: {  	s0 =	sand.u32 $0x1, s1  }
0x8c: {  	s14 =	sshll.u32 s0, $0xA;
	s2 =	sadd.s32 s3, s2  }
0x8d: {  	s2 =	sadd.s32 s2, s14  }
0x8e: {  	[smem:$0x3F9A] =	sst s2  }
0x8f: {  	_ = 	snop  }
0x90: {  	s2 =	sld [smem:$0x3FD0];
	_ =	sdelay $0x2  }
0x91: {  	s15 =	simm.s32 $0xB;
	s4 =	simm.s32 $0x10  }
0x92: {  	[smem:s4], [sflag:s15] =	dma.local [hbm:s2], $0x1  }
0x93: {  	_ =	swait.eq [sflag:s15], $0x1  }
0x94: {  	[sflag:s15] =	ssyncset.done $0x0  }
0x95: {  	s16 =	sld [smem:$0x10];
	[sflag:s15] =	ssyncadd.s32 $0xFFFFFFFF  }
0x96: {  	s17 =	sld [smem:$0x11];
	(tm) =	ssettm $0x1  }
0x97: {  	s18 =	sld [smem:$0x3FFB];
	_ =	sdelay $0x3  }
0x98: {  	_ =	strace s18  }
0x99: {  	s4 =	sld [smem:$0x3FFC];
	_ =	sdelay $0x3  }
0x9a: {  	_ =	strace s4  }
0x9b: {  	s4 =	sld [smem:$0x3FFD];
	_ =	sdelay $0x3  }
0x9c: {  	_ =	strace s4  }
0x9d: {  	_ =	strace $0x8FFFFFFF  }
0x9e: {  	s19 =	sld [smem:$0x3FDB];
	_ =	sdelay $0x1  }
0x9f: {  	s5 =	simm.s32 $_scs_section_size  }
0xa0: {  	s6 =	simm.s32 $_size__tile_overlayer_lowered;
	s7 =	simm.s32 $_tile_overlayer_lowered  }
0xa1: {  	s22 =	simm.s32 $0x1BFF;
	s21 =	sshll.u32 s7, $0x1;
	s4 =	sadd.s32 s5, s19  }
0xa2: {  	s8 =	simm.s32 $0x0;
	s20 =	sshll.u32 s6, $0x1;
	s6 =	sadd.s32 s21, s4  }
0xa3: {  	[timem:s8], [sflag:s22] =	dma.local [hbm:s6], s20  }
0xa4: {  	_ =	swait.ge [sflag:s22], s20  }
0xa5: {  	s5 =	ssub.s32 $0x0, s20;
	[sflag:s22] =	ssyncset.done $0x0  }
0xa6: {  	[sflag:s22] =	ssyncadd.s32 s5;
	_ =	sdelay $0x1  }
0xa7: {  	s23 =	simm.s32 $0x1B8B  }
0xa8: {  	_ =	swait.ge [sflag:s23], $0x1  }
0xa9: {  	[sflag:s23] =	ssyncset.done $0x0  }
0xaa: {  	s25 =	simm.s32 $0x1B8E;
	s24 =	sld [smem:$0x3FFE];
	[sflag:s23] =	ssyncadd.s32 $0xFFFFFFFF  }
0xab: {  	s26 =	simm.s32 $execute0_lowered;
	[smem:$0x3FD2] =	sst s25  }
0xac: {  	s6 =	sshll.u32 s26, $0x1;
	_ =	strace $0x8000004C;
	[dreg:$0x1] =	wrdreg $0xFFFFFFFF  }
0xad: {  	s28 =	simm.s32 $_size_execute0_lowered;
	s4 =	sadd.s32 s4, s6;
	[dreg:$0x0] =	wrdreg $0x0  }
0xae: {  	s6 =	sshll.u32 s28, $0x1;
	[dreg:$0x2] =	wrdreg s4  }
0xaf: {  	[dreg:$0x3] =	wrdreg s6  }
0xb0: {  	[dreg:$0x4] =	wrdreg $0xC0  }
0xb1: {  	_ =	task [dreg:s8], $0x5FFFF  }
0xb2: {  	[dreg:$0x1] =	wrdreg $0xFFFFFFFF  }
0xb3: {  	[dreg:$0x0] =	wrdreg $0x60  }
0xb4: {  	[dreg:$0x2] =	wrdreg s24  }
0xb5: {  	[dreg:$0x3] =	wrdreg s17  }
0xb6: {  	[dreg:$0x4] =	wrdreg s16  }
0xb7: {  	[dreg:$0x5] =	wrdreg $0xA0000  }
0xb8: {  	[dreg:$0x6] =	wrdreg $0x9  }
0xb9: {  	_ =	task.clear_ibuf [dreg:s8], $0x7FFFF;
	_ =	strace $0x9000004C  }
0xba: {  	s29 =	simm.s32 $0x9;
	_ =	strace $0x8000004E  }
0xbb: {  	_ =	swait.ge [sflag:s29], $0x1  }
0xbc: {  	[sflag:s29] =	ssyncadd.s32 $0xFFFFFFFF  }
0xbd: {  	_ =	strace $0x9000004E  }
0xbe: {  	_ =	sfence  }
0xbf: {  	s30 =	sld [smem:$0x0];
	_ =	sdelay $0x2  }
0xc0: {  	s31 =	sshll.u32 s1, $0xD;
	s1 =	sshrl.u32 s1, $0x2  }
0xc1: {  	s3 =	sand.u32 $0x4000, s31;
	s1 =	sadd.s32 s1, s30  }
0xc2: {  	s0 =	sor.u32 s3, s0;
	s1 =	sshll.u32 s1, $0x11  }
0xc3: {  	s0 =	sor.u32 s1, s0  }
0xc4: {  	s0 =	sadd.s32 $0x8F2B, s0  }
0xc5: {  	[sflag:s0] =	ssyncadd.remote.s32 $0x1  }
0xc6: {  	_ =	sfence.sel $0xFFFF  }
0xc7: {  	[dreg:$0x0] =	wrdreg $0xFFFFFFFF;
	(pc) =	sbr.abs _section_cstart, $3  }
0xc8: {  	[dreg:$0x1] =	wrdreg $0xFFFFFFFF  }
0xc9: {  	_ =	task.clear_ibuf [dreg:s8], $0x2FFFF;
	_ =	strace $0x9FFFFFFF  }
0xca: {  	(tm) =	ssettm $0x7FFFFFFF  }
0xcb: {  	_ =	shalt  }
tec
execute0_lowered:
.L_overlay_start_1:
0x0: {  	(tag) =	ssettag $0x1  }
0x1: {  	s8 =	rddreg [dreg:$0x0]  }
0x2: {  	s1 =	rddreg [dreg:$0x1]  }
0x3: {  	s3 =	rddreg [dreg:$0x2]  }
0x4: {  	s4 =	rddreg [dreg:$0x3]  }
0x5: {  	s0 =	rddreg [dreg:$0x4];
	s5 =	simm.s32 $0x0  }
0x6: {  	s2 =	stileid.u32;
	s6 =	srdreg.scid;
	s16 =	simm.s32 $0x1  }
0x7: {  	s17 =	simm.s32 $0x5000;
	s18 =	simm.s32 $0x80;
	s19 =	simm.s32 $0x0  }
0x8: {  	[smem:$0x7FF] =	sst s5;
	s9 =	smul.u32 $0xA00, s2;
	s15 =	sand.u32 $0x1, s6  }
0x9: {  	s11 =	smul.u32 $0x9D00, s2;
	s6 =	sadd.s32 $0x13A000, s8;
	s7 =	sadd.s32 $0x44800, s8  }
.Ltmp0:
0xa: {  	_ =	strace $0x8000004D;
	s10 =	ssub.s32 $0x2, s15;
	(pc) =	sbr.rel .LBB2_1-.Ltmp0, $4  }
0xb: {  	p0 =	sne.s32 s15, $0x0;
	s15 =	simm.s32 $0x13D00;
	s12 =	sshrl.u32 s10, $0x1  }
0xc: {  	s13 =	sadd.s32 s9, s8;
	s8 =	sadd.s32 s11, s4;
	s11 =	sshrl.u32 s11, $0x3  }
0xd: {  	s14 =	ssub.s32 s10, s12;
	s9 =	sadd.s32 $0x6C400, s13;
	s10 =	sadd.s32 $0x13600, s13  }
0xe: {  	v0 =	vimm.f32 $0.0e+00;
	s12 =	sadd.s32 $0x62400, s13;
	s13 =	sadd.s32 $0x9600, s13;
	s14 =	smax.u32 s14, $0x1  }
.LBB2_9:
0xf: {  	s20 =	sshra.s32 s20, $0x2;
	[sflag:s16] =	ssyncadd.s32 $0xFFFFE000  }
0x10: {  	[tilespmem:s15], [sflag:$0x1] =	stream.indirect.gather [hbm4b:s7+s18], $0x40, s20, s18, $0xb8;
	[tilespmem:$0x1DA00] =	vst v63  }
0x11: {  	_ =	swait.ge [sflag:s16], $0x2000  }
0x12: {  	[sflag:s16] =	ssyncset.done $0x0  }
0x13: {  	s20 =	sadd.s32 $0x5000, s20;
	[sflag:s16] =	ssyncadd.s32 $0xFFFFE000  }
0x14: {  	[spmem:s4] =	stream.indirect.scatter.add.f32 [tilespmem:s15], [sflag:$0x1], $0x40, s20, s18, $0xb8;
	[tilespmem:$0x1DA00] =	vst v63  }
0x15: {  	_ =	swait.ge [sflag:s16], $0x2000  }
0x16: {  	[sflag:s16] =	ssyncset.done $0x0  }
0x17: {  	s20 =	smov.u32 s3;
	[sflag:s16] =	ssyncadd.s32 $0xFFFFE000  }
.LBB2_10:
0x18: {  	[bflag:$0x0] =	sbarrier.arrive $0xFFFF  }
0x19: {  	[tilespmem:s15], [sflag:$0x1] =	stream.linear.gather [spmem:s8], $0x9D00, $0x38;
	[tilespmem:$0x1DA00] =	vst v63  }
0x1a: {  	s19 =	sadd.s32 $0x1, s19;
	_ =	swait.ge [sflag:s16], $0x9D00  }
0x1b: {  	p1 =	sne.s32 s19, s14;
	[sflag:s16] =	ssyncset.done $0x0  }
.Ltmp1:
0x1c: {  	s20 =	sadd.s32 s20, s11;
	[sflag:s16] =	ssyncadd.s32 $0xFFFF6300;
	(pc) =	sbr.rel @!p1 .LBB2_11-.Ltmp1, $4  }
0x1d: {  	[hbm4b:s20+s5] =	stream.linear.scatter [tilespmem:s15], [sflag:$0x1], $0x9D00, $0x38;
	[tilespmem:$0x1DA00] =	vst v63  }
0x1e: {  	_ =	swait.ge [sflag:s16], $0x9D00  }
0x1f: {  	[sflag:s16] =	ssyncset.done $0x0  }
0x20: {  	[sflag:s16] =	ssyncadd.s32 $0xFFFF6300  }
.LBB2_1:
0x21: {  	s21 =	simm.s32 $0x100;
	s20 =	simm.s32 $0x0  }
.LBB2_2:
0x22: {  	p1 =	sne.s32 s21, $0x27300;
	[tilespmem:s20+$0x13D30] =	vst v0;
	s22 =	smov.u32 s21;
	s21 =	sadd.s32 $0x100, s21  }
.Ltmp2:
0x23: {  	[tilespmem:s20+$0x13D20] =	vst v0;
	(pc) =	sbr.rel @p1 .LBB2_2-.Ltmp2, $3  }
0x24: {  	[tilespmem:s20+$0x13D00] =	vst v0  }
0x25: {  	[tilespmem:s20+$0x13D10] =	vst v0;
	_ =	sdelay $0x1  }
0x26: {  	s20 =	sshra.s32 s22, $0x2  }
0x27: {  	[tilespmem:s20+$0x13D30] =	vst v0  }
0x28: {  	[tilespmem:s20+$0x13D20] =	vst v0  }
0x29: {  	[tilespmem:s20+$0x13D00] =	vst v0  }
0x2a: {  	[tilespmem:s20+$0x13D10] =	vst v0  }
0x2b: {  	[spmem:s8] =	stream.linear.scatter [tilespmem:s15], [sflag:$0x1], $0x9D00, $0x38;
	[tilespmem:$0x1DA00] =	vst v63  }
.Ltmp3:
0x2c: {  	_ =	swait.ge [sflag:s16], $0x9D00;
	(pc) =	sbr.rel @p0 .LBB2_7-.Ltmp3, $4  }
0x2d: {  	[sflag:s16] =	ssyncset.done $0x0  }
0x2e: {  	[sflag:s16] =	ssyncadd.s32 $0xFFFF6300  }
0x2f: {  	[bflag:$0x0] =	sbarrier.arrive $0xFFFF  }
0x30: {  	s20 =	simm.s32 $0x0  }
0x31: {  	[tilespmem:s20], [sflag:$0x1] =	stream.linear.gather [hbm4b:s12+s20], $0x5000, $0x38;
	[tilespmem:$0x1DA00] =	vst v63  }
0x32: {  	_ =	swait.ge [sflag:s16], $0x5000  }
0x33: {  	[sflag:s16] =	ssyncset.done $0x0  }
0x34: {  	[sflag:s16] =	ssyncadd.s32 $0xFFFFB000  }
0x35: {  	[tilespmem:s17], [sflag:$0x1] =	stream.linear.gather [hbm4b:s13+s20], $0x5000, $0x38;
	[tilespmem:$0x1DA00] =	vst v63  }
0x36: {  	_ =	swait.ge [sflag:s16], $0x5000  }
0x37: {  	[sflag:s16] =	ssyncset.done $0x0  }
0x38: {  	s30 =	simm.s32 $0x0;
	[sflag:s16] =	ssyncadd.s32 $0xFFFFB000  }
0x39: {  	[tilespmem:s15], [sflag:$0x1] =	stream.indirect.gather [hbm4b:s6+s18], $0x40, s30, s18, $0xb8;
	[tilespmem:$0x1DA00] =	vst v63  }
0x3a: {  	_ =	swait.ge [sflag:s16], $0x2000  }
0x3b: {  	[sflag:s16] =	ssyncset.done $0x0  }
0x3c: {  	s31 =	simm.s32 $0x5000;
	[sflag:s16] =	ssyncadd.s32 $0xFFFFE000  }
0x3d: {  	[spmem:s4] =	stream.indirect.scatter.add.f32 [tilespmem:s15], [sflag:$0x1], $0x40, s31, s18, $0xb8;
	[tilespmem:$0x1DA00] =	vst v63  }
0x3e: {  	_ =	swait.ge [sflag:s16], $0x2000  }
0x3f: {  	s21 =	simm.s32 $0x400;
	s20 =	simm.s32 $0x200;
	[sflag:s16] =	ssyncset.done $0x0  }
.LBB2_5:
0x40: {  	s22 =	sshra.s32 s20, $0x2  }
0x41: {  	[sflag:s16] =	ssyncadd.s32 $0xFFFFE000;
	s20 =	smov.u32 s21;
	s23 =	sadd.s32 $0x200, s21  }
0x42: {  	[tilespmem:s15], [sflag:$0x1] =	stream.indirect.gather [hbm4b:s6+s18], $0x40, s22, s18, $0xb8;
	[tilespmem:$0x1DA00] =	vst v63  }
0x43: {  	p1 =	seq.s32 s21, $0x13E00;
	_ =	swait.ge [sflag:s16], $0x2000  }
.Ltmp4:
0x44: {  	[sflag:s16] =	ssyncset.done $0x0;
	(pc) =	sbr.rel @!p1 .LBB2_5-.Ltmp4, $4  }
0x45: {  	s21 =	sadd.s32 $0x5000, s22;
	[sflag:s16] =	ssyncadd.s32 $0xFFFFE000  }
0x46: {  	[spmem:s4] =	stream.indirect.scatter.add.f32 [tilespmem:s15], [sflag:$0x1], $0x40, s21, s18, $0xb8;
	[tilespmem:$0x1DA00] =	vst v63  }
0x47: {  	_ =	swait.ge [sflag:s16], $0x2000  }
0x48: {  	s21 =	smov.u32 s23;
	[sflag:s16] =	ssyncset.done $0x0  }
0x49: {  	s20 =	sshra.s32 s20, $0x2;
	[sflag:s16] =	ssyncadd.s32 $0xFFFFE000  }
0x4a: {  	[tilespmem:s15], [sflag:$0x1] =	stream.indirect.gather [hbm4b:s6+s18], $0x40, s20, s18, $0xb8;
	[tilespmem:$0x1DA00] =	vst v63  }
0x4b: {  	_ =	swait.ge [sflag:s16], $0x2000  }
0x4c: {  	[sflag:s16] =	ssyncset.done $0x0  }
.Ltmp5:
0x4d: {  	s20 =	sadd.s32 $0x5000, s20;
	[sflag:s16] =	ssyncadd.s32 $0xFFFFE000;
	(pc) =	sbr.rel .LBB2_10-.Ltmp5, $4  }
0x4e: {  	[spmem:s4] =	stream.indirect.scatter.add.f32 [tilespmem:s15], [sflag:$0x1], $0x40, s20, s18, $0xb8;
	[tilespmem:$0x1DA00] =	vst v63  }
0x4f: {  	_ =	swait.ge [sflag:s16], $0x2000  }
0x50: {  	[sflag:s16] =	ssyncset.done $0x0  }
0x51: {  	s20 =	smov.u32 s1;
	[sflag:s16] =	ssyncadd.s32 $0xFFFFE000  }
.LBB2_7:
0x52: {  	[tilespmem:s20], [sflag:$0x1] =	stream.linear.gather [hbm4b:s9+s20], $0x5000, $0x38;
	[tilespmem:$0x1DA00] =	vst v63  }
0x53: {  	_ =	swait.ge [sflag:s16], $0x5000  }
0x54: {  	[sflag:s16] =	ssyncset.done $0x0  }
0x55: {  	[sflag:s16] =	ssyncadd.s32 $0xFFFFB000  }
0x56: {  	[tilespmem:s17], [sflag:$0x1] =	stream.linear.gather [hbm4b:s10+s20], $0x5000, $0x38;
	[tilespmem:$0x1DA00] =	vst v63  }
0x57: {  	_ =	swait.ge [sflag:s16], $0x5000  }
0x58: {  	[sflag:s16] =	ssyncset.done $0x0  }
0x59: {  	s30 =	simm.s32 $0x0;
	[sflag:s16] =	ssyncadd.s32 $0xFFFFB000  }
0x5a: {  	[tilespmem:s15], [sflag:$0x1] =	stream.indirect.gather [hbm4b:s7+s18], $0x40, s30, s18, $0xb8;
	[tilespmem:$0x1DA00] =	vst v63  }
0x5b: {  	_ =	swait.ge [sflag:s16], $0x2000  }
0x5c: {  	[sflag:s16] =	ssyncset.done $0x0  }
0x5d: {  	s31 =	simm.s32 $0x5000;
	[sflag:s16] =	ssyncadd.s32 $0xFFFFE000  }
0x5e: {  	[spmem:s4] =	stream.indirect.scatter.add.f32 [tilespmem:s15], [sflag:$0x1], $0x40, s31, s18, $0xb8;
	[tilespmem:$0x1DA00] =	vst v63  }
0x5f: {  	_ =	swait.ge [sflag:s16], $0x2000  }
0x60: {  	s21 =	simm.s32 $0x400;
	s20 =	simm.s32 $0x200;
	[sflag:s16] =	ssyncset.done $0x0  }
.LBB2_8:
0x61: {  	s22 =	sshra.s32 s20, $0x2  }
0x62: {  	[sflag:s16] =	ssyncadd.s32 $0xFFFFE000;
	s20 =	smov.u32 s21;
	s23 =	sadd.s32 $0x200, s21  }
0x63: {  	[tilespmem:s15], [sflag:$0x1] =	stream.indirect.gather [hbm4b:s7+s18], $0x40, s22, s18, $0xb8;
	[tilespmem:$0x1DA00] =	vst v63  }
0x64: {  	p1 =	sne.s32 s21, $0x13E00;
	_ =	swait.ge [sflag:s16], $0x2000  }
.Ltmp6:
0x65: {  	[sflag:s16] =	ssyncset.done $0x0;
	(pc) =	sbr.rel @p1 .LBB2_8-.Ltmp6, $4  }
0x66: {  	s21 =	sadd.s32 $0x5000, s22;
	[sflag:s16] =	ssyncadd.s32 $0xFFFFE000  }
0x67: {  	[spmem:s4] =	stream.indirect.scatter.add.f32 [tilespmem:s15], [sflag:$0x1], $0x40, s21, s18, $0xb8;
	[tilespmem:$0x1DA00] =	vst v63  }
0x68: {  	_ =	swait.ge [sflag:s16], $0x2000  }
0x69: {  	s21 =	smov.u32 s23;
	[sflag:s16] =	ssyncset.done $0x0  }
.Ltmp7:
0x6a: {  	_ = 	snop;
	(pc) =	sbr.rel .LBB2_9-.Ltmp7, $1  }
0x6b: {  	_ =	sdelay $0x3  }
.LBB2_11:
0x6c: {  	_ =	sfence.sel $0x180000  }
0x6d: {  	[bflag:$0x0] =	sbarrier.arrive $0xFFFF  }
0x6e: {  	p0 =	sne.s32 s2, $0x0;
	_ =	strace $0x9000004D  }
0x6f: {  	s0 =	sadd.s32 @!p0 $0x100000, s0;
	[bflag:$0x2] =	sbarrier.arrive $0xFFFF  }
0x70: {  	[sflag:s0] =	ssyncadd.tile.s32 @!p0 $0x1;
	_ =	shalt  }
.Lfunc_end2:
_tile_overlayer_lowered:
.L_overlay_start_2:
0x71: {  	(tag) =	ssettag $0x2  }
0x72: {  	s0 =	rddreg [dreg:$0x0];
	s2 =	stileid.u32  }
0x73: {  	s1 =	rddreg [dreg:$0x1];
	p0 =	sne.s32 s2, $0x0  }
0x74: {  	s3 =	rddreg [dreg:$0x2];
	[bflag:$0x3] =	sbarrier.arrive $0xFFFF;
	s2 =	simm.s32 @!p0 $0x1C01  }
0x75: {  	[timem:s3], [sflag:s2] =	dma.local @!p0 [hbm:s0], s1  }
0x76: {  	s0 =	simm.s32 @!p0 $0x1  }
0x77: {  	_ =	swait.ge @!p0 [sflag:s0], s1  }
0x78: {  	s1 =	ssub.s32 @!p0 $0x0, s1;
	[sflag:s0] =	ssyncset.done @!p0 $0x0  }
0x79: {  	[sflag:s0] =	ssyncadd.s32 @!p0 s1  }
0x7a: {  	[bflag:$0x3] =	sbarrier.arrive $0xFFFF  }
0x7b: {  	_ =	shalt  }

</sc_bundles>
